<compile_context>
chip_gen: v7x
topology: tpu7x:2x2x1
jax: 0.10.2.dev20260603
libtpu: 0.0.44.dev20260713+nightly
codegen_flags: <defaults>
</compile_context>

<pallas_src>
import functools

import jax
import jax.numpy as jnp
from jax import lax
from jax.experimental import pallas as pl
from jax.experimental.pallas import tpu as pltpu
from jax.experimental.pallas import tpu_sc as plsc

M = 8
K = 8192
D = 256

NC = 2
NS = 16
NW = NC * NS

CB = 16
IDX = CB * M
LANES = 16
NBUF = 2


def _body(b_per_w, idx_hbm, table_hbm, out_hbm,
          idx_v, rows_bufs, out_bufs, sgs, sos):
    wid = lax.axis_index("s") * NC + lax.axis_index("c")
    base = wid * b_per_w
    n_chunks = b_per_w // CB
    n_groups = n_chunks // NBUF

    pltpu.sync_copy(idx_hbm.at[pl.ds(base * M, IDX)],
                    idx_v.at[pl.ds(0, IDX)])

    def fire_gather(c, p):
        pltpu.async_copy(
            table_hbm.at[idx_v.at[pl.ds(c * IDX, IDX)]], rows_bufs[p], sgs[p])

    def wait_gather(p):
        pltpu.make_async_copy(
            table_hbm.at[idx_v.at[pl.ds(0, IDX)]], rows_bufs[p], sgs[p]).wait()

    def out_slice(c):
        return out_hbm.at[pl.ds(base + c * CB, CB)]

    def wait_out(p):
        pltpu.make_async_copy(out_bufs[p], out_slice(0), sos[p]).wait()

    def compute(p):
        rv, ov = rows_bufs[p], out_bufs[p]

        @plsc.parallel_loop(0, CB, step=1, unroll=2)
        def row_body(r):
            for d in range(D // LANES):
                sl = pl.ds(d * LANES, LANES)
                s0 = rv[r * M + 0, sl] + rv[r * M + 1, sl]
                s1 = rv[r * M + 2, sl] + rv[r * M + 3, sl]
                s2 = rv[r * M + 4, sl] + rv[r * M + 5, sl]
                s3 = rv[r * M + 6, sl] + rv[r * M + 7, sl]
                ov[r, sl] = (s0 + s1) + (s2 + s3)

    fire_gather(0, 0)
    pltpu.sync_copy(idx_hbm.at[pl.ds(base * M + IDX, b_per_w * M - IDX)],
                    idx_v.at[pl.ds(IDX, b_per_w * M - IDX)])

    def group_body(i, carry):
        for j in range(NBUF):
            c = NBUF * i + j
            pf = (j + NBUF - 1) % NBUF

            @pl.when(c + NBUF - 1 < n_chunks)
            def _():
                fire_gather(c + NBUF - 1, pf)

            wait_gather(j)

            @pl.when(i > 0)
            def _():
                wait_out(j)

            compute(j)
            pltpu.async_copy(out_bufs[j], out_slice(c), sos[j])
        return carry

    lax.fori_loop(0, n_groups, group_body, 0, unroll=False)
    for c in range(n_groups * NBUF, n_chunks):
        p = c % NBUF
        wait_gather(p)
        wait_out(p)
        compute(p)
        pltpu.async_copy(out_bufs[p], out_slice(c), sos[p])
    for p in range(NBUF):
        wait_out(p)


@jax.jit
def kernel(pickedIndices, codebook):
    B = pickedIndices.shape[0]
    b_per_w = B // NW
    table = codebook.reshape(M * K, D)
    idx_flat = (pickedIndices + jnp.arange(M, dtype=jnp.int32)[None, :] * K
                ).reshape(B * M)

    mesh = plsc.VectorSubcoreMesh(core_axis_name="c", subcore_axis_name="s")
    run = pl.kernel(
        functools.partial(_body, b_per_w),
        out_type=jax.ShapeDtypeStruct((B, D), jnp.float32),
        mesh=mesh,
        scratch_types=[
            pltpu.VMEM((b_per_w * M,), jnp.int32),
            [pltpu.VMEM((IDX, D), jnp.float32) for _ in range(NBUF)],
            [pltpu.VMEM((CB, D), jnp.float32) for _ in range(NBUF)],
            [pltpu.SemaphoreType.DMA for _ in range(NBUF)],
            [pltpu.SemaphoreType.DMA for _ in range(NBUF)],
        ],
    )
    return run(idx_flat, table)

# --- scband reference (transcript-rebuilt; emitter-appended) ---
"""Pipeline reference for scband-codebook-86165633892691 (READ-ONLY COPY).

The authoritative reference and input builder live on the scoring server;
editing this copy changes nothing except your own understanding.
"""

import jax, jax.numpy as jnp
import numpy as np

M = 8
K = 8192
D = 256
B = 16384

def setup_inputs(seed: int = 0) -> dict:
    key = jax.random.key(seed)
    k1, k2 = jax.random.split(key)
    pickedIndices = jax.random.randint(k1, (B, M), 0, K, dtype=jnp.int32)
    codebook = jax.random.normal(k2, (M, K, D), dtype=jnp.float32)
    return {"pickedIndices": pickedIndices, "codebook": codebook}

def reference(pickedIndices, codebook):
    # codebook: [M, K, D]; pickedIndices: [B, M] with values in [0, K)
    # Equivalent of tf.gather_nd(codebook, concat([m_index, pickedIndices], -1))
    m_idx = jnp.arange(codebook.shape[0], dtype=pickedIndices.dtype)[None, :]  # [1, M]
    gathered = codebook[m_idx, pickedIndices]  # [B, M, D]
    return jnp.sum(gathered, axis=1)  # [B, D]

if __name__ == "__main__":
    import jax
    _d = setup_inputs()
    print(jax.jit(kernel)(*tuple(_d.values())))

</pallas_src>

<mosaic_0001>
#map = affine_map<(d0, d1) -> (0)>
#map1 = affine_map<(d0, d1) -> (0, 0)>
module attributes {stable_mosaic.version = 14 : i64} {
  func.func @_body(%arg0: i32, %arg1: i32, %arg2: memref<131072xi32, #tpu.memory_space<hbm>>, %arg3: memref<65536x256xf32, #tpu.memory_space<hbm>>, %arg4: memref<16384x256xf32, #tpu.memory_space<hbm>>, %arg5: memref<4096xi32, #tpu.memory_space<vmem>>, %arg6: memref<128x256xf32, #tpu.memory_space<vmem>>, %arg7: memref<128x256xf32, #tpu.memory_space<vmem>>, %arg8: memref<16x256xf32, #tpu.memory_space<vmem>>, %arg9: memref<16x256xf32, #tpu.memory_space<vmem>>, %arg10: memref<!tpu.dma_semaphore, #tpu.memory_space<semaphore_mem>>, %arg11: memref<!tpu.dma_semaphore, #tpu.memory_space<semaphore_mem>>, %arg12: memref<!tpu.dma_semaphore, #tpu.memory_space<semaphore_mem>>, %arg13: memref<!tpu.dma_semaphore, #tpu.memory_space<semaphore_mem>>) attributes {dimension_semantics = [#tpu.dimension_semantics<core_parallel>, #tpu.dimension_semantics<subcore_parallel>], iteration_bounds = array<i64: 2, 16>, scalar_prefetch = 0 : i64, scratch_operands = 9 : i64, tpu.core_type = #tpu.core_type<sc_vector_subcore>, window_params = [{transform_indices = #map}, {transform_indices = #map1}, {transform_indices = #map1}]} {
    %mul3A = arith.constant 2 : i32
    %mul3A_0 = arith.muli %arg1, %mul3A : i32
    %add3A = arith.addi %mul3A_0, %arg0 : i32
    %mul3A_1 = arith.constant 512 : i32
    %mul3A_2 = arith.muli %add3A, %mul3A_1 : i32
    %mul3A_3 = arith.constant 8 : i32
    %mul3A_4 = arith.muli %mul3A_2, %mul3A_3 : i32
    "tpu.region"() ({
      %run_scoped3A = tpu.sem_alloc : memref<!tpu.dma_semaphore, #tpu.memory_space<semaphore_mem>>
      %dma_start3A_29 = arith.constant 0 : i32
      %dma_start3A_30 = tpu.memref_slice %arg5[%dma_start3A_29] : memref<4096xi32, #tpu.memory_space<vmem>> -> memref<128xi32, #tpu.memory_space<vmem>>
      %dma_start3A_31 = tpu.memref_slice %arg2[%mul3A_4] : memref<131072xi32, #tpu.memory_space<hbm>> -> memref<128xi32, #tpu.memory_space<hbm>>
      %dma_start3A_32 = arith.constant 0 : i32
      %dma_start3A_33 = tpu.memref_slice %arg5[%dma_start3A_32] : memref<4096xi32, #tpu.memory_space<vmem>> -> memref<128xi32, #tpu.memory_space<vmem>>
      %dma_start3A_34 = tpu.memref_slice %arg2[%mul3A_4] : memref<131072xi32, #tpu.memory_space<hbm>> -> memref<128xi32, #tpu.memory_space<hbm>>
      tpu.enqueue_dma source(%dma_start3A_34 : memref<128xi32, #tpu.memory_space<hbm>>) target(%dma_start3A_33 : memref<128xi32, #tpu.memory_space<vmem>>) target_semaphore(%run_scoped3A : memref<!tpu.dma_semaphore, #tpu.memory_space<semaphore_mem>>)
      %dma_wait3A_35 = arith.constant 0 : i32
      %dma_wait3A_36 = tpu.memref_slice %arg5[%dma_wait3A_35] : memref<4096xi32, #tpu.memory_space<vmem>> -> memref<128xi32, #tpu.memory_space<vmem>>
      %dma_wait3A_37 = tpu.memref_slice %arg2[%mul3A_4] : memref<131072xi32, #tpu.memory_space<hbm>> -> memref<128xi32, #tpu.memory_space<hbm>>
      %dma_wait3A_38 = arith.constant 0 : i32
      %dma_wait3A_39 = tpu.memref_slice %arg5[%dma_wait3A_38] : memref<4096xi32, #tpu.memory_space<vmem>> -> memref<128xi32, #tpu.memory_space<vmem>>
      %dma_wait3A_40 = tpu.memref_slice %arg2[%mul3A_4] : memref<131072xi32, #tpu.memory_space<hbm>> -> memref<128xi32, #tpu.memory_space<hbm>>
      tpu.wait_dma2 semaphore(%run_scoped3A : memref<!tpu.dma_semaphore, #tpu.memory_space<semaphore_mem>>) src(%dma_wait3A_40 : memref<128xi32, #tpu.memory_space<hbm>>) dst(%dma_wait3A_39 : memref<128xi32, #tpu.memory_space<vmem>>)
      tpu.yield
    }) : () -> ()
    %dma_start3A = arith.constant 0 : i32
    %dma_start3A_5 = tpu.memref_slice %arg5[%dma_start3A] : memref<4096xi32, #tpu.memory_space<vmem>> -> memref<128xi32, #tpu.memory_space<vmem>>
    %dma_start3A_6 = arith.constant 0 : i32
    %dma_start3A_7 = arith.constant 0 : i32
    %dma_start3A_8 = tpu.memref_slice %arg3[%dma_start3A_6, %dma_start3A_7] : memref<65536x256xf32, #tpu.memory_space<hbm>> -> memref<65536x256xf32, #tpu.memory_space<hbm>>
    tpu.enqueue_indirect_dma source(%dma_start3A_8 : memref<65536x256xf32, #tpu.memory_space<hbm>>) target(%arg6 : memref<128x256xf32, #tpu.memory_space<vmem>>) offsets(%dma_start3A_5 : memref<128xi32, #tpu.memory_space<vmem>>) semaphore(%arg10 : memref<!tpu.dma_semaphore, #tpu.memory_space<semaphore_mem>>)
    %mul3A_9 = arith.constant 8 : i32
    %mul3A_10 = arith.muli %mul3A_2, %mul3A_9 : i32
    %add3A_11 = arith.constant 128 : i32
    %add3A_12 = arith.addi %mul3A_10, %add3A_11 : i32
    "tpu.region"() ({
      %run_scoped3A = tpu.sem_alloc : memref<!tpu.dma_semaphore, #tpu.memory_space<semaphore_mem>>
      %dma_start3A_29 = arith.constant 128 : i32
      %dma_start3A_30 = tpu.memref_slice %arg5[%dma_start3A_29] : memref<4096xi32, #tpu.memory_space<vmem>> -> memref<3968xi32, #tpu.memory_space<vmem>>
      %dma_start3A_31 = tpu.memref_slice %arg2[%add3A_12] : memref<131072xi32, #tpu.memory_space<hbm>> -> memref<3968xi32, #tpu.memory_space<hbm>>
      %dma_start3A_32 = arith.constant 128 : i32
      %dma_start3A_33 = tpu.memref_slice %arg5[%dma_start3A_32] : memref<4096xi32, #tpu.memory_space<vmem>> -> memref<3968xi32, #tpu.memory_space<vmem>>
      %dma_start3A_34 = tpu.memref_slice %arg2[%add3A_12] : memref<131072xi32, #tpu.memory_space<hbm>> -> memref<3968xi32, #tpu.memory_space<hbm>>
      tpu.enqueue_dma source(%dma_start3A_34 : memref<3968xi32, #tpu.memory_space<hbm>>) target(%dma_start3A_33 : memref<3968xi32, #tpu.memory_space<vmem>>) target_semaphore(%run_scoped3A : memref<!tpu.dma_semaphore, #tpu.memory_space<semaphore_mem>>)
      %dma_wait3A_35 = arith.constant 128 : i32
      %dma_wait3A_36 = tpu.memref_slice %arg5[%dma_wait3A_35] : memref<4096xi32, #tpu.memory_space<vmem>> -> memref<3968xi32, #tpu.memory_space<vmem>>
      %dma_wait3A_37 = tpu.memref_slice %arg2[%add3A_12] : memref<131072xi32, #tpu.memory_space<hbm>> -> memref<3968xi32, #tpu.memory_space<hbm>>
      %dma_wait3A_38 = arith.constant 128 : i32
      %dma_wait3A_39 = tpu.memref_slice %arg5[%dma_wait3A_38] : memref<4096xi32, #tpu.memory_space<vmem>> -> memref<3968xi32, #tpu.memory_space<vmem>>
      %dma_wait3A_40 = tpu.memref_slice %arg2[%add3A_12] : memref<131072xi32, #tpu.memory_space<hbm>> -> memref<3968xi32, #tpu.memory_space<hbm>>
      tpu.wait_dma2 semaphore(%run_scoped3A : memref<!tpu.dma_semaphore, #tpu.memory_space<semaphore_mem>>) src(%dma_wait3A_40 : memref<3968xi32, #tpu.memory_space<hbm>>) dst(%dma_wait3A_39 : memref<3968xi32, #tpu.memory_space<vmem>>)
      tpu.yield
    }) : () -> ()
    %scan3A = arith.constant 0 : i32
    %scan3A_13 = arith.constant 0 : i32
    %scan3A_14 = arith.constant 16 : i32
    %scan3A_15 = arith.addi %scan3A_13, %scan3A_14 : i32
    %scan3A_16 = arith.constant 1 : i32
    scf.for %scan3A_29 = %scan3A_13 to %scan3A_15 step %scan3A_16  : i32 {
      %mul3A_30 = arith.constant 2 : i32
      %mul3A_31 = arith.muli %mul3A_30, %scan3A_29 : i32
      %add3A_32 = arith.constant 0 : i32
      %add3A_33 = arith.addi %mul3A_31, %add3A_32 : i32
      %add3A_34 = arith.constant 2 : i32
      %add3A_35 = arith.addi %add3A_33, %add3A_34 : i32
      %sub3A = arith.constant 1 : i32
      %sub3A_36 = arith.subi %add3A_35, %sub3A : i32
      %lt3A = arith.constant 32 : i32
      %lt3A_37 = arith.cmpi slt, %sub3A_36, %lt3A : i32
      %convert_element_type3A = arith.extui %lt3A_37 : i1 to i32
      %cond3A = arith.constant 0 : i32
      %cond3A_38 = arith.cmpi ne, %convert_element_type3A, %cond3A : i32
      scf.if %cond3A_38 {
        %add3A_90 = arith.constant 2 : i32
        %add3A_91 = arith.addi %add3A_33, %add3A_90 : i32
        %sub3A_92 = arith.constant 1 : i32
        %sub3A_93 = arith.subi %add3A_91, %sub3A_92 : i32
        %mul3A_94 = arith.constant 128 : i32
        %mul3A_95 = arith.muli %sub3A_93, %mul3A_94 : i32
        %dma_start3A_96 = tpu.memref_slice %arg5[%mul3A_95] : memref<4096xi32, #tpu.memory_space<vmem>> -> memref<128xi32, #tpu.memory_space<vmem>>
        %dma_start3A_97 = arith.constant 0 : i32
        %dma_start3A_98 = arith.constant 0 : i32
        %dma_start3A_99 = tpu.memref_slice %arg3[%dma_start3A_97, %dma_start3A_98] : memref<65536x256xf32, #tpu.memory_space<hbm>> -> memref<65536x256xf32, #tpu.memory_space<hbm>>
        tpu.enqueue_indirect_dma source(%dma_start3A_99 : memref<65536x256xf32, #tpu.memory_space<hbm>>) target(%arg7 : memref<128x256xf32, #tpu.memory_space<vmem>>) offsets(%dma_start3A_96 : memref<128xi32, #tpu.memory_space<vmem>>) semaphore(%arg11 : memref<!tpu.dma_semaphore, #tpu.memory_space<semaphore_mem>>)
      } else {
      }
      %dma_wait3A_39 = arith.constant 0 : i32
      %dma_wait3A_40 = tpu.memref_slice %arg5[%dma_wait3A_39] : memref<4096xi32, #tpu.memory_space<vmem>> -> memref<128xi32, #tpu.memory_space<vmem>>
      %dma_wait3A_41 = arith.constant 0 : i32
      %dma_wait3A_42 = arith.constant 0 : i32
      %dma_wait3A_43 = tpu.memref_slice %arg3[%dma_wait3A_41, %dma_wait3A_42] : memref<65536x256xf32, #tpu.memory_space<hbm>> -> memref<65536x256xf32, #tpu.memory_space<hbm>>
      tpu.wait_indirect_dma semaphore(%arg10 : memref<!tpu.dma_semaphore, #tpu.memory_space<semaphore_mem>>) src(%dma_wait3A_43 : memref<65536x256xf32, #tpu.memory_space<hbm>>) dst(%arg6 : memref<128x256xf32, #tpu.memory_space<vmem>>)
      %gt3A = arith.constant 0 : i32
      %gt3A_44 = arith.cmpi sgt, %scan3A_29, %gt3A : i32
      %convert_element_type3A_45 = arith.extui %gt3A_44 : i1 to i32
      %cond3A_46 = arith.constant 0 : i32
      %cond3A_47 = arith.cmpi ne, %convert_element_type3A_45, %cond3A_46 : i32
      scf.if %cond3A_47 {
        %add3A_90 = arith.constant 0 : i32
        %add3A_91 = arith.addi %mul3A_2, %add3A_90 : i32
        %dma_wait3A_92 = arith.constant 0 : i32
        %dma_wait3A_93 = tpu.memref_slice %arg4[%add3A_91, %dma_wait3A_92] : memref<16384x256xf32, #tpu.memory_space<hbm>> -> memref<16x256xf32, #tpu.memory_space<hbm>>
        %dma_wait3A_94 = arith.constant 0 : i32
        %dma_wait3A_95 = tpu.memref_slice %arg4[%add3A_91, %dma_wait3A_94] : memref<16384x256xf32, #tpu.memory_space<hbm>> -> memref<16x256xf32, #tpu.memory_space<hbm>>
        tpu.wait_dma2 semaphore(%arg12 : memref<!tpu.dma_semaphore, #tpu.memory_space<semaphore_mem>>) src(%arg8 : memref<16x256xf32, #tpu.memory_space<vmem>>) dst(%dma_wait3A_95 : memref<16x256xf32, #tpu.memory_space<hbm>>)
      } else {
      }
      %parallel_loop3A = arith.constant 0 : i32
      %parallel_loop3A_48 = arith.constant 16 : i32
      %parallel_loop3A_49 = arith.constant 1 : i32
      scf.for %parallel_loop3A_90 = %parallel_loop3A to %parallel_loop3A_48 step %parallel_loop3A_49  : i32 {
        %parallel_loop3A_91 = arith.constant 8 : i32
        %parallel_loop3A_92 = arith.muli %parallel_loop3A_90, %parallel_loop3A_91 : i32
        %parallel_loop3A_93 = arith.constant 0 : i32
        %parallel_loop3A_94 = arith.addi %parallel_loop3A_92, %parallel_loop3A_93 : i32
        %parallel_loop3A_95 = arith.index_cast %parallel_loop3A_94 : i32 to index
        %parallel_loop3A_96 = arith.constant 0 : index
        %parallel_loop3A_97 = tpu.vector_load %arg6[%parallel_loop3A_95, %parallel_loop3A_96] {strides = array<i32>} : memref<128x256xf32, #tpu.memory_space<vmem>>, vector<1x16xf32>,
        %parallel_loop3A_98 = vector.shape_cast %parallel_loop3A_97 : vector<1x16xf32> to vector<16xf32>
        %parallel_loop3A_99 = arith.constant 8 : i32
        %parallel_loop3A_100 = arith.muli %parallel_loop3A_90, %parallel_loop3A_99 : i32
        %parallel_loop3A_101 = arith.constant 1 : i32
        %parallel_loop3A_102 = arith.addi %parallel_loop3A_100, %parallel_loop3A_101 : i32
        %parallel_loop3A_103 = arith.index_cast %parallel_loop3A_102 : i32 to index
        %parallel_loop3A_104 = arith.constant 0 : index
        %parallel_loop3A_105 = tpu.vector_load %arg6[%parallel_loop3A_103, %parallel_loop3A_104] {strides = array<i32>} : memref<128x256xf32, #tpu.memory_space<vmem>>, vector<1x16xf32>,
        %parallel_loop3A_106 = vector.shape_cast %parallel_loop3A_105 : vector<1x16xf32> to vector<16xf32>
        %parallel_loop3A_107 = arith.addf %parallel_loop3A_98, %parallel_loop3A_106 : vector<16xf32>
        %parallel_loop3A_108 = arith.constant 8 : i32
        %parallel_loop3A_109 = arith.muli %parallel_loop3A_90, %parallel_loop3A_108 : i32
        %parallel_loop3A_110 = arith.constant 2 : i32
        %parallel_loop3A_111 = arith.addi %parallel_loop3A_109, %parallel_loop3A_110 : i32
        %parallel_loop3A_112 = arith.index_cast %parallel_loop3A_111 : i32 to index
        %parallel_loop3A_113 = arith.constant 0 : index
        %parallel_loop3A_114 = tpu.vector_load %arg6[%parallel_loop3A_112, %parallel_loop3A_113] {strides = array<i32>} : memref<128x256xf32, #tpu.memory_space<vmem>>, vector<1x16xf32>,
        %parallel_loop3A_115 = vector.shape_cast %parallel_loop3A_114 : vector<1x16xf32> to vector<16xf32>
        %parallel_loop3A_116 = arith.constant 8 : i32
        %parallel_loop3A_117 = arith.muli %parallel_loop3A_90, %parallel_loop3A_116 : i32
        %parallel_loop3A_118 = arith.constant 3 : i32
        %parallel_loop3A_119 = arith.addi %parallel_loop3A_117, %parallel_loop3A_118 : i32
        %parallel_loop3A_120 = arith.index_cast %parallel_loop3A_119 : i32 to index
        %parallel_loop3A_121 = arith.constant 0 : index
        %parallel_loop3A_122 = tpu.vector_load %arg6[%parallel_loop3A_120, %parallel_loop3A_121] {strides = array<i32>} : memref<128x256xf32, #tpu.memory_space<vmem>>, vector<1x16xf32>,
        %parallel_loop3A_123 = vector.shape_cast %parallel_loop3A_122 : vector<1x16xf32> to vector<16xf32>
        %parallel_loop3A_124 = arith.addf %parallel_loop3A_115, %parallel_loop3A_123 : vector<16xf32>
        %parallel_loop3A_125 = arith.constant 8 : i32
        %parallel_loop3A_126 = arith.muli %parallel_loop3A_90, %parallel_loop3A_125 : i32
        %parallel_loop3A_127 = arith.constant 4 : i32
        %parallel_loop3A_128 = arith.addi %parallel_loop3A_126, %parallel_loop3A_127 : i32
        %parallel_loop3A_129 = arith.index_cast %parallel_loop3A_128 : i32 to index
        %parallel_loop3A_130 = arith.constant 0 : index
        %parallel_loop3A_131 = tpu.vector_load %arg6[%parallel_loop3A_129, %parallel_loop3A_130] {strides = array<i32>} : memref<128x256xf32, #tpu.memory_space<vmem>>, vector<1x16xf32>,
        %parallel_loop3A_132 = vector.shape_cast %parallel_loop3A_131 : vector<1x16xf32> to vector<16xf32>
        %parallel_loop3A_133 = arith.constant 8 : i32
        %parallel_loop3A_134 = arith.muli %parallel_loop3A_90, %parallel_loop3A_133 : i32
        %parallel_loop3A_135 = arith.constant 5 : i32
        %parallel_loop3A_136 = arith.addi %parallel_loop3A_134, %parallel_loop3A_135 : i32
        %parallel_loop3A_137 = arith.index_cast %parallel_loop3A_136 : i32 to index
        %parallel_loop3A_138 = arith.constant 0 : index
        %parallel_loop3A_139 = tpu.vector_load %arg6[%parallel_loop3A_137, %parallel_loop3A_138] {strides = array<i32>} : memref<128x256xf32, #tpu.memory_space<vmem>>, vector<1x16xf32>,
        %parallel_loop3A_140 = vector.shape_cast %parallel_loop3A_139 : vector<1x16xf32> to vector<16xf32>
        %parallel_loop3A_141 = arith.addf %parallel_loop3A_132, %parallel_loop3A_140 : vector<16xf32>
        %parallel_loop3A_142 = arith.constant 8 : i32
        %parallel_loop3A_143 = arith.muli %parallel_loop3A_90, %parallel_loop3A_142 : i32
        %parallel_loop3A_144 = arith.constant 6 : i32
        %parallel_loop3A_145 = arith.addi %parallel_loop3A_143, %parallel_loop3A_144 : i32
        %parallel_loop3A_146 = arith.index_cast %parallel_loop3A_145 : i32 to index
        %parallel_loop3A_147 = arith.constant 0 : index
        %parallel_loop3A_148 = tpu.vector_load %arg6[%parallel_loop3A_146, %parallel_loop3A_147] {strides = array<i32>} : memref<128x256xf32, #tpu.memory_space<vmem>>, vector<1x16xf32>,
        %parallel_loop3A_149 = vector.shape_cast %parallel_loop3A_148 : vector<1x16xf32> to vector<16xf32>
        %parallel_loop3A_150 = arith.constant 8 : i32
        %parallel_loop3A_151 = arith.muli %parallel_loop3A_90, %parallel_loop3A_150 : i32
        %parallel_loop3A_152 = arith.constant 7 : i32
        %parallel_loop3A_153 = arith.addi %parallel_loop3A_151, %parallel_loop3A_152 : i32
        %parallel_loop3A_154 = arith.index_cast %parallel_loop3A_153 : i32 to index
        %parallel_loop3A_155 = arith.constant 0 : index
        %parallel_loop3A_156 = tpu.vector_load %arg6[%parallel_loop3A_154, %parallel_loop3A_155] {strides = array<i32>} : memref<128x256xf32, #tpu.memory_space<vmem>>, vector<1x16xf32>,
        %parallel_loop3A_157 = vector.shape_cast %parallel_loop3A_156 : vector<1x16xf32> to vector<16xf32>
        %parallel_loop3A_158 = arith.addf %parallel_loop3A_149, %parallel_loop3A_157 : vector<16xf32>
        %parallel_loop3A_159 = arith.addf %parallel_loop3A_107, %parallel_loop3A_124 : vector<16xf32>
        %parallel_loop3A_160 = arith.addf %parallel_loop3A_141, %parallel_loop3A_158 : vector<16xf32>
        %parallel_loop3A_161 = arith.addf %parallel_loop3A_159, %parallel_loop3A_160 : vector<16xf32>
        %parallel_loop3A_162 = arith.index_cast %parallel_loop3A_90 : i32 to index
        %parallel_loop3A_163 = arith.constant 0 : index
        %parallel_loop3A_164 = tpu.vector_load %arg8[%parallel_loop3A_162, %parallel_loop3A_163] {strides = array<i32>} : memref<16x256xf32, #tpu.memory_space<vmem>>, vector<1x16xf32>,
        %parallel_loop3A_165 = vector.shape_cast %parallel_loop3A_164 : vector<1x16xf32> to vector<16xf32>
        %parallel_loop3A_166 = vector.shape_cast %parallel_loop3A_161 : vector<16xf32> to vector<1x16xf32>
        tpu.vector_store %arg8[%parallel_loop3A_162, %parallel_loop3A_163], %parallel_loop3A_166 {strides = array<i32>} : memref<16x256xf32, #tpu.memory_space<vmem>>, vector<1x16xf32>,
        %parallel_loop3A_167 = arith.constant 8 : i32
        %parallel_loop3A_168 = arith.muli %parallel_loop3A_90, %parallel_loop3A_167 : i32
        %parallel_loop3A_169 = arith.constant 0 : i32
        %parallel_loop3A_170 = arith.addi %parallel_loop3A_168, %parallel_loop3A_169 : i32
        %parallel_loop3A_171 = arith.index_cast %parallel_loop3A_170 : i32 to index
        %parallel_loop3A_172 = arith.constant 16 : index
        %parallel_loop3A_173 = tpu.vector_load %arg6[%parallel_loop3A_171, %parallel_loop3A_172] {strides = array<i32>} : memref<128x256xf32, #tpu.memory_space<vmem>>, vector<1x16xf32>,
        %parallel_loop3A_174 = vector.shape_cast %parallel_loop3A_173 : vector<1x16xf32> to vector<16xf32>
        %parallel_loop3A_175 = arith.constant 8 : i32
        %parallel_loop3A_176 = arith.muli %parallel_loop3A_90, %parallel_loop3A_175 : i32
        %parallel_loop3A_177 = arith.constant 1 : i32
        %parallel_loop3A_178 = arith.addi %parallel_loop3A_176, %parallel_loop3A_177 : i32
        %parallel_loop3A_179 = arith.index_cast %parallel_loop3A_178 : i32 to index
        %parallel_loop3A_180 = arith.constant 16 : index
        %parallel_loop3A_181 = tpu.vector_load %arg6[%parallel_loop3A_179, %parallel_loop3A_180] {strides = array<i32>} : memref<128x256xf32, #tpu.memory_space<vmem>>, vector<1x16xf32>,
        %parallel_loop3A_182 = vector.shape_cast %parallel_loop3A_181 : vector<1x16xf32> to vector<16xf32>
        %parallel_loop3A_183 = arith.addf %parallel_loop3A_174, %parallel_loop3A_182 : vector<16xf32>
        %parallel_loop3A_184 = arith.constant 8 : i32
        %parallel_loop3A_185 = arith.muli %parallel_loop3A_90, %parallel_loop3A_184 : i32
        %parallel_loop3A_186 = arith.constant 2 : i32
        %parallel_loop3A_187 = arith.addi %parallel_loop3A_185, %parallel_loop3A_186 : i32
        %parallel_loop3A_188 = arith.index_cast %parallel_loop3A_187 : i32 to index
        %parallel_loop3A_189 = arith.constant 16 : index
        %parallel_loop3A_190 = tpu.vector_load %arg6[%parallel_loop3A_188, %parallel_loop3A_189] {strides = array<i32>} : memref<128x256xf32, #tpu.memory_space<vmem>>, vector<1x16xf32>,
        %parallel_loop3A_191 = vector.shape_cast %parallel_loop3A_190 : vector<1x16xf32> to vector<16xf32>
        %parallel_loop3A_192 = arith.constant 8 : i32
        %parallel_loop3A_193 = arith.muli %parallel_loop3A_90, %parallel_loop3A_192 : i32
        %parallel_loop3A_194 = arith.constant 3 : i32
        %parallel_loop3A_195 = arith.addi %parallel_loop3A_193, %parallel_loop3A_194 : i32
        %parallel_loop3A_196 = arith.index_cast %parallel_loop3A_195 : i32 to index
        %parallel_loop3A_197 = arith.constant 16 : index
        %parallel_loop3A_198 = tpu.vector_load %arg6[%parallel_loop3A_196, %parallel_loop3A_197] {strides = array<i32>} : memref<128x256xf32, #tpu.memory_space<vmem>>, vector<1x16xf32>,
        %parallel_loop3A_199 = vector.shape_cast %parallel_loop3A_198 : vector<1x16xf32> to vector<16xf32>
        %parallel_loop3A_200 = arith.addf %parallel_loop3A_191, %parallel_loop3A_199 : vector<16xf32>
        %parallel_loop3A_201 = arith.constant 8 : i32
        %parallel_loop3A_202 = arith.muli %parallel_loop3A_90, %parallel_loop3A_201 : i32
        %parallel_loop3A_203 = arith.constant 4 : i32
        %parallel_loop3A_204 = arith.addi %parallel_loop3A_202, %parallel_loop3A_203 : i32
        %parallel_loop3A_205 = arith.index_cast %parallel_loop3A_204 : i32 to index
        %parallel_loop3A_206 = arith.constant 16 : index
        %parallel_loop3A_207 = tpu.vector_load %arg6[%parallel_loop3A_205, %parallel_loop3A_206] {strides = array<i32>} : memref<128x256xf32, #tpu.memory_space<vmem>>, vector<1x16xf32>,
        %parallel_loop3A_208 = vector.shape_cast %parallel_loop3A_207 : vector<1x16xf32> to vector<16xf32>
        %parallel_loop3A_209 = arith.constant 8 : i32
        %parallel_loop3A_210 = arith.muli %parallel_loop3A_90, %parallel_loop3A_209 : i32
        %parallel_loop3A_211 = arith.constant 5 : i32
        %parallel_loop3A_212 = arith.addi %parallel_loop3A_210, %parallel_loop3A_211 : i32
        %parallel_loop3A_213 = arith.index_cast %parallel_loop3A_212 : i32 to index
        %parallel_loop3A_214 = arith.constant 16 : index
        %parallel_loop3A_215 = tpu.vector_load %arg6[%parallel_loop3A_213, %parallel_loop3A_214] {strides = array<i32>} : memref<128x256xf32, #tpu.memory_space<vmem>>, vector<1x16xf32>,
        %parallel_loop3A_216 = vector.shape_cast %parallel_loop3A_215 : vector<1x16xf32> to vector<16xf32>
        %parallel_loop3A_217 = arith.addf %parallel_loop3A_208, %parallel_loop3A_216 : vector<16xf32>
        %parallel_loop3A_218 = arith.constant 8 : i32
        %parallel_loop3A_219 = arith.muli %parallel_loop3A_90, %parallel_loop3A_218 : i32
        %parallel_loop3A_220 = arith.constant 6 : i32
        %parallel_loop3A_221 = arith.addi %parallel_loop3A_219, %parallel_loop3A_220 : i32
        %parallel_loop3A_222 = arith.index_cast %parallel_loop3A_221 : i32 to index
        %parallel_loop3A_223 = arith.constant 16 : index
        %parallel_loop3A_224 = tpu.vector_load %arg6[%parallel_loop3A_222, %parallel_loop3A_223] {strides = array<i32>} : memref<128x256xf32, #tpu.memory_space<vmem>>, vector<1x16xf32>,
        %parallel_loop3A_225 = vector.shape_cast %parallel_loop3A_224 : vector<1x16xf32> to vector<16xf32>
        %parallel_loop3A_226 = arith.constant 8 : i32
        %parallel_loop3A_227 = arith.muli %parallel_loop3A_90, %parallel_loop3A_226 : i32
        %parallel_loop3A_228 = arith.constant 7 : i32
        %parallel_loop3A_229 = arith.addi %parallel_loop3A_227, %parallel_loop3A_228 : i32
        %parallel_loop3A_230 = arith.index_cast %parallel_loop3A_229 : i32 to index
        %parallel_loop3A_231 = arith.constant 16 : index
        %parallel_loop3A_232 = tpu.vector_load %arg6[%parallel_loop3A_230, %parallel_loop3A_231] {strides = array<i32>} : memref<128x256xf32, #tpu.memory_space<vmem>>, vector<1x16xf32>,
        %parallel_loop3A_233 = vector.shape_cast %parallel_loop3A_232 : vector<1x16xf32> to vector<16xf32>
        %parallel_loop3A_234 = arith.addf %parallel_loop3A_225, %parallel_loop3A_233 : vector<16xf32>
        %parallel_loop3A_235 = arith.addf %parallel_loop3A_183, %parallel_loop3A_200 : vector<16xf32>
        %parallel_loop3A_236 = arith.addf %parallel_loop3A_217, %parallel_loop3A_234 : vector<16xf32>
        %parallel_loop3A_237 = arith.addf %parallel_loop3A_235, %parallel_loop3A_236 : vector<16xf32>
        %parallel_loop3A_238 = arith.index_cast %parallel_loop3A_90 : i32 to index
        %parallel_loop3A_239 = arith.constant 16 : index
        %parallel_loop3A_240 = tpu.vector_load %arg8[%parallel_loop3A_238, %parallel_loop3A_239] {strides = array<i32>} : memref<16x256xf32, #tpu.memory_space<vmem>>, vector<1x16xf32>,
        %parallel_loop3A_241 = vector.shape_cast %parallel_loop3A_240 : vector<1x16xf32> to vector<16xf32>
        %parallel_loop3A_242 = vector.shape_cast %parallel_loop3A_237 : vector<16xf32> to vector<1x16xf32>
        tpu.vector_store %arg8[%parallel_loop3A_238, %parallel_loop3A_239], %parallel_loop3A_242 {strides = array<i32>} : memref<16x256xf32, #tpu.memory_space<vmem>>, vector<1x16xf32>,
        %parallel_loop3A_243 = arith.constant 8 : i32
        %parallel_loop3A_244 = arith.muli %parallel_loop3A_90, %parallel_loop3A_243 : i32
        %parallel_loop3A_245 = arith.constant 0 : i32
        %parallel_loop3A_246 = arith.addi %parallel_loop3A_244, %parallel_loop3A_245 : i32
        %parallel_loop3A_247 = arith.index_cast %parallel_loop3A_246 : i32 to index
        %parallel_loop3A_248 = arith.constant 32 : index
        %parallel_loop3A_249 = tpu.vector_load %arg6[%parallel_loop3A_247, %parallel_loop3A_248] {strides = array<i32>} : memref<128x256xf32, #tpu.memory_space<vmem>>, vector<1x16xf32>,
        %parallel_loop3A_250 = vector.shape_cast %parallel_loop3A_249 : vector<1x16xf32> to vector<16xf32>
        %parallel_loop3A_251 = arith.constant 8 : i32
        %parallel_loop3A_252 = arith.muli %parallel_loop3A_90, %parallel_loop3A_251 : i32
        %parallel_loop3A_253 = arith.constant 1 : i32
        %parallel_loop3A_254 = arith.addi %parallel_loop3A_252, %parallel_loop3A_253 : i32
        %parallel_loop3A_255 = arith.index_cast %parallel_loop3A_254 : i32 to index
        %parallel_loop3A_256 = arith.constant 32 : index
        %parallel_loop3A_257 = tpu.vector_load %arg6[%parallel_loop3A_255, %parallel_loop3A_256] {strides = array<i32>} : memref<128x256xf32, #tpu.memory_space<vmem>>, vector<1x16xf32>,
        %parallel_loop3A_258 = vector.shape_cast %parallel_loop3A_257 : vector<1x16xf32> to vector<16xf32>
        %parallel_loop3A_259 = arith.addf %parallel_loop3A_250, %parallel_loop3A_258 : vector<16xf32>
        %parallel_loop3A_260 = arith.constant 8 : i32
        %parallel_loop3A_261 = arith.muli %parallel_loop3A_90, %parallel_loop3A_260 : i32
        %parallel_loop3A_262 = arith.constant 2 : i32
        %parallel_loop3A_263 = arith.addi %parallel_loop3A_261, %parallel_loop3A_262 : i32
        %parallel_loop3A_264 = arith.index_cast %parallel_loop3A_263 : i32 to index
        %parallel_loop3A_265 = arith.constant 32 : index
        %parallel_loop3A_266 = tpu.vector_load %arg6[%parallel_loop3A_264, %parallel_loop3A_265] {strides = array<i32>} : memref<128x256xf32, #tpu.memory_space<vmem>>, vector<1x16xf32>,
        %parallel_loop3A_267 = vector.shape_cast %parallel_loop3A_266 : vector<1x16xf32> to vector<16xf32>
        %parallel_loop3A_268 = arith.constant 8 : i32
        %parallel_loop3A_269 = arith.muli %parallel_loop3A_90, %parallel_loop3A_268 : i32
        %parallel_loop3A_270 = arith.constant 3 : i32
        %parallel_loop3A_271 = arith.addi %parallel_loop3A_269, %parallel_loop3A_270 : i32
        %parallel_loop3A_272 = arith.index_cast %parallel_loop3A_271 : i32 to index
        %parallel_loop3A_273 = arith.constant 32 : index
        %parallel_loop3A_274 = tpu.vector_load %arg6[%parallel_loop3A_272, %parallel_loop3A_273] {strides = array<i32>} : memref<128x256xf32, #tpu.memory_space<vmem>>, vector<1x16xf32>,
        %parallel_loop3A_275 = vector.shape_cast %parallel_loop3A_274 : vector<1x16xf32> to vector<16xf32>
        %parallel_loop3A_276 = arith.addf %parallel_loop3A_267, %parallel_loop3A_275 : vector<16xf32>
        %parallel_loop3A_277 = arith.constant 8 : i32
        %parallel_loop3A_278 = arith.muli %parallel_loop3A_90, %parallel_loop3A_277 : i32
        %parallel_loop3A_279 = arith.constant 4 : i32
        %parallel_loop3A_280 = arith.addi %parallel_loop3A_278, %parallel_loop3A_279 : i32
        %parallel_loop3A_281 = arith.index_cast %parallel_loop3A_280 : i32 to index
        %parallel_loop3A_282 = arith.constant 32 : index
        %parallel_loop3A_283 = tpu.vector_load %arg6[%parallel_loop3A_281, %parallel_loop3A_282] {strides = array<i32>} : memref<128x256xf32, #tpu.memory_space<vmem>>, vector<1x16xf32>,
        %parallel_loop3A_284 = vector.shape_cast %parallel_loop3A_283 : vector<1x16xf32> to vector<16xf32>
        %parallel_loop3A_285 = arith.constant 8 : i32
        %parallel_loop3A_286 = arith.muli %parallel_loop3A_90, %parallel_loop3A_285 : i32
        %parallel_loop3A_287 = arith.constant 5 : i32
        %parallel_loop3A_288 = arith.addi %parallel_loop3A_286, %parallel_loop3A_287 : i32
        %parallel_loop3A_289 = arith.index_cast %parallel_loop3A_288 : i32 to index
        %parallel_loop3A_290 = arith.constant 32 : index
        %parallel_loop3A_291 = tpu.vector_load %arg6[%parallel_loop3A_289, %parallel_loop3A_290] {strides = array<i32>} : memref<128x256xf32, #tpu.memory_space<vmem>>, vector<1x16xf32>,
        %parallel_loop3A_292 = vector.shape_cast %parallel_loop3A_291 : vector<1x16xf32> to vector<16xf32>
        %parallel_loop3A_293 = arith.addf %parallel_loop3A_284, %parallel_loop3A_292 : vector<16xf32>
        %parallel_loop3A_294 = arith.constant 8 : i32
        %parallel_loop3A_295 = arith.muli %parallel_loop3A_90, %parallel_loop3A_294 : i32
        %parallel_loop3A_296 = arith.constant 6 : i32
        %parallel_loop3A_297 = arith.addi %parallel_loop3A_295, %parallel_loop3A_296 : i32
        %parallel_loop3A_298 = arith.index_cast %parallel_loop3A_297 : i32 to index
        %parallel_loop3A_299 = arith.constant 32 : index
        %parallel_loop3A_300 = tpu.vector_load %arg6[%parallel_loop3A_298, %parallel_loop3A_299] {strides = array<i32>} : memref<128x256xf32, #tpu.memory_space<vmem>>, vector<1x16xf32>,
        %parallel_loop3A_301 = vector.shape_cast %parallel_loop3A_300 : vector<1x16xf32> to vector<16xf32>
        %parallel_loop3A_302 = arith.constant 8 : i32
        %parallel_loop3A_303 = arith.muli %parallel_loop3A_90, %parallel_loop3A_302 : i32
        %parallel_loop3A_304 = arith.constant 7 : i32
        %parallel_loop3A_305 = arith.addi %parallel_loop3A_303, %parallel_loop3A_304 : i32
        %parallel_loop3A_306 = arith.index_cast %parallel_loop3A_305 : i32 to index
        %parallel_loop3A_307 = arith.constant 32 : index
        %parallel_loop3A_308 = tpu.vector_load %arg6[%parallel_loop3A_306, %parallel_loop3A_307] {strides = array<i32>} : memref<128x256xf32, #tpu.memory_space<vmem>>, vector<1x16xf32>,
        %parallel_loop3A_309 = vector.shape_cast %parallel_loop3A_308 : vector<1x16xf32> to vector<16xf32>
        %parallel_loop3A_310 = arith.addf %parallel_loop3A_301, %parallel_loop3A_309 : vector<16xf32>
        %parallel_loop3A_311 = arith.addf %parallel_loop3A_259, %parallel_loop3A_276 : vector<16xf32>
        %parallel_loop3A_312 = arith.addf %parallel_loop3A_293, %parallel_loop3A_310 : vector<16xf32>
        %parallel_loop3A_313 = arith.addf %parallel_loop3A_311, %parallel_loop3A_312 : vector<16xf32>
        %parallel_loop3A_314 = arith.index_cast %parallel_loop3A_90 : i32 to index
        %parallel_loop3A_315 = arith.constant 32 : index
        %parallel_loop3A_316 = tpu.vector_load %arg8[%parallel_loop3A_314, %parallel_loop3A_315] {strides = array<i32>} : memref<16x256xf32, #tpu.memory_space<vmem>>, vector<1x16xf32>,
        %parallel_loop3A_317 = vector.shape_cast %parallel_loop3A_316 : vector<1x16xf32> to vector<16xf32>
        %parallel_loop3A_318 = vector.shape_cast %parallel_loop3A_313 : vector<16xf32> to vector<1x16xf32>
        tpu.vector_store %arg8[%parallel_loop3A_314, %parallel_loop3A_315], %parallel_loop3A_318 {strides = array<i32>} : memref<16x256xf32, #tpu.memory_space<vmem>>, vector<1x16xf32>,
        %parallel_loop3A_319 = arith.constant 8 : i32
        %parallel_loop3A_320 = arith.muli %parallel_loop3A_90, %parallel_loop3A_319 : i32
        %parallel_loop3A_321 = arith.constant 0 : i32
        %parallel_loop3A_322 = arith.addi %parallel_loop3A_320, %parallel_loop3A_321 : i32
        %parallel_loop3A_323 = arith.index_cast %parallel_loop3A_322 : i32 to index
        %parallel_loop3A_324 = arith.constant 48 : index
        %parallel_loop3A_325 = tpu.vector_load %arg6[%parallel_loop3A_323, %parallel_loop3A_324] {strides = array<i32>} : memref<128x256xf32, #tpu.memory_space<vmem>>, vector<1x16xf32>,
        %parallel_loop3A_326 = vector.shape_cast %parallel_loop3A_325 : vector<1x16xf32> to vector<16xf32>
        %parallel_loop3A_327 = arith.constant 8 : i32
        %parallel_loop3A_328 = arith.muli %parallel_loop3A_90, %parallel_loop3A_327 : i32
        %parallel_loop3A_329 = arith.constant 1 : i32
        %parallel_loop3A_330 = arith.addi %parallel_loop3A_328, %parallel_loop3A_329 : i32
        %parallel_loop3A_331 = arith.index_cast %parallel_loop3A_330 : i32 to index
        %parallel_loop3A_332 = arith.constant 48 : index
        %parallel_loop3A_333 = tpu.vector_load %arg6[%parallel_loop3A_331, %parallel_loop3A_332] {strides = array<i32>} : memref<128x256xf32, #tpu.memory_space<vmem>>, vector<1x16xf32>,
        %parallel_loop3A_334 = vector.shape_cast %parallel_loop3A_333 : vector<1x16xf32> to vector<16xf32>
        %parallel_loop3A_335 = arith.addf %parallel_loop3A_326, %parallel_loop3A_334 : vector<16xf32>
        %parallel_loop3A_336 = arith.constant 8 : i32
        %parallel_loop3A_337 = arith.muli %parallel_loop3A_90, %parallel_loop3A_336 : i32
        %parallel_loop3A_338 = arith.constant 2 : i32
        %parallel_loop3A_339 = arith.addi %parallel_loop3A_337, %parallel_loop3A_338 : i32
        %parallel_loop3A_340 = arith.index_cast %parallel_loop3A_339 : i32 to index
        %parallel_loop3A_341 = arith.constant 48 : index
        %parallel_loop3A_342 = tpu.vector_load %arg6[%parallel_loop3A_340, %parallel_loop3A_341] {strides = array<i32>} : memref<128x256xf32, #tpu.memory_space<vmem>>, vector<1x16xf32>,
        %parallel_loop3A_343 = vector.shape_cast %parallel_loop3A_342 : vector<1x16xf32> to vector<16xf32>
        %parallel_loop3A_344 = arith.constant 8 : i32
        %parallel_loop3A_345 = arith.muli %parallel_loop3A_90, %parallel_loop3A_344 : i32
        %parallel_loop3A_346 = arith.constant 3 : i32
        %parallel_loop3A_347 = arith.addi %parallel_loop3A_345, %parallel_loop3A_346 : i32
        %parallel_loop3A_348 = arith.index_cast %parallel_loop3A_347 : i32 to index
        %parallel_loop3A_349 = arith.constant 48 : index
        %parallel_loop3A_350 = tpu.vector_load %arg6[%parallel_loop3A_348, %parallel_loop3A_349] {strides = array<i32>} : memref<128x256xf32, #tpu.memory_space<vmem>>, vector<1x16xf32>,
        %parallel_loop3A_351 = vector.shape_cast %parallel_loop3A_350 : vector<1x16xf32> to vector<16xf32>
        %parallel_loop3A_352 = arith.addf %parallel_loop3A_343, %parallel_loop3A_351 : vector<16xf32>
        %parallel_loop3A_353 = arith.constant 8 : i32
        %parallel_loop3A_354 = arith.muli %parallel_loop3A_90, %parallel_loop3A_353 : i32
        %parallel_loop3A_355 = arith.constant 4 : i32
        %parallel_loop3A_356 = arith.addi %parallel_loop3A_354, %parallel_loop3A_355 : i32
        %parallel_loop3A_357 = arith.index_cast %parallel_loop3A_356 : i32 to index
        %parallel_loop3A_358 = arith.constant 48 : index
        %parallel_loop3A_359 = tpu.vector_load %arg6[%parallel_loop3A_357, %parallel_loop3A_358] {strides = array<i32>} : memref<128x256xf32, #tpu.memory_space<vmem>>, vector<1x16xf32>,
        %parallel_loop3A_360 = vector.shape_cast %parallel_loop3A_359 : vector<1x16xf32> to vector<16xf32>
        %parallel_loop3A_361 = arith.constant 8 : i32
        %parallel_loop3A_362 = arith.muli %parallel_loop3A_90, %parallel_loop3A_361 : i32
        %parallel_loop3A_363 = arith.constant 5 : i32
        %parallel_loop3A_364 = arith.addi %parallel_loop3A_362, %parallel_loop3A_363 : i32
        %parallel_loop3A_365 = arith.index_cast %parallel_loop3A_364 : i32 to index
        %parallel_loop3A_366 = arith.constant 48 : index
        %parallel_loop3A_367 = tpu.vector_load %arg6[%parallel_loop3A_365, %parallel_loop3A_366] {strides = array<i32>} : memref<128x256xf32, #tpu.memory_space<vmem>>, vector<1x16xf32>,
        %parallel_loop3A_368 = vector.shape_cast %parallel_loop3A_367 : vector<1x16xf32> to vector<16xf32>
        %parallel_loop3A_369 = arith.addf %parallel_loop3A_360, %parallel_loop3A_368 : vector<16xf32>
        %parallel_loop3A_370 = arith.constant 8 : i32
        %parallel_loop3A_371 = arith.muli %parallel_loop3A_90, %parallel_loop3A_370 : i32
        %parallel_loop3A_372 = arith.constant 6 : i32
        %parallel_loop3A_373 = arith.addi %parallel_loop3A_371, %parallel_loop3A_372 : i32
        %parallel_loop3A_374 = arith.index_cast %parallel_loop3A_373 : i32 to index
        %parallel_loop3A_375 = arith.constant 48 : index
        %parallel_loop3A_376 = tpu.vector_load %arg6[%parallel_loop3A_374, %parallel_loop3A_375] {strides = array<i32>} : memref<128x256xf32, #tpu.memory_space<vmem>>, vector<1x16xf32>,
        %parallel_loop3A_377 = vector.shape_cast %parallel_loop3A_376 : vector<1x16xf32> to vector<16xf32>
        %parallel_loop3A_378 = arith.constant 8 : i32
        %parallel_loop3A_379 = arith.muli %parallel_loop3A_90, %parallel_loop3A_378 : i32
        %parallel_loop3A_380 = arith.constant 7 : i32
        %parallel_loop3A_381 = arith.addi %parallel_loop3A_379, %parallel_loop3A_380 : i32
        %parallel_loop3A_382 = arith.index_cast %parallel_loop3A_381 : i32 to index
        %parallel_loop3A_383 = arith.constant 48 : index
        %parallel_loop3A_384 = tpu.vector_load %arg6[%parallel_loop3A_382, %parallel_loop3A_383] {strides = array<i32>} : memref<128x256xf32, #tpu.memory_space<vmem>>, vector<1x16xf32>,
        %parallel_loop3A_385 = vector.shape_cast %parallel_loop3A_384 : vector<1x16xf32> to vector<16xf32>
        %parallel_loop3A_386 = arith.addf %parallel_loop3A_377, %parallel_loop3A_385 : vector<16xf32>
        %parallel_loop3A_387 = arith.addf %parallel_loop3A_335, %parallel_loop3A_352 : vector<16xf32>
        %parallel_loop3A_388 = arith.addf %parallel_loop3A_369, %parallel_loop3A_386 : vector<16xf32>
        %parallel_loop3A_389 = arith.addf %parallel_loop3A_387, %parallel_loop3A_388 : vector<16xf32>
        %parallel_loop3A_390 = arith.index_cast %parallel_loop3A_90 : i32 to index
        %parallel_loop3A_391 = arith.constant 48 : index
        %parallel_loop3A_392 = tpu.vector_load %arg8[%parallel_loop3A_390, %parallel_loop3A_391] {strides = array<i32>} : memref<16x256xf32, #tpu.memory_space<vmem>>, vector<1x16xf32>,
        %parallel_loop3A_393 = vector.shape_cast %parallel_loop3A_392 : vector<1x16xf32> to vector<16xf32>
        %parallel_loop3A_394 = vector.shape_cast %parallel_loop3A_389 : vector<16xf32> to vector<1x16xf32>
        tpu.vector_store %arg8[%parallel_loop3A_390, %parallel_loop3A_391], %parallel_loop3A_394 {strides = array<i32>} : memref<16x256xf32, #tpu.memory_space<vmem>>, vector<1x16xf32>,
        %parallel_loop3A_395 = arith.constant 8 : i32
        %parallel_loop3A_396 = arith.muli %parallel_loop3A_90, %parallel_loop3A_395 : i32
        %parallel_loop3A_397 = arith.constant 0 : i32
        %parallel_loop3A_398 = arith.addi %parallel_loop3A_396, %parallel_loop3A_397 : i32
        %parallel_loop3A_399 = arith.index_cast %parallel_loop3A_398 : i32 to index
        %parallel_loop3A_400 = arith.constant 64 : index
        %parallel_loop3A_401 = tpu.vector_load %arg6[%parallel_loop3A_399, %parallel_loop3A_400] {strides = array<i32>} : memref<128x256xf32, #tpu.memory_space<vmem>>, vector<1x16xf32>,
        %parallel_loop3A_402 = vector.shape_cast %parallel_loop3A_401 : vector<1x16xf32> to vector<16xf32>
        %parallel_loop3A_403 = arith.constant 8 : i32
        %parallel_loop3A_404 = arith.muli %parallel_loop3A_90, %parallel_loop3A_403 : i32
        %parallel_loop3A_405 = arith.constant 1 : i32
        %parallel_loop3A_406 = arith.addi %parallel_loop3A_404, %parallel_loop3A_405 : i32
        %parallel_loop3A_407 = arith.index_cast %parallel_loop3A_406 : i32 to index
        %parallel_loop3A_408 = arith.constant 64 : index
        %parallel_loop3A_409 = tpu.vector_load %arg6[%parallel_loop3A_407, %parallel_loop3A_408] {strides = array<i32>} : memref<128x256xf32, #tpu.memory_space<vmem>>, vector<1x16xf32>,
        %parallel_loop3A_410 = vector.shape_cast %parallel_loop3A_409 : vector<1x16xf32> to vector<16xf32>
        %parallel_loop3A_411 = arith.addf %parallel_loop3A_402, %parallel_loop3A_410 : vector<16xf32>
        %parallel_loop3A_412 = arith.constant 8 : i32
        %parallel_loop3A_413 = arith.muli %parallel_loop3A_90, %parallel_loop3A_412 : i32
        %parallel_loop3A_414 = arith.constant 2 : i32
        %parallel_loop3A_415 = arith.addi %parallel_loop3A_413, %parallel_loop3A_414 : i32
        %parallel_loop3A_416 = arith.index_cast %parallel_loop3A_415 : i32 to index
        %parallel_loop3A_417 = arith.constant 64 : index
        %parallel_loop3A_418 = tpu.vector_load %arg6[%parallel_loop3A_416, %parallel_loop3A_417] {strides = array<i32>} : memref<128x256xf32, #tpu.memory_space<vmem>>, vector<1x16xf32>,
        %parallel_loop3A_419 = vector.shape_cast %parallel_loop3A_418 : vector<1x16xf32> to vector<16xf32>
        %parallel_loop3A_420 = arith.constant 8 : i32
        %parallel_loop3A_421 = arith.muli %parallel_loop3A_90, %parallel_loop3A_420 : i32
        %parallel_loop3A_422 = arith.constant 3 : i32
        %parallel_loop3A_423 = arith.addi %parallel_loop3A_421, %parallel_loop3A_422 : i32
        %parallel_loop3A_424 = arith.index_cast %parallel_loop3A_423 : i32 to index
        %parallel_loop3A_425 = arith.constant 64 : index
        %parallel_loop3A_426 = tpu.vector_load %arg6[%parallel_loop3A_424, %parallel_loop3A_425] {strides = array<i32>} : memref<128x256xf32, #tpu.memory_space<vmem>>, vector<1x16xf32>,
        %parallel_loop3A_427 = vector.shape_cast %parallel_loop3A_426 : vector<1x16xf32> to vector<16xf32>
        %parallel_loop3A_428 = arith.addf %parallel_loop3A_419, %parallel_loop3A_427 : vector<16xf32>
        %parallel_loop3A_429 = arith.constant 8 : i32
        %parallel_loop3A_430 = arith.muli %parallel_loop3A_90, %parallel_loop3A_429 : i32
        %parallel_loop3A_431 = arith.constant 4 : i32
        %parallel_loop3A_432 = arith.addi %parallel_loop3A_430, %parallel_loop3A_431 : i32
        %parallel_loop3A_433 = arith.index_cast %parallel_loop3A_432 : i32 to index
        %parallel_loop3A_434 = arith.constant 64 : index
        %parallel_loop3A_435 = tpu.vector_load %arg6[%parallel_loop3A_433, %parallel_loop3A_434] {strides = array<i32>} : memref<128x256xf32, #tpu.memory_space<vmem>>, vector<1x16xf32>,
        %parallel_loop3A_436 = vector.shape_cast %parallel_loop3A_435 : vector<1x16xf32> to vector<16xf32>
        %parallel_loop3A_437 = arith.constant 8 : i32
        %parallel_loop3A_438 = arith.muli %parallel_loop3A_90, %parallel_loop3A_437 : i32
        %parallel_loop3A_439 = arith.constant 5 : i32
        %parallel_loop3A_440 = arith.addi %parallel_loop3A_438, %parallel_loop3A_439 : i32
        %parallel_loop3A_441 = arith.index_cast %parallel_loop3A_440 : i32 to index
        %parallel_loop3A_442 = arith.constant 64 : index
        %parallel_loop3A_443 = tpu.vector_load %arg6[%parallel_loop3A_441, %parallel_loop3A_442] {strides = array<i32>} : memref<128x256xf32, #tpu.memory_space<vmem>>, vector<1x16xf32>,
        %parallel_loop3A_444 = vector.shape_cast %parallel_loop3A_443 : vector<1x16xf32> to vector<16xf32>
        %parallel_loop3A_445 = arith.addf %parallel_loop3A_436, %parallel_loop3A_444 : vector<16xf32>
        %parallel_loop3A_446 = arith.constant 8 : i32
        %parallel_loop3A_447 = arith.muli %parallel_loop3A_90, %parallel_loop3A_446 : i32
        %parallel_loop3A_448 = arith.constant 6 : i32
        %parallel_loop3A_449 = arith.addi %parallel_loop3A_447, %parallel_loop3A_448 : i32
        %parallel_loop3A_450 = arith.index_cast %parallel_loop3A_449 : i32 to index
        %parallel_loop3A_451 = arith.constant 64 : index
        %parallel_loop3A_452 = tpu.vector_load %arg6[%parallel_loop3A_450, %parallel_loop3A_451] {strides = array<i32>} : memref<128x256xf32, #tpu.memory_space<vmem>>, vector<1x16xf32>,
        %parallel_loop3A_453 = vector.shape_cast %parallel_loop3A_452 : vector<1x16xf32> to vector<16xf32>
        %parallel_loop3A_454 = arith.constant 8 : i32
        %parallel_loop3A_455 = arith.muli %parallel_loop3A_90, %parallel_loop3A_454 : i32
        %parallel_loop3A_456 = arith.constant 7 : i32
        %parallel_loop3A_457 = arith.addi %parallel_loop3A_455, %parallel_loop3A_456 : i32
        %parallel_loop3A_458 = arith.index_cast %parallel_loop3A_457 : i32 to index
        %parallel_loop3A_459 = arith.constant 64 : index
        %parallel_loop3A_460 = tpu.vector_load %arg6[%parallel_loop3A_458, %parallel_loop3A_459] {strides = array<i32>} : memref<128x256xf32, #tpu.memory_space<vmem>>, vector<1x16xf32>,
        %parallel_loop3A_461 = vector.shape_cast %parallel_loop3A_460 : vector<1x16xf32> to vector<16xf32>
        %parallel_loop3A_462 = arith.addf %parallel_loop3A_453, %parallel_loop3A_461 : vector<16xf32>
        %parallel_loop3A_463 = arith.addf %parallel_loop3A_411, %parallel_loop3A_428 : vector<16xf32>
        %parallel_loop3A_464 = arith.addf %parallel_loop3A_445, %parallel_loop3A_462 : vector<16xf32>
        %parallel_loop3A_465 = arith.addf %parallel_loop3A_463, %parallel_loop3A_464 : vector<16xf32>
        %parallel_loop3A_466 = arith.index_cast %parallel_loop3A_90 : i32 to index
        %parallel_loop3A_467 = arith.constant 64 : index
        %parallel_loop3A_468 = tpu.vector_load %arg8[%parallel_loop3A_466, %parallel_loop3A_467] {strides = array<i32>} : memref<16x256xf32, #tpu.memory_space<vmem>>, vector<1x16xf32>,
        %parallel_loop3A_469 = vector.shape_cast %parallel_loop3A_468 : vector<1x16xf32> to vector<16xf32>
        %parallel_loop3A_470 = vector.shape_cast %parallel_loop3A_465 : vector<16xf32> to vector<1x16xf32>
        tpu.vector_store %arg8[%parallel_loop3A_466, %parallel_loop3A_467], %parallel_loop3A_470 {strides = array<i32>} : memref<16x256xf32, #tpu.memory_space<vmem>>, vector<1x16xf32>,
        %parallel_loop3A_471 = arith.constant 8 : i32
        %parallel_loop3A_472 = arith.muli %parallel_loop3A_90, %parallel_loop3A_471 : i32
        %parallel_loop3A_473 = arith.constant 0 : i32
        %parallel_loop3A_474 = arith.addi %parallel_loop3A_472, %parallel_loop3A_473 : i32
        %parallel_loop3A_475 = arith.index_cast %parallel_loop3A_474 : i32 to index
        %parallel_loop3A_476 = arith.constant 80 : index
        %parallel_loop3A_477 = tpu.vector_load %arg6[%parallel_loop3A_475, %parallel_loop3A_476] {strides = array<i32>} : memref<128x256xf32, #tpu.memory_space<vmem>>, vector<1x16xf32>,
        %parallel_loop3A_478 = vector.shape_cast %parallel_loop3A_477 : vector<1x16xf32> to vector<16xf32>
        %parallel_loop3A_479 = arith.constant 8 : i32
        %parallel_loop3A_480 = arith.muli %parallel_loop3A_90, %parallel_loop3A_479 : i32
        %parallel_loop3A_481 = arith.constant 1 : i32
        %parallel_loop3A_482 = arith.addi %parallel_loop3A_480, %parallel_loop3A_481 : i32
        %parallel_loop3A_483 = arith.index_cast %parallel_loop3A_482 : i32 to index
        %parallel_loop3A_484 = arith.constant 80 : index
        %parallel_loop3A_485 = tpu.vector_load %arg6[%parallel_loop3A_483, %parallel_loop3A_484] {strides = array<i32>} : memref<128x256xf32, #tpu.memory_space<vmem>>, vector<1x16xf32>,
        %parallel_loop3A_486 = vector.shape_cast %parallel_loop3A_485 : vector<1x16xf32> to vector<16xf32>
        %parallel_loop3A_487 = arith.addf %parallel_loop3A_478, %parallel_loop3A_486 : vector<16xf32>
        %parallel_loop3A_488 = arith.constant 8 : i32
        %parallel_loop3A_489 = arith.muli %parallel_loop3A_90, %parallel_loop3A_488 : i32
        %parallel_loop3A_490 = arith.constant 2 : i32
        %parallel_loop3A_491 = arith.addi %parallel_loop3A_489, %parallel_loop3A_490 : i32
        %parallel_loop3A_492 = arith.index_cast %parallel_loop3A_491 : i32 to index
        %parallel_loop3A_493 = arith.constant 80 : index
        %parallel_loop3A_494 = tpu.vector_load %arg6[%parallel_loop3A_492, %parallel_loop3A_493] {strides = array<i32>} : memref<128x256xf32, #tpu.memory_space<vmem>>, vector<1x16xf32>,
        %parallel_loop3A_495 = vector.shape_cast %parallel_loop3A_494 : vector<1x16xf32> to vector<16xf32>
        %parallel_loop3A_496 = arith.constant 8 : i32
        %parallel_loop3A_497 = arith.muli %parallel_loop3A_90, %parallel_loop3A_496 : i32
        %parallel_loop3A_498 = arith.constant 3 : i32
        %parallel_loop3A_499 = arith.addi %parallel_loop3A_497, %parallel_loop3A_498 : i32
        %parallel_loop3A_500 = arith.index_cast %parallel_loop3A_499 : i32 to index
        %parallel_loop3A_501 = arith.constant 80 : index
        %parallel_loop3A_502 = tpu.vector_load %arg6[%parallel_loop3A_500, %parallel_loop3A_501] {strides = array<i32>} : memref<128x256xf32, #tpu.memory_space<vmem>>, vector<1x16xf32>,
        %parallel_loop3A_503 = vector.shape_cast %parallel_loop3A_502 : vector<1x16xf32> to vector<16xf32>
        %parallel_loop3A_504 = arith.addf %parallel_loop3A_495, %parallel_loop3A_503 : vector<16xf32>
        %parallel_loop3A_505 = arith.constant 8 : i32
        %parallel_loop3A_506 = arith.muli %parallel_loop3A_90, %parallel_loop3A_505 : i32
        %parallel_loop3A_507 = arith.constant 4 : i32
        %parallel_loop3A_508 = arith.addi %parallel_loop3A_506, %parallel_loop3A_507 : i32
        %parallel_loop3A_509 = arith.index_cast %parallel_loop3A_508 : i32 to index
        %parallel_loop3A_510 = arith.constant 80 : index
        %parallel_loop3A_511 = tpu.vector_load %arg6[%parallel_loop3A_509, %parallel_loop3A_510] {strides = array<i32>} : memref<128x256xf32, #tpu.memory_space<vmem>>, vector<1x16xf32>,
        %parallel_loop3A_512 = vector.shape_cast %parallel_loop3A_511 : vector<1x16xf32> to vector<16xf32>
        %parallel_loop3A_513 = arith.constant 8 : i32
        %parallel_loop3A_514 = arith.muli %parallel_loop3A_90, %parallel_loop3A_513 : i32
        %parallel_loop3A_515 = arith.constant 5 : i32
        %parallel_loop3A_516 = arith.addi %parallel_loop3A_514, %parallel_loop3A_515 : i32
        %parallel_loop3A_517 = arith.index_cast %parallel_loop3A_516 : i32 to index
        %parallel_loop3A_518 = arith.constant 80 : index
        %parallel_loop3A_519 = tpu.vector_load %arg6[%parallel_loop3A_517, %parallel_loop3A_518] {strides = array<i32>} : memref<128x256xf32, #tpu.memory_space<vmem>>, vector<1x16xf32>,
        %parallel_loop3A_520 = vector.shape_cast %parallel_loop3A_519 : vector<1x16xf32> to vector<16xf32>
        %parallel_loop3A_521 = arith.addf %parallel_loop3A_512, %parallel_loop3A_520 : vector<16xf32>
        %parallel_loop3A_522 = arith.constant 8 : i32
        %parallel_loop3A_523 = arith.muli %parallel_loop3A_90, %parallel_loop3A_522 : i32
        %parallel_loop3A_524 = arith.constant 6 : i32
        %parallel_loop3A_525 = arith.addi %parallel_loop3A_523, %parallel_loop3A_524 : i32
        %parallel_loop3A_526 = arith.index_cast %parallel_loop3A_525 : i32 to index
        %parallel_loop3A_527 = arith.constant 80 : index
        %parallel_loop3A_528 = tpu.vector_load %arg6[%parallel_loop3A_526, %parallel_loop3A_527] {strides = array<i32>} : memref<128x256xf32, #tpu.memory_space<vmem>>, vector<1x16xf32>,
        %parallel_loop3A_529 = vector.shape_cast %parallel_loop3A_528 : vector<1x16xf32> to vector<16xf32>
        %parallel_loop3A_530 = arith.constant 8 : i32
        %parallel_loop3A_531 = arith.muli %parallel_loop3A_90, %parallel_loop3A_530 : i32
        %parallel_loop3A_532 = arith.constant 7 : i32
        %parallel_loop3A_533 = arith.addi %parallel_loop3A_531, %parallel_loop3A_532 : i32
        %parallel_loop3A_534 = arith.index_cast %parallel_loop3A_533 : i32 to index
        %parallel_loop3A_535 = arith.constant 80 : index
        %parallel_loop3A_536 = tpu.vector_load %arg6[%parallel_loop3A_534, %parallel_loop3A_535] {strides = array<i32>} : memref<128x256xf32, #tpu.memory_space<vmem>>, vector<1x16xf32>,
        %parallel_loop3A_537 = vector.shape_cast %parallel_loop3A_536 : vector<1x16xf32> to vector<16xf32>
        %parallel_loop3A_538 = arith.addf %parallel_loop3A_529, %parallel_loop3A_537 : vector<16xf32>
        %parallel_loop3A_539 = arith.addf %parallel_loop3A_487, %parallel_loop3A_504 : vector<16xf32>
        %parallel_loop3A_540 = arith.addf %parallel_loop3A_521, %parallel_loop3A_538 : vector<16xf32>
        %parallel_loop3A_541 = arith.addf %parallel_loop3A_539, %parallel_loop3A_540 : vector<16xf32>
        %parallel_loop3A_542 = arith.index_cast %parallel_loop3A_90 : i32 to index
        %parallel_loop3A_543 = arith.constant 80 : index
        %parallel_loop3A_544 = tpu.vector_load %arg8[%parallel_loop3A_542, %parallel_loop3A_543] {strides = array<i32>} : memref<16x256xf32, #tpu.memory_space<vmem>>, vector<1x16xf32>,
        %parallel_loop3A_545 = vector.shape_cast %parallel_loop3A_544 : vector<1x16xf32> to vector<16xf32>
        %parallel_loop3A_546 = vector.shape_cast %parallel_loop3A_541 : vector<16xf32> to vector<1x16xf32>
        tpu.vector_store %arg8[%parallel_loop3A_542, %parallel_loop3A_543], %parallel_loop3A_546 {strides = array<i32>} : memref<16x256xf32, #tpu.memory_space<vmem>>, vector<1x16xf32>,
        %parallel_loop3A_547 = arith.constant 8 : i32
        %parallel_loop3A_548 = arith.muli %parallel_loop3A_90, %parallel_loop3A_547 : i32
        %parallel_loop3A_549 = arith.constant 0 : i32
        %parallel_loop3A_550 = arith.addi %parallel_loop3A_548, %parallel_loop3A_549 : i32
        %parallel_loop3A_551 = arith.index_cast %parallel_loop3A_550 : i32 to index
        %parallel_loop3A_552 = arith.constant 96 : index
        %parallel_loop3A_553 = tpu.vector_load %arg6[%parallel_loop3A_551, %parallel_loop3A_552] {strides = array<i32>} : memref<128x256xf32, #tpu.memory_space<vmem>>, vector<1x16xf32>,
        %parallel_loop3A_554 = vector.shape_cast %parallel_loop3A_553 : vector<1x16xf32> to vector<16xf32>
        %parallel_loop3A_555 = arith.constant 8 : i32
        %parallel_loop3A_556 = arith.muli %parallel_loop3A_90, %parallel_loop3A_555 : i32
        %parallel_loop3A_557 = arith.constant 1 : i32
        %parallel_loop3A_558 = arith.addi %parallel_loop3A_556, %parallel_loop3A_557 : i32
        %parallel_loop3A_559 = arith.index_cast %parallel_loop3A_558 : i32 to index
        %parallel_loop3A_560 = arith.constant 96 : index
        %parallel_loop3A_561 = tpu.vector_load %arg6[%parallel_loop3A_559, %parallel_loop3A_560] {strides = array<i32>} : memref<128x256xf32, #tpu.memory_space<vmem>>, vector<1x16xf32>,
        %parallel_loop3A_562 = vector.shape_cast %parallel_loop3A_561 : vector<1x16xf32> to vector<16xf32>
        %parallel_loop3A_563 = arith.addf %parallel_loop3A_554, %parallel_loop3A_562 : vector<16xf32>
        %parallel_loop3A_564 = arith.constant 8 : i32
        %parallel_loop3A_565 = arith.muli %parallel_loop3A_90, %parallel_loop3A_564 : i32
        %parallel_loop3A_566 = arith.constant 2 : i32
        %parallel_loop3A_567 = arith.addi %parallel_loop3A_565, %parallel_loop3A_566 : i32
        %parallel_loop3A_568 = arith.index_cast %parallel_loop3A_567 : i32 to index
        %parallel_loop3A_569 = arith.constant 96 : index
        %parallel_loop3A_570 = tpu.vector_load %arg6[%parallel_loop3A_568, %parallel_loop3A_569] {strides = array<i32>} : memref<128x256xf32, #tpu.memory_space<vmem>>, vector<1x16xf32>,
        %parallel_loop3A_571 = vector.shape_cast %parallel_loop3A_570 : vector<1x16xf32> to vector<16xf32>
        %parallel_loop3A_572 = arith.constant 8 : i32
        %parallel_loop3A_573 = arith.muli %parallel_loop3A_90, %parallel_loop3A_572 : i32
        %parallel_loop3A_574 = arith.constant 3 : i32
        %parallel_loop3A_575 = arith.addi %parallel_loop3A_573, %parallel_loop3A_574 : i32
        %parallel_loop3A_576 = arith.index_cast %parallel_loop3A_575 : i32 to index
        %parallel_loop3A_577 = arith.constant 96 : index
        %parallel_loop3A_578 = tpu.vector_load %arg6[%parallel_loop3A_576, %parallel_loop3A_577] {strides = array<i32>} : memref<128x256xf32, #tpu.memory_space<vmem>>, vector<1x16xf32>,
        %parallel_loop3A_579 = vector.shape_cast %parallel_loop3A_578 : vector<1x16xf32> to vector<16xf32>
        %parallel_loop3A_580 = arith.addf %parallel_loop3A_571, %parallel_loop3A_579 : vector<16xf32>
        %parallel_loop3A_581 = arith.constant 8 : i32
        %parallel_loop3A_582 = arith.muli %parallel_loop3A_90, %parallel_loop3A_581 : i32
        %parallel_loop3A_583 = arith.constant 4 : i32
        %parallel_loop3A_584 = arith.addi %parallel_loop3A_582, %parallel_loop3A_583 : i32
        %parallel_loop3A_585 = arith.index_cast %parallel_loop3A_584 : i32 to index
        %parallel_loop3A_586 = arith.constant 96 : index
        %parallel_loop3A_587 = tpu.vector_load %arg6[%parallel_loop3A_585, %parallel_loop3A_586] {strides = array<i32>} : memref<128x256xf32, #tpu.memory_space<vmem>>, vector<1x16xf32>,
        %parallel_loop3A_588 = vector.shape_cast %parallel_loop3A_587 : vector<1x16xf32> to vector<16xf32>
        %parallel_loop3A_589 = arith.constant 8 : i32
        %parallel_loop3A_590 = arith.muli %parallel_loop3A_90, %parallel_loop3A_589 : i32
        %parallel_loop3A_591 = arith.constant 5 : i32
        %parallel_loop3A_592 = arith.addi %parallel_loop3A_590, %parallel_loop3A_591 : i32
        %parallel_loop3A_593 = arith.index_cast %parallel_loop3A_592 : i32 to index
        %parallel_loop3A_594 = arith.constant 96 : index
        %parallel_loop3A_595 = tpu.vector_load %arg6[%parallel_loop3A_593, %parallel_loop3A_594] {strides = array<i32>} : memref<128x256xf32, #tpu.memory_space<vmem>>, vector<1x16xf32>,
        %parallel_loop3A_596 = vector.shape_cast %parallel_loop3A_595 : vector<1x16xf32> to vector<16xf32>
        %parallel_loop3A_597 = arith.addf %parallel_loop3A_588, %parallel_loop3A_596 : vector<16xf32>
        %parallel_loop3A_598 = arith.constant 8 : i32
        %parallel_loop3A_599 = arith.muli %parallel_loop3A_90, %parallel_loop3A_598 : i32
        %parallel_loop3A_600 = arith.constant 6 : i32
        %parallel_loop3A_601 = arith.addi %parallel_loop3A_599, %parallel_loop3A_600 : i32
        %parallel_loop3A_602 = arith.index_cast %parallel_loop3A_601 : i32 to index
        %parallel_loop3A_603 = arith.constant 96 : index
        %parallel_loop3A_604 = tpu.vector_load %arg6[%parallel_loop3A_602, %parallel_loop3A_603] {strides = array<i32>} : memref<128x256xf32, #tpu.memory_space<vmem>>, vector<1x16xf32>,
        %parallel_loop3A_605 = vector.shape_cast %parallel_loop3A_604 : vector<1x16xf32> to vector<16xf32>
        %parallel_loop3A_606 = arith.constant 8 : i32
        %parallel_loop3A_607 = arith.muli %parallel_loop3A_90, %parallel_loop3A_606 : i32
        %parallel_loop3A_608 = arith.constant 7 : i32
        %parallel_loop3A_609 = arith.addi %parallel_loop3A_607, %parallel_loop3A_608 : i32
        %parallel_loop3A_610 = arith.index_cast %parallel_loop3A_609 : i32 to index
        %parallel_loop3A_611 = arith.constant 96 : index
        %parallel_loop3A_612 = tpu.vector_load %arg6[%parallel_loop3A_610, %parallel_loop3A_611] {strides = array<i32>} : memref<128x256xf32, #tpu.memory_space<vmem>>, vector<1x16xf32>,
        %parallel_loop3A_613 = vector.shape_cast %parallel_loop3A_612 : vector<1x16xf32> to vector<16xf32>
        %parallel_loop3A_614 = arith.addf %parallel_loop3A_605, %parallel_loop3A_613 : vector<16xf32>
        %parallel_loop3A_615 = arith.addf %parallel_loop3A_563, %parallel_loop3A_580 : vector<16xf32>
        %parallel_loop3A_616 = arith.addf %parallel_loop3A_597, %parallel_loop3A_614 : vector<16xf32>
        %parallel_loop3A_617 = arith.addf %parallel_loop3A_615, %parallel_loop3A_616 : vector<16xf32>
        %parallel_loop3A_618 = arith.index_cast %parallel_loop3A_90 : i32 to index
        %parallel_loop3A_619 = arith.constant 96 : index
        %parallel_loop3A_620 = tpu.vector_load %arg8[%parallel_loop3A_618, %parallel_loop3A_619] {strides = array<i32>} : memref<16x256xf32, #tpu.memory_space<vmem>>, vector<1x16xf32>,
        %parallel_loop3A_621 = vector.shape_cast %parallel_loop3A_620 : vector<1x16xf32> to vector<16xf32>
        %parallel_loop3A_622 = vector.shape_cast %parallel_loop3A_617 : vector<16xf32> to vector<1x16xf32>
        tpu.vector_store %arg8[%parallel_loop3A_618, %parallel_loop3A_619], %parallel_loop3A_622 {strides = array<i32>} : memref<16x256xf32, #tpu.memory_space<vmem>>, vector<1x16xf32>,
        %parallel_loop3A_623 = arith.constant 8 : i32
        %parallel_loop3A_624 = arith.muli %parallel_loop3A_90, %parallel_loop3A_623 : i32
        %parallel_loop3A_625 = arith.constant 0 : i32
        %parallel_loop3A_626 = arith.addi %parallel_loop3A_624, %parallel_loop3A_625 : i32
        %parallel_loop3A_627 = arith.index_cast %parallel_loop3A_626 : i32 to index
        %parallel_loop3A_628 = arith.constant 112 : index
        %parallel_loop3A_629 = tpu.vector_load %arg6[%parallel_loop3A_627, %parallel_loop3A_628] {strides = array<i32>} : memref<128x256xf32, #tpu.memory_space<vmem>>, vector<1x16xf32>,
        %parallel_loop3A_630 = vector.shape_cast %parallel_loop3A_629 : vector<1x16xf32> to vector<16xf32>
        %parallel_loop3A_631 = arith.constant 8 : i32
        %parallel_loop3A_632 = arith.muli %parallel_loop3A_90, %parallel_loop3A_631 : i32
        %parallel_loop3A_633 = arith.constant 1 : i32
        %parallel_loop3A_634 = arith.addi %parallel_loop3A_632, %parallel_loop3A_633 : i32
        %parallel_loop3A_635 = arith.index_cast %parallel_loop3A_634 : i32 to index
        %parallel_loop3A_636 = arith.constant 112 : index
        %parallel_loop3A_637 = tpu.vector_load %arg6[%parallel_loop3A_635, %parallel_loop3A_636] {strides = array<i32>} : memref<128x256xf32, #tpu.memory_space<vmem>>, vector<1x16xf32>,
        %parallel_loop3A_638 = vector.shape_cast %parallel_loop3A_637 : vector<1x16xf32> to vector<16xf32>
        %parallel_loop3A_639 = arith.addf %parallel_loop3A_630, %parallel_loop3A_638 : vector<16xf32>
        %parallel_loop3A_640 = arith.constant 8 : i32
        %parallel_loop3A_641 = arith.muli %parallel_loop3A_90, %parallel_loop3A_640 : i32
        %parallel_loop3A_642 = arith.constant 2 : i32
        %parallel_loop3A_643 = arith.addi %parallel_loop3A_641, %parallel_loop3A_642 : i32
        %parallel_loop3A_644 = arith.index_cast %parallel_loop3A_643 : i32 to index
        %parallel_loop3A_645 = arith.constant 112 : index
        %parallel_loop3A_646 = tpu.vector_load %arg6[%parallel_loop3A_644, %parallel_loop3A_645] {strides = array<i32>} : memref<128x256xf32, #tpu.memory_space<vmem>>, vector<1x16xf32>,
        %parallel_loop3A_647 = vector.shape_cast %parallel_loop3A_646 : vector<1x16xf32> to vector<16xf32>
        %parallel_loop3A_648 = arith.constant 8 : i32
        %parallel_loop3A_649 = arith.muli %parallel_loop3A_90, %parallel_loop3A_648 : i32
        %parallel_loop3A_650 = arith.constant 3 : i32
        %parallel_loop3A_651 = arith.addi %parallel_loop3A_649, %parallel_loop3A_650 : i32
        %parallel_loop3A_652 = arith.index_cast %parallel_loop3A_651 : i32 to index
        %parallel_loop3A_653 = arith.constant 112 : index
        %parallel_loop3A_654 = tpu.vector_load %arg6[%parallel_loop3A_652, %parallel_loop3A_653] {strides = array<i32>} : memref<128x256xf32, #tpu.memory_space<vmem>>, vector<1x16xf32>,
        %parallel_loop3A_655 = vector.shape_cast %parallel_loop3A_654 : vector<1x16xf32> to vector<16xf32>
        %parallel_loop3A_656 = arith.addf %parallel_loop3A_647, %parallel_loop3A_655 : vector<16xf32>
        %parallel_loop3A_657 = arith.constant 8 : i32
        %parallel_loop3A_658 = arith.muli %parallel_loop3A_90, %parallel_loop3A_657 : i32
        %parallel_loop3A_659 = arith.constant 4 : i32
        %parallel_loop3A_660 = arith.addi %parallel_loop3A_658, %parallel_loop3A_659 : i32
        %parallel_loop3A_661 = arith.index_cast %parallel_loop3A_660 : i32 to index
        %parallel_loop3A_662 = arith.constant 112 : index
        %parallel_loop3A_663 = tpu.vector_load %arg6[%parallel_loop3A_661, %parallel_loop3A_662] {strides = array<i32>} : memref<128x256xf32, #tpu.memory_space<vmem>>, vector<1x16xf32>,
        %parallel_loop3A_664 = vector.shape_cast %parallel_loop3A_663 : vector<1x16xf32> to vector<16xf32>
        %parallel_loop3A_665 = arith.constant 8 : i32
        %parallel_loop3A_666 = arith.muli %parallel_loop3A_90, %parallel_loop3A_665 : i32
        %parallel_loop3A_667 = arith.constant 5 : i32
        %parallel_loop3A_668 = arith.addi %parallel_loop3A_666, %parallel_loop3A_667 : i32
        %parallel_loop3A_669 = arith.index_cast %parallel_loop3A_668 : i32 to index
        %parallel_loop3A_670 = arith.constant 112 : index
        %parallel_loop3A_671 = tpu.vector_load %arg6[%parallel_loop3A_669, %parallel_loop3A_670] {strides = array<i32>} : memref<128x256xf32, #tpu.memory_space<vmem>>, vector<1x16xf32>,
        %parallel_loop3A_672 = vector.shape_cast %parallel_loop3A_671 : vector<1x16xf32> to vector<16xf32>
        %parallel_loop3A_673 = arith.addf %parallel_loop3A_664, %parallel_loop3A_672 : vector<16xf32>
        %parallel_loop3A_674 = arith.constant 8 : i32
        %parallel_loop3A_675 = arith.muli %parallel_loop3A_90, %parallel_loop3A_674 : i32
        %parallel_loop3A_676 = arith.constant 6 : i32
        %parallel_loop3A_677 = arith.addi %parallel_loop3A_675, %parallel_loop3A_676 : i32
        %parallel_loop3A_678 = arith.index_cast %parallel_loop3A_677 : i32 to index
        %parallel_loop3A_679 = arith.constant 112 : index
        %parallel_loop3A_680 = tpu.vector_load %arg6[%parallel_loop3A_678, %parallel_loop3A_679] {strides = array<i32>} : memref<128x256xf32, #tpu.memory_space<vmem>>, vector<1x16xf32>,
        %parallel_loop3A_681 = vector.shape_cast %parallel_loop3A_680 : vector<1x16xf32> to vector<16xf32>
        %parallel_loop3A_682 = arith.constant 8 : i32
        %parallel_loop3A_683 = arith.muli %parallel_loop3A_90, %parallel_loop3A_682 : i32
        %parallel_loop3A_684 = arith.constant 7 : i32
        %parallel_loop3A_685 = arith.addi %parallel_loop3A_683, %parallel_loop3A_684 : i32
        %parallel_loop3A_686 = arith.index_cast %parallel_loop3A_685 : i32 to index
        %parallel_loop3A_687 = arith.constant 112 : index
        %parallel_loop3A_688 = tpu.vector_load %arg6[%parallel_loop3A_686, %parallel_loop3A_687] {strides = array<i32>} : memref<128x256xf32, #tpu.memory_space<vmem>>, vector<1x16xf32>,
        %parallel_loop3A_689 = vector.shape_cast %parallel_loop3A_688 : vector<1x16xf32> to vector<16xf32>
        %parallel_loop3A_690 = arith.addf %parallel_loop3A_681, %parallel_loop3A_689 : vector<16xf32>
        %parallel_loop3A_691 = arith.addf %parallel_loop3A_639, %parallel_loop3A_656 : vector<16xf32>
        %parallel_loop3A_692 = arith.addf %parallel_loop3A_673, %parallel_loop3A_690 : vector<16xf32>
        %parallel_loop3A_693 = arith.addf %parallel_loop3A_691, %parallel_loop3A_692 : vector<16xf32>
        %parallel_loop3A_694 = arith.index_cast %parallel_loop3A_90 : i32 to index
        %parallel_loop3A_695 = arith.constant 112 : index
        %parallel_loop3A_696 = tpu.vector_load %arg8[%parallel_loop3A_694, %parallel_loop3A_695] {strides = array<i32>} : memref<16x256xf32, #tpu.memory_space<vmem>>, vector<1x16xf32>,
        %parallel_loop3A_697 = vector.shape_cast %parallel_loop3A_696 : vector<1x16xf32> to vector<16xf32>
        %parallel_loop3A_698 = vector.shape_cast %parallel_loop3A_693 : vector<16xf32> to vector<1x16xf32>
        tpu.vector_store %arg8[%parallel_loop3A_694, %parallel_loop3A_695], %parallel_loop3A_698 {strides = array<i32>} : memref<16x256xf32, #tpu.memory_space<vmem>>, vector<1x16xf32>,
        %parallel_loop3A_699 = arith.constant 8 : i32
        %parallel_loop3A_700 = arith.muli %parallel_loop3A_90, %parallel_loop3A_699 : i32
        %parallel_loop3A_701 = arith.constant 0 : i32
        %parallel_loop3A_702 = arith.addi %parallel_loop3A_700, %parallel_loop3A_701 : i32
        %parallel_loop3A_703 = arith.index_cast %parallel_loop3A_702 : i32 to index
        %parallel_loop3A_704 = arith.constant 128 : index
        %parallel_loop3A_705 = tpu.vector_load %arg6[%parallel_loop3A_703, %parallel_loop3A_704] {strides = array<i32>} : memref<128x256xf32, #tpu.memory_space<vmem>>, vector<1x16xf32>,
        %parallel_loop3A_706 = vector.shape_cast %parallel_loop3A_705 : vector<1x16xf32> to vector<16xf32>
        %parallel_loop3A_707 = arith.constant 8 : i32
        %parallel_loop3A_708 = arith.muli %parallel_loop3A_90, %parallel_loop3A_707 : i32
        %parallel_loop3A_709 = arith.constant 1 : i32
        %parallel_loop3A_710 = arith.addi %parallel_loop3A_708, %parallel_loop3A_709 : i32
        %parallel_loop3A_711 = arith.index_cast %parallel_loop3A_710 : i32 to index
        %parallel_loop3A_712 = arith.constant 128 : index
        %parallel_loop3A_713 = tpu.vector_load %arg6[%parallel_loop3A_711, %parallel_loop3A_712] {strides = array<i32>} : memref<128x256xf32, #tpu.memory_space<vmem>>, vector<1x16xf32>,
        %parallel_loop3A_714 = vector.shape_cast %parallel_loop3A_713 : vector<1x16xf32> to vector<16xf32>
        %parallel_loop3A_715 = arith.addf %parallel_loop3A_706, %parallel_loop3A_714 : vector<16xf32>
        %parallel_loop3A_716 = arith.constant 8 : i32
        %parallel_loop3A_717 = arith.muli %parallel_loop3A_90, %parallel_loop3A_716 : i32
        %parallel_loop3A_718 = arith.constant 2 : i32
        %parallel_loop3A_719 = arith.addi %parallel_loop3A_717, %parallel_loop3A_718 : i32
        %parallel_loop3A_720 = arith.index_cast %parallel_loop3A_719 : i32 to index
        %parallel_loop3A_721 = arith.constant 128 : index
        %parallel_loop3A_722 = tpu.vector_load %arg6[%parallel_loop3A_720, %parallel_loop3A_721] {strides = array<i32>} : memref<128x256xf32, #tpu.memory_space<vmem>>, vector<1x16xf32>,
        %parallel_loop3A_723 = vector.shape_cast %parallel_loop3A_722 : vector<1x16xf32> to vector<16xf32>
        %parallel_loop3A_724 = arith.constant 8 : i32
        %parallel_loop3A_725 = arith.muli %parallel_loop3A_90, %parallel_loop3A_724 : i32
        %parallel_loop3A_726 = arith.constant 3 : i32
        %parallel_loop3A_727 = arith.addi %parallel_loop3A_725, %parallel_loop3A_726 : i32
        %parallel_loop3A_728 = arith.index_cast %parallel_loop3A_727 : i32 to index
        %parallel_loop3A_729 = arith.constant 128 : index
        %parallel_loop3A_730 = tpu.vector_load %arg6[%parallel_loop3A_728, %parallel_loop3A_729] {strides = array<i32>} : memref<128x256xf32, #tpu.memory_space<vmem>>, vector<1x16xf32>,
        %parallel_loop3A_731 = vector.shape_cast %parallel_loop3A_730 : vector<1x16xf32> to vector<16xf32>
        %parallel_loop3A_732 = arith.addf %parallel_loop3A_723, %parallel_loop3A_731 : vector<16xf32>
        %parallel_loop3A_733 = arith.constant 8 : i32
        %parallel_loop3A_734 = arith.muli %parallel_loop3A_90, %parallel_loop3A_733 : i32
        %parallel_loop3A_735 = arith.constant 4 : i32
        %parallel_loop3A_736 = arith.addi %parallel_loop3A_734, %parallel_loop3A_735 : i32
        %parallel_loop3A_737 = arith.index_cast %parallel_loop3A_736 : i32 to index
        %parallel_loop3A_738 = arith.constant 128 : index
        %parallel_loop3A_739 = tpu.vector_load %arg6[%parallel_loop3A_737, %parallel_loop3A_738] {strides = array<i32>} : memref<128x256xf32, #tpu.memory_space<vmem>>, vector<1x16xf32>,
        %parallel_loop3A_740 = vector.shape_cast %parallel_loop3A_739 : vector<1x16xf32> to vector<16xf32>
        %parallel_loop3A_741 = arith.constant 8 : i32
        %parallel_loop3A_742 = arith.muli %parallel_loop3A_90, %parallel_loop3A_741 : i32
        %parallel_loop3A_743 = arith.constant 5 : i32
        %parallel_loop3A_744 = arith.addi %parallel_loop3A_742, %parallel_loop3A_743 : i32
        %parallel_loop3A_745 = arith.index_cast %parallel_loop3A_744 : i32 to index
        %parallel_loop3A_746 = arith.constant 128 : index
        %parallel_loop3A_747 = tpu.vector_load %arg6[%parallel_loop3A_745, %parallel_loop3A_746] {strides = array<i32>} : memref<128x256xf32, #tpu.memory_space<vmem>>, vector<1x16xf32>,
        %parallel_loop3A_748 = vector.shape_cast %parallel_loop3A_747 : vector<1x16xf32> to vector<16xf32>
        %parallel_loop3A_749 = arith.addf %parallel_loop3A_740, %parallel_loop3A_748 : vector<16xf32>
        %parallel_loop3A_750 = arith.constant 8 : i32
        %parallel_loop3A_751 = arith.muli %parallel_loop3A_90, %parallel_loop3A_750 : i32
        %parallel_loop3A_752 = arith.constant 6 : i32
        %parallel_loop3A_753 = arith.addi %parallel_loop3A_751, %parallel_loop3A_752 : i32
        %parallel_loop3A_754 = arith.index_cast %parallel_loop3A_753 : i32 to index
        %parallel_loop3A_755 = arith.constant 128 : index
        %parallel_loop3A_756 = tpu.vector_load %arg6[%parallel_loop3A_754, %parallel_loop3A_755] {strides = array<i32>} : memref<128x256xf32, #tpu.memory_space<vmem>>, vector<1x16xf32>,
        %parallel_loop3A_757 = vector.shape_cast %parallel_loop3A_756 : vector<1x16xf32> to vector<16xf32>
        %parallel_loop3A_758 = arith.constant 8 : i32
        %parallel_loop3A_759 = arith.muli %parallel_loop3A_90, %parallel_loop3A_758 : i32
        %parallel_loop3A_760 = arith.constant 7 : i32
        %parallel_loop3A_761 = arith.addi %parallel_loop3A_759, %parallel_loop3A_760 : i32
        %parallel_loop3A_762 = arith.index_cast %parallel_loop3A_761 : i32 to index
        %parallel_loop3A_763 = arith.constant 128 : index
        %parallel_loop3A_764 = tpu.vector_load %arg6[%parallel_loop3A_762, %parallel_loop3A_763] {strides = array<i32>} : memref<128x256xf32, #tpu.memory_space<vmem>>, vector<1x16xf32>,
        %parallel_loop3A_765 = vector.shape_cast %parallel_loop3A_764 : vector<1x16xf32> to vector<16xf32>
        %parallel_loop3A_766 = arith.addf %parallel_loop3A_757, %parallel_loop3A_765 : vector<16xf32>
        %parallel_loop3A_767 = arith.addf %parallel_loop3A_715, %parallel_loop3A_732 : vector<16xf32>
        %parallel_loop3A_768 = arith.addf %parallel_loop3A_749, %parallel_loop3A_766 : vector<16xf32>
        %parallel_loop3A_769 = arith.addf %parallel_loop3A_767, %parallel_loop3A_768 : vector<16xf32>
        %parallel_loop3A_770 = arith.index_cast %parallel_loop3A_90 : i32 to index
        %parallel_loop3A_771 = arith.constant 128 : index
        %parallel_loop3A_772 = tpu.vector_load %arg8[%parallel_loop3A_770, %parallel_loop3A_771] {strides = array<i32>} : memref<16x256xf32, #tpu.memory_space<vmem>>, vector<1x16xf32>,
        %parallel_loop3A_773 = vector.shape_cast %parallel_loop3A_772 : vector<1x16xf32> to vector<16xf32>
        %parallel_loop3A_774 = vector.shape_cast %parallel_loop3A_769 : vector<16xf32> to vector<1x16xf32>
        tpu.vector_store %arg8[%parallel_loop3A_770, %parallel_loop3A_771], %parallel_loop3A_774 {strides = array<i32>} : memref<16x256xf32, #tpu.memory_space<vmem>>, vector<1x16xf32>,
        %parallel_loop3A_775 = arith.constant 8 : i32
        %parallel_loop3A_776 = arith.muli %parallel_loop3A_90, %parallel_loop3A_775 : i32
        %parallel_loop3A_777 = arith.constant 0 : i32
        %parallel_loop3A_778 = arith.addi %parallel_loop3A_776, %parallel_loop3A_777 : i32
        %parallel_loop3A_779 = arith.index_cast %parallel_loop3A_778 : i32 to index
        %parallel_loop3A_780 = arith.constant 144 : index
        %parallel_loop3A_781 = tpu.vector_load %arg6[%parallel_loop3A_779, %parallel_loop3A_780] {strides = array<i32>} : memref<128x256xf32, #tpu.memory_space<vmem>>, vector<1x16xf32>,
        %parallel_loop3A_782 = vector.shape_cast %parallel_loop3A_781 : vector<1x16xf32> to vector<16xf32>
        %parallel_loop3A_783 = arith.constant 8 : i32
        %parallel_loop3A_784 = arith.muli %parallel_loop3A_90, %parallel_loop3A_783 : i32
        %parallel_loop3A_785 = arith.constant 1 : i32
        %parallel_loop3A_786 = arith.addi %parallel_loop3A_784, %parallel_loop3A_785 : i32
        %parallel_loop3A_787 = arith.index_cast %parallel_loop3A_786 : i32 to index
        %parallel_loop3A_788 = arith.constant 144 : index
        %parallel_loop3A_789 = tpu.vector_load %arg6[%parallel_loop3A_787, %parallel_loop3A_788] {strides = array<i32>} : memref<128x256xf32, #tpu.memory_space<vmem>>, vector<1x16xf32>,
        %parallel_loop3A_790 = vector.shape_cast %parallel_loop3A_789 : vector<1x16xf32> to vector<16xf32>
        %parallel_loop3A_791 = arith.addf %parallel_loop3A_782, %parallel_loop3A_790 : vector<16xf32>
        %parallel_loop3A_792 = arith.constant 8 : i32
        %parallel_loop3A_793 = arith.muli %parallel_loop3A_90, %parallel_loop3A_792 : i32
        %parallel_loop3A_794 = arith.constant 2 : i32
        %parallel_loop3A_795 = arith.addi %parallel_loop3A_793, %parallel_loop3A_794 : i32
        %parallel_loop3A_796 = arith.index_cast %parallel_loop3A_795 : i32 to index
        %parallel_loop3A_797 = arith.constant 144 : index
        %parallel_loop3A_798 = tpu.vector_load %arg6[%parallel_loop3A_796, %parallel_loop3A_797] {strides = array<i32>} : memref<128x256xf32, #tpu.memory_space<vmem>>, vector<1x16xf32>,
        %parallel_loop3A_799 = vector.shape_cast %parallel_loop3A_798 : vector<1x16xf32> to vector<16xf32>
        %parallel_loop3A_800 = arith.constant 8 : i32
        %parallel_loop3A_801 = arith.muli %parallel_loop3A_90, %parallel_loop3A_800 : i32
        %parallel_loop3A_802 = arith.constant 3 : i32
        %parallel_loop3A_803 = arith.addi %parallel_loop3A_801, %parallel_loop3A_802 : i32
        %parallel_loop3A_804 = arith.index_cast %parallel_loop3A_803 : i32 to index
        %parallel_loop3A_805 = arith.constant 144 : index
        %parallel_loop3A_806 = tpu.vector_load %arg6[%parallel_loop3A_804, %parallel_loop3A_805] {strides = array<i32>} : memref<128x256xf32, #tpu.memory_space<vmem>>, vector<1x16xf32>,
        %parallel_loop3A_807 = vector.shape_cast %parallel_loop3A_806 : vector<1x16xf32> to vector<16xf32>
        %parallel_loop3A_808 = arith.addf %parallel_loop3A_799, %parallel_loop3A_807 : vector<16xf32>
        %parallel_loop3A_809 = arith.constant 8 : i32
        %parallel_loop3A_810 = arith.muli %parallel_loop3A_90, %parallel_loop3A_809 : i32
        %parallel_loop3A_811 = arith.constant 4 : i32
        %parallel_loop3A_812 = arith.addi %parallel_loop3A_810, %parallel_loop3A_811 : i32
        %parallel_loop3A_813 = arith.index_cast %parallel_loop3A_812 : i32 to index
        %parallel_loop3A_814 = arith.constant 144 : index
        %parallel_loop3A_815 = tpu.vector_load %arg6[%parallel_loop3A_813, %parallel_loop3A_814] {strides = array<i32>} : memref<128x256xf32, #tpu.memory_space<vmem>>, vector<1x16xf32>,
        %parallel_loop3A_816 = vector.shape_cast %parallel_loop3A_815 : vector<1x16xf32> to vector<16xf32>
        %parallel_loop3A_817 = arith.constant 8 : i32
        %parallel_loop3A_818 = arith.muli %parallel_loop3A_90, %parallel_loop3A_817 : i32
        %parallel_loop3A_819 = arith.constant 5 : i32
        %parallel_loop3A_820 = arith.addi %parallel_loop3A_818, %parallel_loop3A_819 : i32
        %parallel_loop3A_821 = arith.index_cast %parallel_loop3A_820 : i32 to index
        %parallel_loop3A_822 = arith.constant 144 : index
        %parallel_loop3A_823 = tpu.vector_load %arg6[%parallel_loop3A_821, %parallel_loop3A_822] {strides = array<i32>} : memref<128x256xf32, #tpu.memory_space<vmem>>, vector<1x16xf32>,
        %parallel_loop3A_824 = vector.shape_cast %parallel_loop3A_823 : vector<1x16xf32> to vector<16xf32>
        %parallel_loop3A_825 = arith.addf %parallel_loop3A_816, %parallel_loop3A_824 : vector<16xf32>
        %parallel_loop3A_826 = arith.constant 8 : i32
        %parallel_loop3A_827 = arith.muli %parallel_loop3A_90, %parallel_loop3A_826 : i32
        %parallel_loop3A_828 = arith.constant 6 : i32
        %parallel_loop3A_829 = arith.addi %parallel_loop3A_827, %parallel_loop3A_828 : i32
        %parallel_loop3A_830 = arith.index_cast %parallel_loop3A_829 : i32 to index
        %parallel_loop3A_831 = arith.constant 144 : index
        %parallel_loop3A_832 = tpu.vector_load %arg6[%parallel_loop3A_830, %parallel_loop3A_831] {strides = array<i32>} : memref<128x256xf32, #tpu.memory_space<vmem>>, vector<1x16xf32>,
        %parallel_loop3A_833 = vector.shape_cast %parallel_loop3A_832 : vector<1x16xf32> to vector<16xf32>
        %parallel_loop3A_834 = arith.constant 8 : i32
        %parallel_loop3A_835 = arith.muli %parallel_loop3A_90, %parallel_loop3A_834 : i32
        %parallel_loop3A_836 = arith.constant 7 : i32
        %parallel_loop3A_837 = arith.addi %parallel_loop3A_835, %parallel_loop3A_836 : i32
        %parallel_loop3A_838 = arith.index_cast %parallel_loop3A_837 : i32 to index
        %parallel_loop3A_839 = arith.constant 144 : index
        %parallel_loop3A_840 = tpu.vector_load %arg6[%parallel_loop3A_838, %parallel_loop3A_839] {strides = array<i32>} : memref<128x256xf32, #tpu.memory_space<vmem>>, vector<1x16xf32>,
        %parallel_loop3A_841 = vector.shape_cast %parallel_loop3A_840 : vector<1x16xf32> to vector<16xf32>
        %parallel_loop3A_842 = arith.addf %parallel_loop3A_833, %parallel_loop3A_841 : vector<16xf32>
        %parallel_loop3A_843 = arith.addf %parallel_loop3A_791, %parallel_loop3A_808 : vector<16xf32>
        %parallel_loop3A_844 = arith.addf %parallel_loop3A_825, %parallel_loop3A_842 : vector<16xf32>
        %parallel_loop3A_845 = arith.addf %parallel_loop3A_843, %parallel_loop3A_844 : vector<16xf32>
        %parallel_loop3A_846 = arith.index_cast %parallel_loop3A_90 : i32 to index
        %parallel_loop3A_847 = arith.constant 144 : index
        %parallel_loop3A_848 = tpu.vector_load %arg8[%parallel_loop3A_846, %parallel_loop3A_847] {strides = array<i32>} : memref<16x256xf32, #tpu.memory_space<vmem>>, vector<1x16xf32>,
        %parallel_loop3A_849 = vector.shape_cast %parallel_loop3A_848 : vector<1x16xf32> to vector<16xf32>
        %parallel_loop3A_850 = vector.shape_cast %parallel_loop3A_845 : vector<16xf32> to vector<1x16xf32>
        tpu.vector_store %arg8[%parallel_loop3A_846, %parallel_loop3A_847], %parallel_loop3A_850 {strides = array<i32>} : memref<16x256xf32, #tpu.memory_space<vmem>>, vector<1x16xf32>,
        %parallel_loop3A_851 = arith.constant 8 : i32
        %parallel_loop3A_852 = arith.muli %parallel_loop3A_90, %parallel_loop3A_851 : i32
        %parallel_loop3A_853 = arith.constant 0 : i32
        %parallel_loop3A_854 = arith.addi %parallel_loop3A_852, %parallel_loop3A_853 : i32
        %parallel_loop3A_855 = arith.index_cast %parallel_loop3A_854 : i32 to index
        %parallel_loop3A_856 = arith.constant 160 : index
        %parallel_loop3A_857 = tpu.vector_load %arg6[%parallel_loop3A_855, %parallel_loop3A_856] {strides = array<i32>} : memref<128x256xf32, #tpu.memory_space<vmem>>, vector<1x16xf32>,
        %parallel_loop3A_858 = vector.shape_cast %parallel_loop3A_857 : vector<1x16xf32> to vector<16xf32>
        %parallel_loop3A_859 = arith.constant 8 : i32
        %parallel_loop3A_860 = arith.muli %parallel_loop3A_90, %parallel_loop3A_859 : i32
        %parallel_loop3A_861 = arith.constant 1 : i32
        %parallel_loop3A_862 = arith.addi %parallel_loop3A_860, %parallel_loop3A_861 : i32
        %parallel_loop3A_863 = arith.index_cast %parallel_loop3A_862 : i32 to index
        %parallel_loop3A_864 = arith.constant 160 : index
        %parallel_loop3A_865 = tpu.vector_load %arg6[%parallel_loop3A_863, %parallel_loop3A_864] {strides = array<i32>} : memref<128x256xf32, #tpu.memory_space<vmem>>, vector<1x16xf32>,
        %parallel_loop3A_866 = vector.shape_cast %parallel_loop3A_865 : vector<1x16xf32> to vector<16xf32>
        %parallel_loop3A_867 = arith.addf %parallel_loop3A_858, %parallel_loop3A_866 : vector<16xf32>
        %parallel_loop3A_868 = arith.constant 8 : i32
        %parallel_loop3A_869 = arith.muli %parallel_loop3A_90, %parallel_loop3A_868 : i32
        %parallel_loop3A_870 = arith.constant 2 : i32
        %parallel_loop3A_871 = arith.addi %parallel_loop3A_869, %parallel_loop3A_870 : i32
        %parallel_loop3A_872 = arith.index_cast %parallel_loop3A_871 : i32 to index
        %parallel_loop3A_873 = arith.constant 160 : index
        %parallel_loop3A_874 = tpu.vector_load %arg6[%parallel_loop3A_872, %parallel_loop3A_873] {strides = array<i32>} : memref<128x256xf32, #tpu.memory_space<vmem>>, vector<1x16xf32>,
        %parallel_loop3A_875 = vector.shape_cast %parallel_loop3A_874 : vector<1x16xf32> to vector<16xf32>
        %parallel_loop3A_876 = arith.constant 8 : i32
        %parallel_loop3A_877 = arith.muli %parallel_loop3A_90, %parallel_loop3A_876 : i32
        %parallel_loop3A_878 = arith.constant 3 : i32
        %parallel_loop3A_879 = arith.addi %parallel_loop3A_877, %parallel_loop3A_878 : i32
        %parallel_loop3A_880 = arith.index_cast %parallel_loop3A_879 : i32 to index
        %parallel_loop3A_881 = arith.constant 160 : index
        %parallel_loop3A_882 = tpu.vector_load %arg6[%parallel_loop3A_880, %parallel_loop3A_881] {strides = array<i32>} : memref<128x256xf32, #tpu.memory_space<vmem>>, vector<1x16xf32>,
        %parallel_loop3A_883 = vector.shape_cast %parallel_loop3A_882 : vector<1x16xf32> to vector<16xf32>
        %parallel_loop3A_884 = arith.addf %parallel_loop3A_875, %parallel_loop3A_883 : vector<16xf32>
        %parallel_loop3A_885 = arith.constant 8 : i32
        %parallel_loop3A_886 = arith.muli %parallel_loop3A_90, %parallel_loop3A_885 : i32
        %parallel_loop3A_887 = arith.constant 4 : i32
        %parallel_loop3A_888 = arith.addi %parallel_loop3A_886, %parallel_loop3A_887 : i32
        %parallel_loop3A_889 = arith.index_cast %parallel_loop3A_888 : i32 to index
        %parallel_loop3A_890 = arith.constant 160 : index
        %parallel_loop3A_891 = tpu.vector_load %arg6[%parallel_loop3A_889, %parallel_loop3A_890] {strides = array<i32>} : memref<128x256xf32, #tpu.memory_space<vmem>>, vector<1x16xf32>,
        %parallel_loop3A_892 = vector.shape_cast %parallel_loop3A_891 : vector<1x16xf32> to vector<16xf32>
        %parallel_loop3A_893 = arith.constant 8 : i32
        %parallel_loop3A_894 = arith.muli %parallel_loop3A_90, %parallel_loop3A_893 : i32
        %parallel_loop3A_895 = arith.constant 5 : i32
        %parallel_loop3A_896 = arith.addi %parallel_loop3A_894, %parallel_loop3A_895 : i32
        %parallel_loop3A_897 = arith.index_cast %parallel_loop3A_896 : i32 to index
        %parallel_loop3A_898 = arith.constant 160 : index
        %parallel_loop3A_899 = tpu.vector_load %arg6[%parallel_loop3A_897, %parallel_loop3A_898] {strides = array<i32>} : memref<128x256xf32, #tpu.memory_space<vmem>>, vector<1x16xf32>,
        %parallel_loop3A_900 = vector.shape_cast %parallel_loop3A_899 : vector<1x16xf32> to vector<16xf32>
        %parallel_loop3A_901 = arith.addf %parallel_loop3A_892, %parallel_loop3A_900 : vector<16xf32>
        %parallel_loop3A_902 = arith.constant 8 : i32
        %parallel_loop3A_903 = arith.muli %parallel_loop3A_90, %parallel_loop3A_902 : i32
        %parallel_loop3A_904 = arith.constant 6 : i32
        %parallel_loop3A_905 = arith.addi %parallel_loop3A_903, %parallel_loop3A_904 : i32
        %parallel_loop3A_906 = arith.index_cast %parallel_loop3A_905 : i32 to index
        %parallel_loop3A_907 = arith.constant 160 : index
        %parallel_loop3A_908 = tpu.vector_load %arg6[%parallel_loop3A_906, %parallel_loop3A_907] {strides = array<i32>} : memref<128x256xf32, #tpu.memory_space<vmem>>, vector<1x16xf32>,
        %parallel_loop3A_909 = vector.shape_cast %parallel_loop3A_908 : vector<1x16xf32> to vector<16xf32>
        %parallel_loop3A_910 = arith.constant 8 : i32
        %parallel_loop3A_911 = arith.muli %parallel_loop3A_90, %parallel_loop3A_910 : i32
        %parallel_loop3A_912 = arith.constant 7 : i32
        %parallel_loop3A_913 = arith.addi %parallel_loop3A_911, %parallel_loop3A_912 : i32
        %parallel_loop3A_914 = arith.index_cast %parallel_loop3A_913 : i32 to index
        %parallel_loop3A_915 = arith.constant 160 : index
        %parallel_loop3A_916 = tpu.vector_load %arg6[%parallel_loop3A_914, %parallel_loop3A_915] {strides = array<i32>} : memref<128x256xf32, #tpu.memory_space<vmem>>, vector<1x16xf32>,
        %parallel_loop3A_917 = vector.shape_cast %parallel_loop3A_916 : vector<1x16xf32> to vector<16xf32>
        %parallel_loop3A_918 = arith.addf %parallel_loop3A_909, %parallel_loop3A_917 : vector<16xf32>
        %parallel_loop3A_919 = arith.addf %parallel_loop3A_867, %parallel_loop3A_884 : vector<16xf32>
        %parallel_loop3A_920 = arith.addf %parallel_loop3A_901, %parallel_loop3A_918 : vector<16xf32>
        %parallel_loop3A_921 = arith.addf %parallel_loop3A_919, %parallel_loop3A_920 : vector<16xf32>
        %parallel_loop3A_922 = arith.index_cast %parallel_loop3A_90 : i32 to index
        %parallel_loop3A_923 = arith.constant 160 : index
        %parallel_loop3A_924 = tpu.vector_load %arg8[%parallel_loop3A_922, %parallel_loop3A_923] {strides = array<i32>} : memref<16x256xf32, #tpu.memory_space<vmem>>, vector<1x16xf32>,
        %parallel_loop3A_925 = vector.shape_cast %parallel_loop3A_924 : vector<1x16xf32> to vector<16xf32>
        %parallel_loop3A_926 = vector.shape_cast %parallel_loop3A_921 : vector<16xf32> to vector<1x16xf32>
        tpu.vector_store %arg8[%parallel_loop3A_922, %parallel_loop3A_923], %parallel_loop3A_926 {strides = array<i32>} : memref<16x256xf32, #tpu.memory_space<vmem>>, vector<1x16xf32>,
        %parallel_loop3A_927 = arith.constant 8 : i32
        %parallel_loop3A_928 = arith.muli %parallel_loop3A_90, %parallel_loop3A_927 : i32
        %parallel_loop3A_929 = arith.constant 0 : i32
        %parallel_loop3A_930 = arith.addi %parallel_loop3A_928, %parallel_loop3A_929 : i32
        %parallel_loop3A_931 = arith.index_cast %parallel_loop3A_930 : i32 to index
        %parallel_loop3A_932 = arith.constant 176 : index
        %parallel_loop3A_933 = tpu.vector_load %arg6[%parallel_loop3A_931, %parallel_loop3A_932] {strides = array<i32>} : memref<128x256xf32, #tpu.memory_space<vmem>>, vector<1x16xf32>,
        %parallel_loop3A_934 = vector.shape_cast %parallel_loop3A_933 : vector<1x16xf32> to vector<16xf32>
        %parallel_loop3A_935 = arith.constant 8 : i32
        %parallel_loop3A_936 = arith.muli %parallel_loop3A_90, %parallel_loop3A_935 : i32
        %parallel_loop3A_937 = arith.constant 1 : i32
        %parallel_loop3A_938 = arith.addi %parallel_loop3A_936, %parallel_loop3A_937 : i32
        %parallel_loop3A_939 = arith.index_cast %parallel_loop3A_938 : i32 to index
        %parallel_loop3A_940 = arith.constant 176 : index
        %parallel_loop3A_941 = tpu.vector_load %arg6[%parallel_loop3A_939, %parallel_loop3A_940] {strides = array<i32>} : memref<128x256xf32, #tpu.memory_space<vmem>>, vector<1x16xf32>,
        %parallel_loop3A_942 = vector.shape_cast %parallel_loop3A_941 : vector<1x16xf32> to vector<16xf32>
        %parallel_loop3A_943 = arith.addf %parallel_loop3A_934, %parallel_loop3A_942 : vector<16xf32>
        %parallel_loop3A_944 = arith.constant 8 : i32
        %parallel_loop3A_945 = arith.muli %parallel_loop3A_90, %parallel_loop3A_944 : i32
        %parallel_loop3A_946 = arith.constant 2 : i32
        %parallel_loop3A_947 = arith.addi %parallel_loop3A_945, %parallel_loop3A_946 : i32
        %parallel_loop3A_948 = arith.index_cast %parallel_loop3A_947 : i32 to index
        %parallel_loop3A_949 = arith.constant 176 : index
        %parallel_loop3A_950 = tpu.vector_load %arg6[%parallel_loop3A_948, %parallel_loop3A_949] {strides = array<i32>} : memref<128x256xf32, #tpu.memory_space<vmem>>, vector<1x16xf32>,
        %parallel_loop3A_951 = vector.shape_cast %parallel_loop3A_950 : vector<1x16xf32> to vector<16xf32>
        %parallel_loop3A_952 = arith.constant 8 : i32
        %parallel_loop3A_953 = arith.muli %parallel_loop3A_90, %parallel_loop3A_952 : i32
        %parallel_loop3A_954 = arith.constant 3 : i32
        %parallel_loop3A_955 = arith.addi %parallel_loop3A_953, %parallel_loop3A_954 : i32
        %parallel_loop3A_956 = arith.index_cast %parallel_loop3A_955 : i32 to index
        %parallel_loop3A_957 = arith.constant 176 : index
        %parallel_loop3A_958 = tpu.vector_load %arg6[%parallel_loop3A_956, %parallel_loop3A_957] {strides = array<i32>} : memref<128x256xf32, #tpu.memory_space<vmem>>, vector<1x16xf32>,
        %parallel_loop3A_959 = vector.shape_cast %parallel_loop3A_958 : vector<1x16xf32> to vector<16xf32>
        %parallel_loop3A_960 = arith.addf %parallel_loop3A_951, %parallel_loop3A_959 : vector<16xf32>
        %parallel_loop3A_961 = arith.constant 8 : i32
        %parallel_loop3A_962 = arith.muli %parallel_loop3A_90, %parallel_loop3A_961 : i32
        %parallel_loop3A_963 = arith.constant 4 : i32
        %parallel_loop3A_964 = arith.addi %parallel_loop3A_962, %parallel_loop3A_963 : i32
        %parallel_loop3A_965 = arith.index_cast %parallel_loop3A_964 : i32 to index
        %parallel_loop3A_966 = arith.constant 176 : index
        %parallel_loop3A_967 = tpu.vector_load %arg6[%parallel_loop3A_965, %parallel_loop3A_966] {strides = array<i32>} : memref<128x256xf32, #tpu.memory_space<vmem>>, vector<1x16xf32>,
        %parallel_loop3A_968 = vector.shape_cast %parallel_loop3A_967 : vector<1x16xf32> to vector<16xf32>
        %parallel_loop3A_969 = arith.constant 8 : i32
        %parallel_loop3A_970 = arith.muli %parallel_loop3A_90, %parallel_loop3A_969 : i32
        %parallel_loop3A_971 = arith.constant 5 : i32
        %parallel_loop3A_972 = arith.addi %parallel_loop3A_970, %parallel_loop3A_971 : i32
        %parallel_loop3A_973 = arith.index_cast %parallel_loop3A_972 : i32 to index
        %parallel_loop3A_974 = arith.constant 176 : index
        %parallel_loop3A_975 = tpu.vector_load %arg6[%parallel_loop3A_973, %parallel_loop3A_974] {strides = array<i32>} : memref<128x256xf32, #tpu.memory_space<vmem>>, vector<1x16xf32>,
        %parallel_loop3A_976 = vector.shape_cast %parallel_loop3A_975 : vector<1x16xf32> to vector<16xf32>
        %parallel_loop3A_977 = arith.addf %parallel_loop3A_968, %parallel_loop3A_976 : vector<16xf32>
        %parallel_loop3A_978 = arith.constant 8 : i32
        %parallel_loop3A_979 = arith.muli %parallel_loop3A_90, %parallel_loop3A_978 : i32
        %parallel_loop3A_980 = arith.constant 6 : i32
        %parallel_loop3A_981 = arith.addi %parallel_loop3A_979, %parallel_loop3A_980 : i32
        %parallel_loop3A_982 = arith.index_cast %parallel_loop3A_981 : i32 to index
        %parallel_loop3A_983 = arith.constant 176 : index
        %parallel_loop3A_984 = tpu.vector_load %arg6[%parallel_loop3A_982, %parallel_loop3A_983] {strides = array<i32>} : memref<128x256xf32, #tpu.memory_space<vmem>>, vector<1x16xf32>,
        %parallel_loop3A_985 = vector.shape_cast %parallel_loop3A_984 : vector<1x16xf32> to vector<16xf32>
        %parallel_loop3A_986 = arith.constant 8 : i32
        %parallel_loop3A_987 = arith.muli %parallel_loop3A_90, %parallel_loop3A_986 : i32
        %parallel_loop3A_988 = arith.constant 7 : i32
        %parallel_loop3A_989 = arith.addi %parallel_loop3A_987, %parallel_loop3A_988 : i32
        %parallel_loop3A_990 = arith.index_cast %parallel_loop3A_989 : i32 to index
        %parallel_loop3A_991 = arith.constant 176 : index
        %parallel_loop3A_992 = tpu.vector_load %arg6[%parallel_loop3A_990, %parallel_loop3A_991] {strides = array<i32>} : memref<128x256xf32, #tpu.memory_space<vmem>>, vector<1x16xf32>,
        %parallel_loop3A_993 = vector.shape_cast %parallel_loop3A_992 : vector<1x16xf32> to vector<16xf32>
        %parallel_loop3A_994 = arith.addf %parallel_loop3A_985, %parallel_loop3A_993 : vector<16xf32>
        %parallel_loop3A_995 = arith.addf %parallel_loop3A_943, %parallel_loop3A_960 : vector<16xf32>
        %parallel_loop3A_996 = arith.addf %parallel_loop3A_977, %parallel_loop3A_994 : vector<16xf32>
        %parallel_loop3A_997 = arith.addf %parallel_loop3A_995, %parallel_loop3A_996 : vector<16xf32>
        %parallel_loop3A_998 = arith.index_cast %parallel_loop3A_90 : i32 to index
        %parallel_loop3A_999 = arith.constant 176 : index
        %parallel_loop3A_1000 = tpu.vector_load %arg8[%parallel_loop3A_998, %parallel_loop3A_999] {strides = array<i32>} : memref<16x256xf32, #tpu.memory_space<vmem>>, vector<1x16xf32>,
        %parallel_loop3A_1001 = vector.shape_cast %parallel_loop3A_1000 : vector<1x16xf32> to vector<16xf32>
        %parallel_loop3A_1002 = vector.shape_cast %parallel_loop3A_997 : vector<16xf32> to vector<1x16xf32>
        tpu.vector_store %arg8[%parallel_loop3A_998, %parallel_loop3A_999], %parallel_loop3A_1002 {strides = array<i32>} : memref<16x256xf32, #tpu.memory_space<vmem>>, vector<1x16xf32>,
        %parallel_loop3A_1003 = arith.constant 8 : i32
        %parallel_loop3A_1004 = arith.muli %parallel_loop3A_90, %parallel_loop3A_1003 : i32
        %parallel_loop3A_1005 = arith.constant 0 : i32
        %parallel_loop3A_1006 = arith.addi %parallel_loop3A_1004, %parallel_loop3A_1005 : i32
        %parallel_loop3A_1007 = arith.index_cast %parallel_loop3A_1006 : i32 to index
        %parallel_loop3A_1008 = arith.constant 192 : index
        %parallel_loop3A_1009 = tpu.vector_load %arg6[%parallel_loop3A_1007, %parallel_loop3A_1008] {strides = array<i32>} : memref<128x256xf32, #tpu.memory_space<vmem>>, vector<1x16xf32>,
        %parallel_loop3A_1010 = vector.shape_cast %parallel_loop3A_1009 : vector<1x16xf32> to vector<16xf32>
        %parallel_loop3A_1011 = arith.constant 8 : i32
        %parallel_loop3A_1012 = arith.muli %parallel_loop3A_90, %parallel_loop3A_1011 : i32
        %parallel_loop3A_1013 = arith.constant 1 : i32
        %parallel_loop3A_1014 = arith.addi %parallel_loop3A_1012, %parallel_loop3A_1013 : i32
        %parallel_loop3A_1015 = arith.index_cast %parallel_loop3A_1014 : i32 to index
        %parallel_loop3A_1016 = arith.constant 192 : index
        %parallel_loop3A_1017 = tpu.vector_load %arg6[%parallel_loop3A_1015, %parallel_loop3A_1016] {strides = array<i32>} : memref<128x256xf32, #tpu.memory_space<vmem>>, vector<1x16xf32>,
        %parallel_loop3A_1018 = vector.shape_cast %parallel_loop3A_1017 : vector<1x16xf32> to vector<16xf32>
        %parallel_loop3A_1019 = arith.addf %parallel_loop3A_1010, %parallel_loop3A_1018 : vector<16xf32>
        %parallel_loop3A_1020 = arith.constant 8 : i32
        %parallel_loop3A_1021 = arith.muli %parallel_loop3A_90, %parallel_loop3A_1020 : i32
        %parallel_loop3A_1022 = arith.constant 2 : i32
        %parallel_loop3A_1023 = arith.addi %parallel_loop3A_1021, %parallel_loop3A_1022 : i32
        %parallel_loop3A_1024 = arith.index_cast %parallel_loop3A_1023 : i32 to index
        %parallel_loop3A_1025 = arith.constant 192 : index
        %parallel_loop3A_1026 = tpu.vector_load %arg6[%parallel_loop3A_1024, %parallel_loop3A_1025] {strides = array<i32>} : memref<128x256xf32, #tpu.memory_space<vmem>>, vector<1x16xf32>,
        %parallel_loop3A_1027 = vector.shape_cast %parallel_loop3A_1026 : vector<1x16xf32> to vector<16xf32>
        %parallel_loop3A_1028 = arith.constant 8 : i32
        %parallel_loop3A_1029 = arith.muli %parallel_loop3A_90, %parallel_loop3A_1028 : i32
        %parallel_loop3A_1030 = arith.constant 3 : i32
        %parallel_loop3A_1031 = arith.addi %parallel_loop3A_1029, %parallel_loop3A_1030 : i32
        %parallel_loop3A_1032 = arith.index_cast %parallel_loop3A_1031 : i32 to index
        %parallel_loop3A_1033 = arith.constant 192 : index
        %parallel_loop3A_1034 = tpu.vector_load %arg6[%parallel_loop3A_1032, %parallel_loop3A_1033] {strides = array<i32>} : memref<128x256xf32, #tpu.memory_space<vmem>>, vector<1x16xf32>,
        %parallel_loop3A_1035 = vector.shape_cast %parallel_loop3A_1034 : vector<1x16xf32> to vector<16xf32>
        %parallel_loop3A_1036 = arith.addf %parallel_loop3A_1027, %parallel_loop3A_1035 : vector<16xf32>
        %parallel_loop3A_1037 = arith.constant 8 : i32
        %parallel_loop3A_1038 = arith.muli %parallel_loop3A_90, %parallel_loop3A_1037 : i32
        %parallel_loop3A_1039 = arith.constant 4 : i32
        %parallel_loop3A_1040 = arith.addi %parallel_loop3A_1038, %parallel_loop3A_1039 : i32
        %parallel_loop3A_1041 = arith.index_cast %parallel_loop3A_1040 : i32 to index
        %parallel_loop3A_1042 = arith.constant 192 : index
        %parallel_loop3A_1043 = tpu.vector_load %arg6[%parallel_loop3A_1041, %parallel_loop3A_1042] {strides = array<i32>} : memref<128x256xf32, #tpu.memory_space<vmem>>, vector<1x16xf32>,
        %parallel_loop3A_1044 = vector.shape_cast %parallel_loop3A_1043 : vector<1x16xf32> to vector<16xf32>
        %parallel_loop3A_1045 = arith.constant 8 : i32
        %parallel_loop3A_1046 = arith.muli %parallel_loop3A_90, %parallel_loop3A_1045 : i32
        %parallel_loop3A_1047 = arith.constant 5 : i32
        %parallel_loop3A_1048 = arith.addi %parallel_loop3A_1046, %parallel_loop3A_1047 : i32
        %parallel_loop3A_1049 = arith.index_cast %parallel_loop3A_1048 : i32 to index
        %parallel_loop3A_1050 = arith.constant 192 : index
        %parallel_loop3A_1051 = tpu.vector_load %arg6[%parallel_loop3A_1049, %parallel_loop3A_1050] {strides = array<i32>} : memref<128x256xf32, #tpu.memory_space<vmem>>, vector<1x16xf32>,
        %parallel_loop3A_1052 = vector.shape_cast %parallel_loop3A_1051 : vector<1x16xf32> to vector<16xf32>
        %parallel_loop3A_1053 = arith.addf %parallel_loop3A_1044, %parallel_loop3A_1052 : vector<16xf32>
        %parallel_loop3A_1054 = arith.constant 8 : i32
        %parallel_loop3A_1055 = arith.muli %parallel_loop3A_90, %parallel_loop3A_1054 : i32
        %parallel_loop3A_1056 = arith.constant 6 : i32
        %parallel_loop3A_1057 = arith.addi %parallel_loop3A_1055, %parallel_loop3A_1056 : i32
        %parallel_loop3A_1058 = arith.index_cast %parallel_loop3A_1057 : i32 to index
        %parallel_loop3A_1059 = arith.constant 192 : index
        %parallel_loop3A_1060 = tpu.vector_load %arg6[%parallel_loop3A_1058, %parallel_loop3A_1059] {strides = array<i32>} : memref<128x256xf32, #tpu.memory_space<vmem>>, vector<1x16xf32>,
        %parallel_loop3A_1061 = vector.shape_cast %parallel_loop3A_1060 : vector<1x16xf32> to vector<16xf32>
        %parallel_loop3A_1062 = arith.constant 8 : i32
        %parallel_loop3A_1063 = arith.muli %parallel_loop3A_90, %parallel_loop3A_1062 : i32
        %parallel_loop3A_1064 = arith.constant 7 : i32
        %parallel_loop3A_1065 = arith.addi %parallel_loop3A_1063, %parallel_loop3A_1064 : i32
        %parallel_loop3A_1066 = arith.index_cast %parallel_loop3A_1065 : i32 to index
        %parallel_loop3A_1067 = arith.constant 192 : index
        %parallel_loop3A_1068 = tpu.vector_load %arg6[%parallel_loop3A_1066, %parallel_loop3A_1067] {strides = array<i32>} : memref<128x256xf32, #tpu.memory_space<vmem>>, vector<1x16xf32>,
        %parallel_loop3A_1069 = vector.shape_cast %parallel_loop3A_1068 : vector<1x16xf32> to vector<16xf32>
        %parallel_loop3A_1070 = arith.addf %parallel_loop3A_1061, %parallel_loop3A_1069 : vector<16xf32>
        %parallel_loop3A_1071 = arith.addf %parallel_loop3A_1019, %parallel_loop3A_1036 : vector<16xf32>
        %parallel_loop3A_1072 = arith.addf %parallel_loop3A_1053, %parallel_loop3A_1070 : vector<16xf32>
        %parallel_loop3A_1073 = arith.addf %parallel_loop3A_1071, %parallel_loop3A_1072 : vector<16xf32>
        %parallel_loop3A_1074 = arith.index_cast %parallel_loop3A_90 : i32 to index
        %parallel_loop3A_1075 = arith.constant 192 : index
        %parallel_loop3A_1076 = tpu.vector_load %arg8[%parallel_loop3A_1074, %parallel_loop3A_1075] {strides = array<i32>} : memref<16x256xf32, #tpu.memory_space<vmem>>, vector<1x16xf32>,
        %parallel_loop3A_1077 = vector.shape_cast %parallel_loop3A_1076 : vector<1x16xf32> to vector<16xf32>
        %parallel_loop3A_1078 = vector.shape_cast %parallel_loop3A_1073 : vector<16xf32> to vector<1x16xf32>
        tpu.vector_store %arg8[%parallel_loop3A_1074, %parallel_loop3A_1075], %parallel_loop3A_1078 {strides = array<i32>} : memref<16x256xf32, #tpu.memory_space<vmem>>, vector<1x16xf32>,
        %parallel_loop3A_1079 = arith.constant 8 : i32
        %parallel_loop3A_1080 = arith.muli %parallel_loop3A_90, %parallel_loop3A_1079 : i32
        %parallel_loop3A_1081 = arith.constant 0 : i32
        %parallel_loop3A_1082 = arith.addi %parallel_loop3A_1080, %parallel_loop3A_1081 : i32
        %parallel_loop3A_1083 = arith.index_cast %parallel_loop3A_1082 : i32 to index
        %parallel_loop3A_1084 = arith.constant 208 : index
        %parallel_loop3A_1085 = tpu.vector_load %arg6[%parallel_loop3A_1083, %parallel_loop3A_1084] {strides = array<i32>} : memref<128x256xf32, #tpu.memory_space<vmem>>, vector<1x16xf32>,
        %parallel_loop3A_1086 = vector.shape_cast %parallel_loop3A_1085 : vector<1x16xf32> to vector<16xf32>
        %parallel_loop3A_1087 = arith.constant 8 : i32
        %parallel_loop3A_1088 = arith.muli %parallel_loop3A_90, %parallel_loop3A_1087 : i32
        %parallel_loop3A_1089 = arith.constant 1 : i32
        %parallel_loop3A_1090 = arith.addi %parallel_loop3A_1088, %parallel_loop3A_1089 : i32
        %parallel_loop3A_1091 = arith.index_cast %parallel_loop3A_1090 : i32 to index
        %parallel_loop3A_1092 = arith.constant 208 : index
        %parallel_loop3A_1093 = tpu.vector_load %arg6[%parallel_loop3A_1091, %parallel_loop3A_1092] {strides = array<i32>} : memref<128x256xf32, #tpu.memory_space<vmem>>, vector<1x16xf32>,
        %parallel_loop3A_1094 = vector.shape_cast %parallel_loop3A_1093 : vector<1x16xf32> to vector<16xf32>
        %parallel_loop3A_1095 = arith.addf %parallel_loop3A_1086, %parallel_loop3A_1094 : vector<16xf32>
        %parallel_loop3A_1096 = arith.constant 8 : i32
        %parallel_loop3A_1097 = arith.muli %parallel_loop3A_90, %parallel_loop3A_1096 : i32
        %parallel_loop3A_1098 = arith.constant 2 : i32
        %parallel_loop3A_1099 = arith.addi %parallel_loop3A_1097, %parallel_loop3A_1098 : i32
        %parallel_loop3A_1100 = arith.index_cast %parallel_loop3A_1099 : i32 to index
        %parallel_loop3A_1101 = arith.constant 208 : index
        %parallel_loop3A_1102 = tpu.vector_load %arg6[%parallel_loop3A_1100, %parallel_loop3A_1101] {strides = array<i32>} : memref<128x256xf32, #tpu.memory_space<vmem>>, vector<1x16xf32>,
        %parallel_loop3A_1103 = vector.shape_cast %parallel_loop3A_1102 : vector<1x16xf32> to vector<16xf32>
        %parallel_loop3A_1104 = arith.constant 8 : i32
        %parallel_loop3A_1105 = arith.muli %parallel_loop3A_90, %parallel_loop3A_1104 : i32
        %parallel_loop3A_1106 = arith.constant 3 : i32
        %parallel_loop3A_1107 = arith.addi %parallel_loop3A_1105, %parallel_loop3A_1106 : i32
        %parallel_loop3A_1108 = arith.index_cast %parallel_loop3A_1107 : i32 to index
        %parallel_loop3A_1109 = arith.constant 208 : index
        %parallel_loop3A_1110 = tpu.vector_load %arg6[%parallel_loop3A_1108, %parallel_loop3A_1109] {strides = array<i32>} : memref<128x256xf32, #tpu.memory_space<vmem>>, vector<1x16xf32>,
        %parallel_loop3A_1111 = vector.shape_cast %parallel_loop3A_1110 : vector<1x16xf32> to vector<16xf32>
        %parallel_loop3A_1112 = arith.addf %parallel_loop3A_1103, %parallel_loop3A_1111 : vector<16xf32>
        %parallel_loop3A_1113 = arith.constant 8 : i32
        %parallel_loop3A_1114 = arith.muli %parallel_loop3A_90, %parallel_loop3A_1113 : i32
        %parallel_loop3A_1115 = arith.constant 4 : i32
        %parallel_loop3A_1116 = arith.addi %parallel_loop3A_1114, %parallel_loop3A_1115 : i32
        %parallel_loop3A_1117 = arith.index_cast %parallel_loop3A_1116 : i32 to index
        %parallel_loop3A_1118 = arith.constant 208 : index
        %parallel_loop3A_1119 = tpu.vector_load %arg6[%parallel_loop3A_1117, %parallel_loop3A_1118] {strides = array<i32>} : memref<128x256xf32, #tpu.memory_space<vmem>>, vector<1x16xf32>,
        %parallel_loop3A_1120 = vector.shape_cast %parallel_loop3A_1119 : vector<1x16xf32> to vector<16xf32>
        %parallel_loop3A_1121 = arith.constant 8 : i32
        %parallel_loop3A_1122 = arith.muli %parallel_loop3A_90, %parallel_loop3A_1121 : i32
        %parallel_loop3A_1123 = arith.constant 5 : i32
        %parallel_loop3A_1124 = arith.addi %parallel_loop3A_1122, %parallel_loop3A_1123 : i32
        %parallel_loop3A_1125 = arith.index_cast %parallel_loop3A_1124 : i32 to index
        %parallel_loop3A_1126 = arith.constant 208 : index
        %parallel_loop3A_1127 = tpu.vector_load %arg6[%parallel_loop3A_1125, %parallel_loop3A_1126] {strides = array<i32>} : memref<128x256xf32, #tpu.memory_space<vmem>>, vector<1x16xf32>,
        %parallel_loop3A_1128 = vector.shape_cast %parallel_loop3A_1127 : vector<1x16xf32> to vector<16xf32>
        %parallel_loop3A_1129 = arith.addf %parallel_loop3A_1120, %parallel_loop3A_1128 : vector<16xf32>
        %parallel_loop3A_1130 = arith.constant 8 : i32
        %parallel_loop3A_1131 = arith.muli %parallel_loop3A_90, %parallel_loop3A_1130 : i32
        %parallel_loop3A_1132 = arith.constant 6 : i32
        %parallel_loop3A_1133 = arith.addi %parallel_loop3A_1131, %parallel_loop3A_1132 : i32
        %parallel_loop3A_1134 = arith.index_cast %parallel_loop3A_1133 : i32 to index
        %parallel_loop3A_1135 = arith.constant 208 : index
        %parallel_loop3A_1136 = tpu.vector_load %arg6[%parallel_loop3A_1134, %parallel_loop3A_1135] {strides = array<i32>} : memref<128x256xf32, #tpu.memory_space<vmem>>, vector<1x16xf32>,
        %parallel_loop3A_1137 = vector.shape_cast %parallel_loop3A_1136 : vector<1x16xf32> to vector<16xf32>
        %parallel_loop3A_1138 = arith.constant 8 : i32
        %parallel_loop3A_1139 = arith.muli %parallel_loop3A_90, %parallel_loop3A_1138 : i32
        %parallel_loop3A_1140 = arith.constant 7 : i32
        %parallel_loop3A_1141 = arith.addi %parallel_loop3A_1139, %parallel_loop3A_1140 : i32
        %parallel_loop3A_1142 = arith.index_cast %parallel_loop3A_1141 : i32 to index
        %parallel_loop3A_1143 = arith.constant 208 : index
        %parallel_loop3A_1144 = tpu.vector_load %arg6[%parallel_loop3A_1142, %parallel_loop3A_1143] {strides = array<i32>} : memref<128x256xf32, #tpu.memory_space<vmem>>, vector<1x16xf32>,
        %parallel_loop3A_1145 = vector.shape_cast %parallel_loop3A_1144 : vector<1x16xf32> to vector<16xf32>
        %parallel_loop3A_1146 = arith.addf %parallel_loop3A_1137, %parallel_loop3A_1145 : vector<16xf32>
        %parallel_loop3A_1147 = arith.addf %parallel_loop3A_1095, %parallel_loop3A_1112 : vector<16xf32>
        %parallel_loop3A_1148 = arith.addf %parallel_loop3A_1129, %parallel_loop3A_1146 : vector<16xf32>
        %parallel_loop3A_1149 = arith.addf %parallel_loop3A_1147, %parallel_loop3A_1148 : vector<16xf32>
        %parallel_loop3A_1150 = arith.index_cast %parallel_loop3A_90 : i32 to index
        %parallel_loop3A_1151 = arith.constant 208 : index
        %parallel_loop3A_1152 = tpu.vector_load %arg8[%parallel_loop3A_1150, %parallel_loop3A_1151] {strides = array<i32>} : memref<16x256xf32, #tpu.memory_space<vmem>>, vector<1x16xf32>,
        %parallel_loop3A_1153 = vector.shape_cast %parallel_loop3A_1152 : vector<1x16xf32> to vector<16xf32>
        %parallel_loop3A_1154 = vector.shape_cast %parallel_loop3A_1149 : vector<16xf32> to vector<1x16xf32>
        tpu.vector_store %arg8[%parallel_loop3A_1150, %parallel_loop3A_1151], %parallel_loop3A_1154 {strides = array<i32>} : memref<16x256xf32, #tpu.memory_space<vmem>>, vector<1x16xf32>,
        %parallel_loop3A_1155 = arith.constant 8 : i32
        %parallel_loop3A_1156 = arith.muli %parallel_loop3A_90, %parallel_loop3A_1155 : i32
        %parallel_loop3A_1157 = arith.constant 0 : i32
        %parallel_loop3A_1158 = arith.addi %parallel_loop3A_1156, %parallel_loop3A_1157 : i32
        %parallel_loop3A_1159 = arith.index_cast %parallel_loop3A_1158 : i32 to index
        %parallel_loop3A_1160 = arith.constant 224 : index
        %parallel_loop3A_1161 = tpu.vector_load %arg6[%parallel_loop3A_1159, %parallel_loop3A_1160] {strides = array<i32>} : memref<128x256xf32, #tpu.memory_space<vmem>>, vector<1x16xf32>,
        %parallel_loop3A_1162 = vector.shape_cast %parallel_loop3A_1161 : vector<1x16xf32> to vector<16xf32>
        %parallel_loop3A_1163 = arith.constant 8 : i32
        %parallel_loop3A_1164 = arith.muli %parallel_loop3A_90, %parallel_loop3A_1163 : i32
        %parallel_loop3A_1165 = arith.constant 1 : i32
        %parallel_loop3A_1166 = arith.addi %parallel_loop3A_1164, %parallel_loop3A_1165 : i32
        %parallel_loop3A_1167 = arith.index_cast %parallel_loop3A_1166 : i32 to index
        %parallel_loop3A_1168 = arith.constant 224 : index
        %parallel_loop3A_1169 = tpu.vector_load %arg6[%parallel_loop3A_1167, %parallel_loop3A_1168] {strides = array<i32>} : memref<128x256xf32, #tpu.memory_space<vmem>>, vector<1x16xf32>,
        %parallel_loop3A_1170 = vector.shape_cast %parallel_loop3A_1169 : vector<1x16xf32> to vector<16xf32>
        %parallel_loop3A_1171 = arith.addf %parallel_loop3A_1162, %parallel_loop3A_1170 : vector<16xf32>
        %parallel_loop3A_1172 = arith.constant 8 : i32
        %parallel_loop3A_1173 = arith.muli %parallel_loop3A_90, %parallel_loop3A_1172 : i32
        %parallel_loop3A_1174 = arith.constant 2 : i32
        %parallel_loop3A_1175 = arith.addi %parallel_loop3A_1173, %parallel_loop3A_1174 : i32
        %parallel_loop3A_1176 = arith.index_cast %parallel_loop3A_1175 : i32 to index
        %parallel_loop3A_1177 = arith.constant 224 : index
        %parallel_loop3A_1178 = tpu.vector_load %arg6[%parallel_loop3A_1176, %parallel_loop3A_1177] {strides = array<i32>} : memref<128x256xf32, #tpu.memory_space<vmem>>, vector<1x16xf32>,
        %parallel_loop3A_1179 = vector.shape_cast %parallel_loop3A_1178 : vector<1x16xf32> to vector<16xf32>
        %parallel_loop3A_1180 = arith.constant 8 : i32
        %parallel_loop3A_1181 = arith.muli %parallel_loop3A_90, %parallel_loop3A_1180 : i32
        %parallel_loop3A_1182 = arith.constant 3 : i32
        %parallel_loop3A_1183 = arith.addi %parallel_loop3A_1181, %parallel_loop3A_1182 : i32
        %parallel_loop3A_1184 = arith.index_cast %parallel_loop3A_1183 : i32 to index
        %parallel_loop3A_1185 = arith.constant 224 : index
        %parallel_loop3A_1186 = tpu.vector_load %arg6[%parallel_loop3A_1184, %parallel_loop3A_1185] {strides = array<i32>} : memref<128x256xf32, #tpu.memory_space<vmem>>, vector<1x16xf32>,
        %parallel_loop3A_1187 = vector.shape_cast %parallel_loop3A_1186 : vector<1x16xf32> to vector<16xf32>
        %parallel_loop3A_1188 = arith.addf %parallel_loop3A_1179, %parallel_loop3A_1187 : vector<16xf32>
        %parallel_loop3A_1189 = arith.constant 8 : i32
        %parallel_loop3A_1190 = arith.muli %parallel_loop3A_90, %parallel_loop3A_1189 : i32
        %parallel_loop3A_1191 = arith.constant 4 : i32
        %parallel_loop3A_1192 = arith.addi %parallel_loop3A_1190, %parallel_loop3A_1191 : i32
        %parallel_loop3A_1193 = arith.index_cast %parallel_loop3A_1192 : i32 to index
        %parallel_loop3A_1194 = arith.constant 224 : index
        %parallel_loop3A_1195 = tpu.vector_load %arg6[%parallel_loop3A_1193, %parallel_loop3A_1194] {strides = array<i32>} : memref<128x256xf32, #tpu.memory_space<vmem>>, vector<1x16xf32>,
        %parallel_loop3A_1196 = vector.shape_cast %parallel_loop3A_1195 : vector<1x16xf32> to vector<16xf32>
        %parallel_loop3A_1197 = arith.constant 8 : i32
        %parallel_loop3A_1198 = arith.muli %parallel_loop3A_90, %parallel_loop3A_1197 : i32
        %parallel_loop3A_1199 = arith.constant 5 : i32
        %parallel_loop3A_1200 = arith.addi %parallel_loop3A_1198, %parallel_loop3A_1199 : i32
        %parallel_loop3A_1201 = arith.index_cast %parallel_loop3A_1200 : i32 to index
        %parallel_loop3A_1202 = arith.constant 224 : index
        %parallel_loop3A_1203 = tpu.vector_load %arg6[%parallel_loop3A_1201, %parallel_loop3A_1202] {strides = array<i32>} : memref<128x256xf32, #tpu.memory_space<vmem>>, vector<1x16xf32>,
        %parallel_loop3A_1204 = vector.shape_cast %parallel_loop3A_1203 : vector<1x16xf32> to vector<16xf32>
        %parallel_loop3A_1205 = arith.addf %parallel_loop3A_1196, %parallel_loop3A_1204 : vector<16xf32>
        %parallel_loop3A_1206 = arith.constant 8 : i32
        %parallel_loop3A_1207 = arith.muli %parallel_loop3A_90, %parallel_loop3A_1206 : i32
        %parallel_loop3A_1208 = arith.constant 6 : i32
        %parallel_loop3A_1209 = arith.addi %parallel_loop3A_1207, %parallel_loop3A_1208 : i32
        %parallel_loop3A_1210 = arith.index_cast %parallel_loop3A_1209 : i32 to index
        %parallel_loop3A_1211 = arith.constant 224 : index
        %parallel_loop3A_1212 = tpu.vector_load %arg6[%parallel_loop3A_1210, %parallel_loop3A_1211] {strides = array<i32>} : memref<128x256xf32, #tpu.memory_space<vmem>>, vector<1x16xf32>,
        %parallel_loop3A_1213 = vector.shape_cast %parallel_loop3A_1212 : vector<1x16xf32> to vector<16xf32>
        %parallel_loop3A_1214 = arith.constant 8 : i32
        %parallel_loop3A_1215 = arith.muli %parallel_loop3A_90, %parallel_loop3A_1214 : i32
        %parallel_loop3A_1216 = arith.constant 7 : i32
        %parallel_loop3A_1217 = arith.addi %parallel_loop3A_1215, %parallel_loop3A_1216 : i32
        %parallel_loop3A_1218 = arith.index_cast %parallel_loop3A_1217 : i32 to index
        %parallel_loop3A_1219 = arith.constant 224 : index
        %parallel_loop3A_1220 = tpu.vector_load %arg6[%parallel_loop3A_1218, %parallel_loop3A_1219] {strides = array<i32>} : memref<128x256xf32, #tpu.memory_space<vmem>>, vector<1x16xf32>,
        %parallel_loop3A_1221 = vector.shape_cast %parallel_loop3A_1220 : vector<1x16xf32> to vector<16xf32>
        %parallel_loop3A_1222 = arith.addf %parallel_loop3A_1213, %parallel_loop3A_1221 : vector<16xf32>
        %parallel_loop3A_1223 = arith.addf %parallel_loop3A_1171, %parallel_loop3A_1188 : vector<16xf32>
        %parallel_loop3A_1224 = arith.addf %parallel_loop3A_1205, %parallel_loop3A_1222 : vector<16xf32>
        %parallel_loop3A_1225 = arith.addf %parallel_loop3A_1223, %parallel_loop3A_1224 : vector<16xf32>
        %parallel_loop3A_1226 = arith.index_cast %parallel_loop3A_90 : i32 to index
        %parallel_loop3A_1227 = arith.constant 224 : index
        %parallel_loop3A_1228 = tpu.vector_load %arg8[%parallel_loop3A_1226, %parallel_loop3A_1227] {strides = array<i32>} : memref<16x256xf32, #tpu.memory_space<vmem>>, vector<1x16xf32>,
        %parallel_loop3A_1229 = vector.shape_cast %parallel_loop3A_1228 : vector<1x16xf32> to vector<16xf32>
        %parallel_loop3A_1230 = vector.shape_cast %parallel_loop3A_1225 : vector<16xf32> to vector<1x16xf32>
        tpu.vector_store %arg8[%parallel_loop3A_1226, %parallel_loop3A_1227], %parallel_loop3A_1230 {strides = array<i32>} : memref<16x256xf32, #tpu.memory_space<vmem>>, vector<1x16xf32>,
        %parallel_loop3A_1231 = arith.constant 8 : i32
        %parallel_loop3A_1232 = arith.muli %parallel_loop3A_90, %parallel_loop3A_1231 : i32
        %parallel_loop3A_1233 = arith.constant 0 : i32
        %parallel_loop3A_1234 = arith.addi %parallel_loop3A_1232, %parallel_loop3A_1233 : i32
        %parallel_loop3A_1235 = arith.index_cast %parallel_loop3A_1234 : i32 to index
        %parallel_loop3A_1236 = arith.constant 240 : index
        %parallel_loop3A_1237 = tpu.vector_load %arg6[%parallel_loop3A_1235, %parallel_loop3A_1236] {strides = array<i32>} : memref<128x256xf32, #tpu.memory_space<vmem>>, vector<1x16xf32>,
        %parallel_loop3A_1238 = vector.shape_cast %parallel_loop3A_1237 : vector<1x16xf32> to vector<16xf32>
        %parallel_loop3A_1239 = arith.constant 8 : i32
        %parallel_loop3A_1240 = arith.muli %parallel_loop3A_90, %parallel_loop3A_1239 : i32
        %parallel_loop3A_1241 = arith.constant 1 : i32
        %parallel_loop3A_1242 = arith.addi %parallel_loop3A_1240, %parallel_loop3A_1241 : i32
        %parallel_loop3A_1243 = arith.index_cast %parallel_loop3A_1242 : i32 to index
        %parallel_loop3A_1244 = arith.constant 240 : index
        %parallel_loop3A_1245 = tpu.vector_load %arg6[%parallel_loop3A_1243, %parallel_loop3A_1244] {strides = array<i32>} : memref<128x256xf32, #tpu.memory_space<vmem>>, vector<1x16xf32>,
        %parallel_loop3A_1246 = vector.shape_cast %parallel_loop3A_1245 : vector<1x16xf32> to vector<16xf32>
        %parallel_loop3A_1247 = arith.addf %parallel_loop3A_1238, %parallel_loop3A_1246 : vector<16xf32>
        %parallel_loop3A_1248 = arith.constant 8 : i32
        %parallel_loop3A_1249 = arith.muli %parallel_loop3A_90, %parallel_loop3A_1248 : i32
        %parallel_loop3A_1250 = arith.constant 2 : i32
        %parallel_loop3A_1251 = arith.addi %parallel_loop3A_1249, %parallel_loop3A_1250 : i32
        %parallel_loop3A_1252 = arith.index_cast %parallel_loop3A_1251 : i32 to index
        %parallel_loop3A_1253 = arith.constant 240 : index
        %parallel_loop3A_1254 = tpu.vector_load %arg6[%parallel_loop3A_1252, %parallel_loop3A_1253] {strides = array<i32>} : memref<128x256xf32, #tpu.memory_space<vmem>>, vector<1x16xf32>,
        %parallel_loop3A_1255 = vector.shape_cast %parallel_loop3A_1254 : vector<1x16xf32> to vector<16xf32>
        %parallel_loop3A_1256 = arith.constant 8 : i32
        %parallel_loop3A_1257 = arith.muli %parallel_loop3A_90, %parallel_loop3A_1256 : i32
        %parallel_loop3A_1258 = arith.constant 3 : i32
        %parallel_loop3A_1259 = arith.addi %parallel_loop3A_1257, %parallel_loop3A_1258 : i32
        %parallel_loop3A_1260 = arith.index_cast %parallel_loop3A_1259 : i32 to index
        %parallel_loop3A_1261 = arith.constant 240 : index
        %parallel_loop3A_1262 = tpu.vector_load %arg6[%parallel_loop3A_1260, %parallel_loop3A_1261] {strides = array<i32>} : memref<128x256xf32, #tpu.memory_space<vmem>>, vector<1x16xf32>,
        %parallel_loop3A_1263 = vector.shape_cast %parallel_loop3A_1262 : vector<1x16xf32> to vector<16xf32>
        %parallel_loop3A_1264 = arith.addf %parallel_loop3A_1255, %parallel_loop3A_1263 : vector<16xf32>
        %parallel_loop3A_1265 = arith.constant 8 : i32
        %parallel_loop3A_1266 = arith.muli %parallel_loop3A_90, %parallel_loop3A_1265 : i32
        %parallel_loop3A_1267 = arith.constant 4 : i32
        %parallel_loop3A_1268 = arith.addi %parallel_loop3A_1266, %parallel_loop3A_1267 : i32
        %parallel_loop3A_1269 = arith.index_cast %parallel_loop3A_1268 : i32 to index
        %parallel_loop3A_1270 = arith.constant 240 : index
        %parallel_loop3A_1271 = tpu.vector_load %arg6[%parallel_loop3A_1269, %parallel_loop3A_1270] {strides = array<i32>} : memref<128x256xf32, #tpu.memory_space<vmem>>, vector<1x16xf32>,
        %parallel_loop3A_1272 = vector.shape_cast %parallel_loop3A_1271 : vector<1x16xf32> to vector<16xf32>
        %parallel_loop3A_1273 = arith.constant 8 : i32
        %parallel_loop3A_1274 = arith.muli %parallel_loop3A_90, %parallel_loop3A_1273 : i32
        %parallel_loop3A_1275 = arith.constant 5 : i32
        %parallel_loop3A_1276 = arith.addi %parallel_loop3A_1274, %parallel_loop3A_1275 : i32
        %parallel_loop3A_1277 = arith.index_cast %parallel_loop3A_1276 : i32 to index
        %parallel_loop3A_1278 = arith.constant 240 : index
        %parallel_loop3A_1279 = tpu.vector_load %arg6[%parallel_loop3A_1277, %parallel_loop3A_1278] {strides = array<i32>} : memref<128x256xf32, #tpu.memory_space<vmem>>, vector<1x16xf32>,
        %parallel_loop3A_1280 = vector.shape_cast %parallel_loop3A_1279 : vector<1x16xf32> to vector<16xf32>
        %parallel_loop3A_1281 = arith.addf %parallel_loop3A_1272, %parallel_loop3A_1280 : vector<16xf32>
        %parallel_loop3A_1282 = arith.constant 8 : i32
        %parallel_loop3A_1283 = arith.muli %parallel_loop3A_90, %parallel_loop3A_1282 : i32
        %parallel_loop3A_1284 = arith.constant 6 : i32
        %parallel_loop3A_1285 = arith.addi %parallel_loop3A_1283, %parallel_loop3A_1284 : i32
        %parallel_loop3A_1286 = arith.index_cast %parallel_loop3A_1285 : i32 to index
        %parallel_loop3A_1287 = arith.constant 240 : index
        %parallel_loop3A_1288 = tpu.vector_load %arg6[%parallel_loop3A_1286, %parallel_loop3A_1287] {strides = array<i32>} : memref<128x256xf32, #tpu.memory_space<vmem>>, vector<1x16xf32>,
        %parallel_loop3A_1289 = vector.shape_cast %parallel_loop3A_1288 : vector<1x16xf32> to vector<16xf32>
        %parallel_loop3A_1290 = arith.constant 8 : i32
        %parallel_loop3A_1291 = arith.muli %parallel_loop3A_90, %parallel_loop3A_1290 : i32
        %parallel_loop3A_1292 = arith.constant 7 : i32
        %parallel_loop3A_1293 = arith.addi %parallel_loop3A_1291, %parallel_loop3A_1292 : i32
        %parallel_loop3A_1294 = arith.index_cast %parallel_loop3A_1293 : i32 to index
        %parallel_loop3A_1295 = arith.constant 240 : index
        %parallel_loop3A_1296 = tpu.vector_load %arg6[%parallel_loop3A_1294, %parallel_loop3A_1295] {strides = array<i32>} : memref<128x256xf32, #tpu.memory_space<vmem>>, vector<1x16xf32>,
        %parallel_loop3A_1297 = vector.shape_cast %parallel_loop3A_1296 : vector<1x16xf32> to vector<16xf32>
        %parallel_loop3A_1298 = arith.addf %parallel_loop3A_1289, %parallel_loop3A_1297 : vector<16xf32>
        %parallel_loop3A_1299 = arith.addf %parallel_loop3A_1247, %parallel_loop3A_1264 : vector<16xf32>
        %parallel_loop3A_1300 = arith.addf %parallel_loop3A_1281, %parallel_loop3A_1298 : vector<16xf32>
        %parallel_loop3A_1301 = arith.addf %parallel_loop3A_1299, %parallel_loop3A_1300 : vector<16xf32>
        %parallel_loop3A_1302 = arith.index_cast %parallel_loop3A_90 : i32 to index
        %parallel_loop3A_1303 = arith.constant 240 : index
        %parallel_loop3A_1304 = tpu.vector_load %arg8[%parallel_loop3A_1302, %parallel_loop3A_1303] {strides = array<i32>} : memref<16x256xf32, #tpu.memory_space<vmem>>, vector<1x16xf32>,
        %parallel_loop3A_1305 = vector.shape_cast %parallel_loop3A_1304 : vector<1x16xf32> to vector<16xf32>
        %parallel_loop3A_1306 = vector.shape_cast %parallel_loop3A_1301 : vector<16xf32> to vector<1x16xf32>
        tpu.vector_store %arg8[%parallel_loop3A_1302, %parallel_loop3A_1303], %parallel_loop3A_1306 {strides = array<i32>} : memref<16x256xf32, #tpu.memory_space<vmem>>, vector<1x16xf32>,
      } {sc.loop_unroll_factor = 2 : i64, sc.parallel_access}
      %mul3A_50 = arith.constant 16 : i32
      %mul3A_51 = arith.muli %add3A_33, %mul3A_50 : i32
      %add3A_52 = arith.addi %mul3A_2, %mul3A_51 : i32
      %dma_start3A_53 = arith.constant 0 : i32
      %dma_start3A_54 = tpu.memref_slice %arg4[%add3A_52, %dma_start3A_53] : memref<16384x256xf32, #tpu.memory_space<hbm>> -> memref<16x256xf32, #tpu.memory_space<hbm>>
      %dma_start3A_55 = arith.constant 0 : i32
      %dma_start3A_56 = tpu.memref_slice %arg4[%add3A_52, %dma_start3A_55] : memref<16384x256xf32, #tpu.memory_space<hbm>> -> memref<16x256xf32, #tpu.memory_space<hbm>>
      tpu.enqueue_dma source(%arg8 : memref<16x256xf32, #tpu.memory_space<vmem>>) target(%dma_start3A_56 : memref<16x256xf32, #tpu.memory_space<hbm>>) target_semaphore(%arg12 : memref<!tpu.dma_semaphore, #tpu.memory_space<semaphore_mem>>)
      %mul3A_57 = arith.constant 2 : i32
      %mul3A_58 = arith.muli %mul3A_57, %scan3A_29 : i32
      %add3A_59 = arith.constant 1 : i32
      %add3A_60 = arith.addi %mul3A_58, %add3A_59 : i32
      %add3A_61 = arith.constant 2 : i32
      %add3A_62 = arith.addi %add3A_60, %add3A_61 : i32
      %sub3A_63 = arith.constant 1 : i32
      %sub3A_64 = arith.subi %add3A_62, %sub3A_63 : i32
      %lt3A_65 = arith.constant 32 : i32
      %lt3A_66 = arith.cmpi slt, %sub3A_64, %lt3A_65 : i32
      %convert_element_type3A_67 = arith.extui %lt3A_66 : i1 to i32
      %cond3A_68 = arith.constant 0 : i32
      %cond3A_69 = arith.cmpi ne, %convert_element_type3A_67, %cond3A_68 : i32
      scf.if %cond3A_69 {
        %add3A_90 = arith.constant 2 : i32
        %add3A_91 = arith.addi %add3A_60, %add3A_90 : i32
        %sub3A_92 = arith.constant 1 : i32
        %sub3A_93 = arith.subi %add3A_91, %sub3A_92 : i32
        %mul3A_94 = arith.constant 128 : i32
        %mul3A_95 = arith.muli %sub3A_93, %mul3A_94 : i32
        %dma_start3A_96 = tpu.memref_slice %arg5[%mul3A_95] : memref<4096xi32, #tpu.memory_space<vmem>> -> memref<128xi32, #tpu.memory_space<vmem>>
        %dma_start3A_97 = arith.constant 0 : i32
        %dma_start3A_98 = arith.constant 0 : i32
        %dma_start3A_99 = tpu.memref_slice %arg3[%dma_start3A_97, %dma_start3A_98] : memref<65536x256xf32, #tpu.memory_space<hbm>> -> memref<65536x256xf32, #tpu.memory_space<hbm>>
        tpu.enqueue_indirect_dma source(%dma_start3A_99 : memref<65536x256xf32, #tpu.memory_space<hbm>>) target(%arg6 : memref<128x256xf32, #tpu.memory_space<vmem>>) offsets(%dma_start3A_96 : memref<128xi32, #tpu.memory_space<vmem>>) semaphore(%arg10 : memref<!tpu.dma_semaphore, #tpu.memory_space<semaphore_mem>>)
      } else {
      }
      %dma_wait3A_70 = arith.constant 0 : i32
      %dma_wait3A_71 = tpu.memref_slice %arg5[%dma_wait3A_70] : memref<4096xi32, #tpu.memory_space<vmem>> -> memref<128xi32, #tpu.memory_space<vmem>>
      %dma_wait3A_72 = arith.constant 0 : i32
      %dma_wait3A_73 = arith.constant 0 : i32
      %dma_wait3A_74 = tpu.memref_slice %arg3[%dma_wait3A_72, %dma_wait3A_73] : memref<65536x256xf32, #tpu.memory_space<hbm>> -> memref<65536x256xf32, #tpu.memory_space<hbm>>
      tpu.wait_indirect_dma semaphore(%arg11 : memref<!tpu.dma_semaphore, #tpu.memory_space<semaphore_mem>>) src(%dma_wait3A_74 : memref<65536x256xf32, #tpu.memory_space<hbm>>) dst(%arg7 : memref<128x256xf32, #tpu.memory_space<vmem>>)
      %gt3A_75 = arith.constant 0 : i32
      %gt3A_76 = arith.cmpi sgt, %scan3A_29, %gt3A_75 : i32
      %convert_element_type3A_77 = arith.extui %gt3A_76 : i1 to i32
      %cond3A_78 = arith.constant 0 : i32
      %cond3A_79 = arith.cmpi ne, %convert_element_type3A_77, %cond3A_78 : i32
      scf.if %cond3A_79 {
        %add3A_90 = arith.constant 0 : i32
        %add3A_91 = arith.addi %mul3A_2, %add3A_90 : i32
        %dma_wait3A_92 = arith.constant 0 : i32
        %dma_wait3A_93 = tpu.memref_slice %arg4[%add3A_91, %dma_wait3A_92] : memref<16384x256xf32, #tpu.memory_space<hbm>> -> memref<16x256xf32, #tpu.memory_space<hbm>>
        %dma_wait3A_94 = arith.constant 0 : i32
        %dma_wait3A_95 = tpu.memref_slice %arg4[%add3A_91, %dma_wait3A_94] : memref<16384x256xf32, #tpu.memory_space<hbm>> -> memref<16x256xf32, #tpu.memory_space<hbm>>
        tpu.wait_dma2 semaphore(%arg13 : memref<!tpu.dma_semaphore, #tpu.memory_space<semaphore_mem>>) src(%arg9 : memref<16x256xf32, #tpu.memory_space<vmem>>) dst(%dma_wait3A_95 : memref<16x256xf32, #tpu.memory_space<hbm>>)
      } else {
      }
      %parallel_loop3A_80 = arith.constant 0 : i32
      %parallel_loop3A_81 = arith.constant 16 : i32
      %parallel_loop3A_82 = arith.constant 1 : i32
      scf.for %parallel_loop3A_90 = %parallel_loop3A_80 to %parallel_loop3A_81 step %parallel_loop3A_82  : i32 {
        %parallel_loop3A_91 = arith.constant 8 : i32
        %parallel_loop3A_92 = arith.muli %parallel_loop3A_90, %parallel_loop3A_91 : i32
        %parallel_loop3A_93 = arith.constant 0 : i32
        %parallel_loop3A_94 = arith.addi %parallel_loop3A_92, %parallel_loop3A_93 : i32
        %parallel_loop3A_95 = arith.index_cast %parallel_loop3A_94 : i32 to index
        %parallel_loop3A_96 = arith.constant 0 : index
        %parallel_loop3A_97 = tpu.vector_load %arg7[%parallel_loop3A_95, %parallel_loop3A_96] {strides = array<i32>} : memref<128x256xf32, #tpu.memory_space<vmem>>, vector<1x16xf32>,
        %parallel_loop3A_98 = vector.shape_cast %parallel_loop3A_97 : vector<1x16xf32> to vector<16xf32>
        %parallel_loop3A_99 = arith.constant 8 : i32
        %parallel_loop3A_100 = arith.muli %parallel_loop3A_90, %parallel_loop3A_99 : i32
        %parallel_loop3A_101 = arith.constant 1 : i32
        %parallel_loop3A_102 = arith.addi %parallel_loop3A_100, %parallel_loop3A_101 : i32
        %parallel_loop3A_103 = arith.index_cast %parallel_loop3A_102 : i32 to index
        %parallel_loop3A_104 = arith.constant 0 : index
        %parallel_loop3A_105 = tpu.vector_load %arg7[%parallel_loop3A_103, %parallel_loop3A_104] {strides = array<i32>} : memref<128x256xf32, #tpu.memory_space<vmem>>, vector<1x16xf32>,
        %parallel_loop3A_106 = vector.shape_cast %parallel_loop3A_105 : vector<1x16xf32> to vector<16xf32>
        %parallel_loop3A_107 = arith.addf %parallel_loop3A_98, %parallel_loop3A_106 : vector<16xf32>
        %parallel_loop3A_108 = arith.constant 8 : i32
        %parallel_loop3A_109 = arith.muli %parallel_loop3A_90, %parallel_loop3A_108 : i32
        %parallel_loop3A_110 = arith.constant 2 : i32
        %parallel_loop3A_111 = arith.addi %parallel_loop3A_109, %parallel_loop3A_110 : i32
        %parallel_loop3A_112 = arith.index_cast %parallel_loop3A_111 : i32 to index
        %parallel_loop3A_113 = arith.constant 0 : index
        %parallel_loop3A_114 = tpu.vector_load %arg7[%parallel_loop3A_112, %parallel_loop3A_113] {strides = array<i32>} : memref<128x256xf32, #tpu.memory_space<vmem>>, vector<1x16xf32>,
        %parallel_loop3A_115 = vector.shape_cast %parallel_loop3A_114 : vector<1x16xf32> to vector<16xf32>
        %parallel_loop3A_116 = arith.constant 8 : i32
        %parallel_loop3A_117 = arith.muli %parallel_loop3A_90, %parallel_loop3A_116 : i32
        %parallel_loop3A_118 = arith.constant 3 : i32
        %parallel_loop3A_119 = arith.addi %parallel_loop3A_117, %parallel_loop3A_118 : i32
        %parallel_loop3A_120 = arith.index_cast %parallel_loop3A_119 : i32 to index
        %parallel_loop3A_121 = arith.constant 0 : index
        %parallel_loop3A_122 = tpu.vector_load %arg7[%parallel_loop3A_120, %parallel_loop3A_121] {strides = array<i32>} : memref<128x256xf32, #tpu.memory_space<vmem>>, vector<1x16xf32>,
        %parallel_loop3A_123 = vector.shape_cast %parallel_loop3A_122 : vector<1x16xf32> to vector<16xf32>
        %parallel_loop3A_124 = arith.addf %parallel_loop3A_115, %parallel_loop3A_123 : vector<16xf32>
        %parallel_loop3A_125 = arith.constant 8 : i32
        %parallel_loop3A_126 = arith.muli %parallel_loop3A_90, %parallel_loop3A_125 : i32
        %parallel_loop3A_127 = arith.constant 4 : i32
        %parallel_loop3A_128 = arith.addi %parallel_loop3A_126, %parallel_loop3A_127 : i32
        %parallel_loop3A_129 = arith.index_cast %parallel_loop3A_128 : i32 to index
        %parallel_loop3A_130 = arith.constant 0 : index
        %parallel_loop3A_131 = tpu.vector_load %arg7[%parallel_loop3A_129, %parallel_loop3A_130] {strides = array<i32>} : memref<128x256xf32, #tpu.memory_space<vmem>>, vector<1x16xf32>,
        %parallel_loop3A_132 = vector.shape_cast %parallel_loop3A_131 : vector<1x16xf32> to vector<16xf32>
        %parallel_loop3A_133 = arith.constant 8 : i32
        %parallel_loop3A_134 = arith.muli %parallel_loop3A_90, %parallel_loop3A_133 : i32
        %parallel_loop3A_135 = arith.constant 5 : i32
        %parallel_loop3A_136 = arith.addi %parallel_loop3A_134, %parallel_loop3A_135 : i32
        %parallel_loop3A_137 = arith.index_cast %parallel_loop3A_136 : i32 to index
        %parallel_loop3A_138 = arith.constant 0 : index
        %parallel_loop3A_139 = tpu.vector_load %arg7[%parallel_loop3A_137, %parallel_loop3A_138] {strides = array<i32>} : memref<128x256xf32, #tpu.memory_space<vmem>>, vector<1x16xf32>,
        %parallel_loop3A_140 = vector.shape_cast %parallel_loop3A_139 : vector<1x16xf32> to vector<16xf32>
        %parallel_loop3A_141 = arith.addf %parallel_loop3A_132, %parallel_loop3A_140 : vector<16xf32>
        %parallel_loop3A_142 = arith.constant 8 : i32
        %parallel_loop3A_143 = arith.muli %parallel_loop3A_90, %parallel_loop3A_142 : i32
        %parallel_loop3A_144 = arith.constant 6 : i32
        %parallel_loop3A_145 = arith.addi %parallel_loop3A_143, %parallel_loop3A_144 : i32
        %parallel_loop3A_146 = arith.index_cast %parallel_loop3A_145 : i32 to index
        %parallel_loop3A_147 = arith.constant 0 : index
        %parallel_loop3A_148 = tpu.vector_load %arg7[%parallel_loop3A_146, %parallel_loop3A_147] {strides = array<i32>} : memref<128x256xf32, #tpu.memory_space<vmem>>, vector<1x16xf32>,
        %parallel_loop3A_149 = vector.shape_cast %parallel_loop3A_148 : vector<1x16xf32> to vector<16xf32>
        %parallel_loop3A_150 = arith.constant 8 : i32
        %parallel_loop3A_151 = arith.muli %parallel_loop3A_90, %parallel_loop3A_150 : i32
        %parallel_loop3A_152 = arith.constant 7 : i32
        %parallel_loop3A_153 = arith.addi %parallel_loop3A_151, %parallel_loop3A_152 : i32
        %parallel_loop3A_154 = arith.index_cast %parallel_loop3A_153 : i32 to index
        %parallel_loop3A_155 = arith.constant 0 : index
        %parallel_loop3A_156 = tpu.vector_load %arg7[%parallel_loop3A_154, %parallel_loop3A_155] {strides = array<i32>} : memref<128x256xf32, #tpu.memory_space<vmem>>, vector<1x16xf32>,
        %parallel_loop3A_157 = vector.shape_cast %parallel_loop3A_156 : vector<1x16xf32> to vector<16xf32>
        %parallel_loop3A_158 = arith.addf %parallel_loop3A_149, %parallel_loop3A_157 : vector<16xf32>
        %parallel_loop3A_159 = arith.addf %parallel_loop3A_107, %parallel_loop3A_124 : vector<16xf32>
        %parallel_loop3A_160 = arith.addf %parallel_loop3A_141, %parallel_loop3A_158 : vector<16xf32>
        %parallel_loop3A_161 = arith.addf %parallel_loop3A_159, %parallel_loop3A_160 : vector<16xf32>
        %parallel_loop3A_162 = arith.index_cast %parallel_loop3A_90 : i32 to index
        %parallel_loop3A_163 = arith.constant 0 : index
        %parallel_loop3A_164 = tpu.vector_load %arg9[%parallel_loop3A_162, %parallel_loop3A_163] {strides = array<i32>} : memref<16x256xf32, #tpu.memory_space<vmem>>, vector<1x16xf32>,
        %parallel_loop3A_165 = vector.shape_cast %parallel_loop3A_164 : vector<1x16xf32> to vector<16xf32>
        %parallel_loop3A_166 = vector.shape_cast %parallel_loop3A_161 : vector<16xf32> to vector<1x16xf32>
        tpu.vector_store %arg9[%parallel_loop3A_162, %parallel_loop3A_163], %parallel_loop3A_166 {strides = array<i32>} : memref<16x256xf32, #tpu.memory_space<vmem>>, vector<1x16xf32>,
        %parallel_loop3A_167 = arith.constant 8 : i32
        %parallel_loop3A_168 = arith.muli %parallel_loop3A_90, %parallel_loop3A_167 : i32
        %parallel_loop3A_169 = arith.constant 0 : i32
        %parallel_loop3A_170 = arith.addi %parallel_loop3A_168, %parallel_loop3A_169 : i32
        %parallel_loop3A_171 = arith.index_cast %parallel_loop3A_170 : i32 to index
        %parallel_loop3A_172 = arith.constant 16 : index
        %parallel_loop3A_173 = tpu.vector_load %arg7[%parallel_loop3A_171, %parallel_loop3A_172] {strides = array<i32>} : memref<128x256xf32, #tpu.memory_space<vmem>>, vector<1x16xf32>,
        %parallel_loop3A_174 = vector.shape_cast %parallel_loop3A_173 : vector<1x16xf32> to vector<16xf32>
        %parallel_loop3A_175 = arith.constant 8 : i32
        %parallel_loop3A_176 = arith.muli %parallel_loop3A_90, %parallel_loop3A_175 : i32
        %parallel_loop3A_177 = arith.constant 1 : i32
        %parallel_loop3A_178 = arith.addi %parallel_loop3A_176, %parallel_loop3A_177 : i32
        %parallel_loop3A_179 = arith.index_cast %parallel_loop3A_178 : i32 to index
        %parallel_loop3A_180 = arith.constant 16 : index
        %parallel_loop3A_181 = tpu.vector_load %arg7[%parallel_loop3A_179, %parallel_loop3A_180] {strides = array<i32>} : memref<128x256xf32, #tpu.memory_space<vmem>>, vector<1x16xf32>,
        %parallel_loop3A_182 = vector.shape_cast %parallel_loop3A_181 : vector<1x16xf32> to vector<16xf32>
        %parallel_loop3A_183 = arith.addf %parallel_loop3A_174, %parallel_loop3A_182 : vector<16xf32>
        %parallel_loop3A_184 = arith.constant 8 : i32
        %parallel_loop3A_185 = arith.muli %parallel_loop3A_90, %parallel_loop3A_184 : i32
        %parallel_loop3A_186 = arith.constant 2 : i32
        %parallel_loop3A_187 = arith.addi %parallel_loop3A_185, %parallel_loop3A_186 : i32
        %parallel_loop3A_188 = arith.index_cast %parallel_loop3A_187 : i32 to index
        %parallel_loop3A_189 = arith.constant 16 : index
        %parallel_loop3A_190 = tpu.vector_load %arg7[%parallel_loop3A_188, %parallel_loop3A_189] {strides = array<i32>} : memref<128x256xf32, #tpu.memory_space<vmem>>, vector<1x16xf32>,
        %parallel_loop3A_191 = vector.shape_cast %parallel_loop3A_190 : vector<1x16xf32> to vector<16xf32>
        %parallel_loop3A_192 = arith.constant 8 : i32
        %parallel_loop3A_193 = arith.muli %parallel_loop3A_90, %parallel_loop3A_192 : i32
        %parallel_loop3A_194 = arith.constant 3 : i32
        %parallel_loop3A_195 = arith.addi %parallel_loop3A_193, %parallel_loop3A_194 : i32
        %parallel_loop3A_196 = arith.index_cast %parallel_loop3A_195 : i32 to index
        %parallel_loop3A_197 = arith.constant 16 : index
        %parallel_loop3A_198 = tpu.vector_load %arg7[%parallel_loop3A_196, %parallel_loop3A_197] {strides = array<i32>} : memref<128x256xf32, #tpu.memory_space<vmem>>, vector<1x16xf32>,
        %parallel_loop3A_199 = vector.shape_cast %parallel_loop3A_198 : vector<1x16xf32> to vector<16xf32>
        %parallel_loop3A_200 = arith.addf %parallel_loop3A_191, %parallel_loop3A_199 : vector<16xf32>
        %parallel_loop3A_201 = arith.constant 8 : i32
        %parallel_loop3A_202 = arith.muli %parallel_loop3A_90, %parallel_loop3A_201 : i32
        %parallel_loop3A_203 = arith.constant 4 : i32
        %parallel_loop3A_204 = arith.addi %parallel_loop3A_202, %parallel_loop3A_203 : i32
        %parallel_loop3A_205 = arith.index_cast %parallel_loop3A_204 : i32 to index
        %parallel_loop3A_206 = arith.constant 16 : index
        %parallel_loop3A_207 = tpu.vector_load %arg7[%parallel_loop3A_205, %parallel_loop3A_206] {strides = array<i32>} : memref<128x256xf32, #tpu.memory_space<vmem>>, vector<1x16xf32>,
        %parallel_loop3A_208 = vector.shape_cast %parallel_loop3A_207 : vector<1x16xf32> to vector<16xf32>
        %parallel_loop3A_209 = arith.constant 8 : i32
        %parallel_loop3A_210 = arith.muli %parallel_loop3A_90, %parallel_loop3A_209 : i32
        %parallel_loop3A_211 = arith.constant 5 : i32
        %parallel_loop3A_212 = arith.addi %parallel_loop3A_210, %parallel_loop3A_211 : i32
        %parallel_loop3A_213 = arith.index_cast %parallel_loop3A_212 : i32 to index
        %parallel_loop3A_214 = arith.constant 16 : index
        %parallel_loop3A_215 = tpu.vector_load %arg7[%parallel_loop3A_213, %parallel_loop3A_214] {strides = array<i32>} : memref<128x256xf32, #tpu.memory_space<vmem>>, vector<1x16xf32>,
        %parallel_loop3A_216 = vector.shape_cast %parallel_loop3A_215 : vector<1x16xf32> to vector<16xf32>
        %parallel_loop3A_217 = arith.addf %parallel_loop3A_208, %parallel_loop3A_216 : vector<16xf32>
        %parallel_loop3A_218 = arith.constant 8 : i32
        %parallel_loop3A_219 = arith.muli %parallel_loop3A_90, %parallel_loop3A_218 : i32
        %parallel_loop3A_220 = arith.constant 6 : i32
        %parallel_loop3A_221 = arith.addi %parallel_loop3A_219, %parallel_loop3A_220 : i32
        %parallel_loop3A_222 = arith.index_cast %parallel_loop3A_221 : i32 to index
        %parallel_loop3A_223 = arith.constant 16 : index
        %parallel_loop3A_224 = tpu.vector_load %arg7[%parallel_loop3A_222, %parallel_loop3A_223] {strides = array<i32>} : memref<128x256xf32, #tpu.memory_space<vmem>>, vector<1x16xf32>,
        %parallel_loop3A_225 = vector.shape_cast %parallel_loop3A_224 : vector<1x16xf32> to vector<16xf32>
        %parallel_loop3A_226 = arith.constant 8 : i32
        %parallel_loop3A_227 = arith.muli %parallel_loop3A_90, %parallel_loop3A_226 : i32
        %parallel_loop3A_228 = arith.constant 7 : i32
        %parallel_loop3A_229 = arith.addi %parallel_loop3A_227, %parallel_loop3A_228 : i32
        %parallel_loop3A_230 = arith.index_cast %parallel_loop3A_229 : i32 to index
        %parallel_loop3A_231 = arith.constant 16 : index
        %parallel_loop3A_232 = tpu.vector_load %arg7[%parallel_loop3A_230, %parallel_loop3A_231] {strides = array<i32>} : memref<128x256xf32, #tpu.memory_space<vmem>>, vector<1x16xf32>,
        %parallel_loop3A_233 = vector.shape_cast %parallel_loop3A_232 : vector<1x16xf32> to vector<16xf32>
        %parallel_loop3A_234 = arith.addf %parallel_loop3A_225, %parallel_loop3A_233 : vector<16xf32>
        %parallel_loop3A_235 = arith.addf %parallel_loop3A_183, %parallel_loop3A_200 : vector<16xf32>
        %parallel_loop3A_236 = arith.addf %parallel_loop3A_217, %parallel_loop3A_234 : vector<16xf32>
        %parallel_loop3A_237 = arith.addf %parallel_loop3A_235, %parallel_loop3A_236 : vector<16xf32>
        %parallel_loop3A_238 = arith.index_cast %parallel_loop3A_90 : i32 to index
        %parallel_loop3A_239 = arith.constant 16 : index
        %parallel_loop3A_240 = tpu.vector_load %arg9[%parallel_loop3A_238, %parallel_loop3A_239] {strides = array<i32>} : memref<16x256xf32, #tpu.memory_space<vmem>>, vector<1x16xf32>,
        %parallel_loop3A_241 = vector.shape_cast %parallel_loop3A_240 : vector<1x16xf32> to vector<16xf32>
        %parallel_loop3A_242 = vector.shape_cast %parallel_loop3A_237 : vector<16xf32> to vector<1x16xf32>
        tpu.vector_store %arg9[%parallel_loop3A_238, %parallel_loop3A_239], %parallel_loop3A_242 {strides = array<i32>} : memref<16x256xf32, #tpu.memory_space<vmem>>, vector<1x16xf32>,
        %parallel_loop3A_243 = arith.constant 8 : i32
        %parallel_loop3A_244 = arith.muli %parallel_loop3A_90, %parallel_loop3A_243 : i32
        %parallel_loop3A_245 = arith.constant 0 : i32
        %parallel_loop3A_246 = arith.addi %parallel_loop3A_244, %parallel_loop3A_245 : i32
        %parallel_loop3A_247 = arith.index_cast %parallel_loop3A_246 : i32 to index
        %parallel_loop3A_248 = arith.constant 32 : index
        %parallel_loop3A_249 = tpu.vector_load %arg7[%parallel_loop3A_247, %parallel_loop3A_248] {strides = array<i32>} : memref<128x256xf32, #tpu.memory_space<vmem>>, vector<1x16xf32>,
        %parallel_loop3A_250 = vector.shape_cast %parallel_loop3A_249 : vector<1x16xf32> to vector<16xf32>
        %parallel_loop3A_251 = arith.constant 8 : i32
        %parallel_loop3A_252 = arith.muli %parallel_loop3A_90, %parallel_loop3A_251 : i32
        %parallel_loop3A_253 = arith.constant 1 : i32
        %parallel_loop3A_254 = arith.addi %parallel_loop3A_252, %parallel_loop3A_253 : i32
        %parallel_loop3A_255 = arith.index_cast %parallel_loop3A_254 : i32 to index
        %parallel_loop3A_256 = arith.constant 32 : index
        %parallel_loop3A_257 = tpu.vector_load %arg7[%parallel_loop3A_255, %parallel_loop3A_256] {strides = array<i32>} : memref<128x256xf32, #tpu.memory_space<vmem>>, vector<1x16xf32>,
        %parallel_loop3A_258 = vector.shape_cast %parallel_loop3A_257 : vector<1x16xf32> to vector<16xf32>
        %parallel_loop3A_259 = arith.addf %parallel_loop3A_250, %parallel_loop3A_258 : vector<16xf32>
        %parallel_loop3A_260 = arith.constant 8 : i32
        %parallel_loop3A_261 = arith.muli %parallel_loop3A_90, %parallel_loop3A_260 : i32
        %parallel_loop3A_262 = arith.constant 2 : i32
        %parallel_loop3A_263 = arith.addi %parallel_loop3A_261, %parallel_loop3A_262 : i32
        %parallel_loop3A_264 = arith.index_cast %parallel_loop3A_263 : i32 to index
        %parallel_loop3A_265 = arith.constant 32 : index
        %parallel_loop3A_266 = tpu.vector_load %arg7[%parallel_loop3A_264, %parallel_loop3A_265] {strides = array<i32>} : memref<128x256xf32, #tpu.memory_space<vmem>>, vector<1x16xf32>,
        %parallel_loop3A_267 = vector.shape_cast %parallel_loop3A_266 : vector<1x16xf32> to vector<16xf32>
        %parallel_loop3A_268 = arith.constant 8 : i32
        %parallel_loop3A_269 = arith.muli %parallel_loop3A_90, %parallel_loop3A_268 : i32
        %parallel_loop3A_270 = arith.constant 3 : i32
        %parallel_loop3A_271 = arith.addi %parallel_loop3A_269, %parallel_loop3A_270 : i32
        %parallel_loop3A_272 = arith.index_cast %parallel_loop3A_271 : i32 to index
        %parallel_loop3A_273 = arith.constant 32 : index
        %parallel_loop3A_274 = tpu.vector_load %arg7[%parallel_loop3A_272, %parallel_loop3A_273] {strides = array<i32>} : memref<128x256xf32, #tpu.memory_space<vmem>>, vector<1x16xf32>,
        %parallel_loop3A_275 = vector.shape_cast %parallel_loop3A_274 : vector<1x16xf32> to vector<16xf32>
        %parallel_loop3A_276 = arith.addf %parallel_loop3A_267, %parallel_loop3A_275 : vector<16xf32>
        %parallel_loop3A_277 = arith.constant 8 : i32
        %parallel_loop3A_278 = arith.muli %parallel_loop3A_90, %parallel_loop3A_277 : i32
        %parallel_loop3A_279 = arith.constant 4 : i32
        %parallel_loop3A_280 = arith.addi %parallel_loop3A_278, %parallel_loop3A_279 : i32
        %parallel_loop3A_281 = arith.index_cast %parallel_loop3A_280 : i32 to index
        %parallel_loop3A_282 = arith.constant 32 : index
        %parallel_loop3A_283 = tpu.vector_load %arg7[%parallel_loop3A_281, %parallel_loop3A_282] {strides = array<i32>} : memref<128x256xf32, #tpu.memory_space<vmem>>, vector<1x16xf32>,
        %parallel_loop3A_284 = vector.shape_cast %parallel_loop3A_283 : vector<1x16xf32> to vector<16xf32>
        %parallel_loop3A_285 = arith.constant 8 : i32
        %parallel_loop3A_286 = arith.muli %parallel_loop3A_90, %parallel_loop3A_285 : i32
        %parallel_loop3A_287 = arith.constant 5 : i32
        %parallel_loop3A_288 = arith.addi %parallel_loop3A_286, %parallel_loop3A_287 : i32
        %parallel_loop3A_289 = arith.index_cast %parallel_loop3A_288 : i32 to index
        %parallel_loop3A_290 = arith.constant 32 : index
        %parallel_loop3A_291 = tpu.vector_load %arg7[%parallel_loop3A_289, %parallel_loop3A_290] {strides = array<i32>} : memref<128x256xf32, #tpu.memory_space<vmem>>, vector<1x16xf32>,
        %parallel_loop3A_292 = vector.shape_cast %parallel_loop3A_291 : vector<1x16xf32> to vector<16xf32>
        %parallel_loop3A_293 = arith.addf %parallel_loop3A_284, %parallel_loop3A_292 : vector<16xf32>
        %parallel_loop3A_294 = arith.constant 8 : i32
        %parallel_loop3A_295 = arith.muli %parallel_loop3A_90, %parallel_loop3A_294 : i32
        %parallel_loop3A_296 = arith.constant 6 : i32
        %parallel_loop3A_297 = arith.addi %parallel_loop3A_295, %parallel_loop3A_296 : i32
        %parallel_loop3A_298 = arith.index_cast %parallel_loop3A_297 : i32 to index
        %parallel_loop3A_299 = arith.constant 32 : index
        %parallel_loop3A_300 = tpu.vector_load %arg7[%parallel_loop3A_298, %parallel_loop3A_299] {strides = array<i32>} : memref<128x256xf32, #tpu.memory_space<vmem>>, vector<1x16xf32>,
        %parallel_loop3A_301 = vector.shape_cast %parallel_loop3A_300 : vector<1x16xf32> to vector<16xf32>
        %parallel_loop3A_302 = arith.constant 8 : i32
        %parallel_loop3A_303 = arith.muli %parallel_loop3A_90, %parallel_loop3A_302 : i32
        %parallel_loop3A_304 = arith.constant 7 : i32
        %parallel_loop3A_305 = arith.addi %parallel_loop3A_303, %parallel_loop3A_304 : i32
        %parallel_loop3A_306 = arith.index_cast %parallel_loop3A_305 : i32 to index
        %parallel_loop3A_307 = arith.constant 32 : index
        %parallel_loop3A_308 = tpu.vector_load %arg7[%parallel_loop3A_306, %parallel_loop3A_307] {strides = array<i32>} : memref<128x256xf32, #tpu.memory_space<vmem>>, vector<1x16xf32>,
        %parallel_loop3A_309 = vector.shape_cast %parallel_loop3A_308 : vector<1x16xf32> to vector<16xf32>
        %parallel_loop3A_310 = arith.addf %parallel_loop3A_301, %parallel_loop3A_309 : vector<16xf32>
        %parallel_loop3A_311 = arith.addf %parallel_loop3A_259, %parallel_loop3A_276 : vector<16xf32>
        %parallel_loop3A_312 = arith.addf %parallel_loop3A_293, %parallel_loop3A_310 : vector<16xf32>
        %parallel_loop3A_313 = arith.addf %parallel_loop3A_311, %parallel_loop3A_312 : vector<16xf32>
        %parallel_loop3A_314 = arith.index_cast %parallel_loop3A_90 : i32 to index
        %parallel_loop3A_315 = arith.constant 32 : index
        %parallel_loop3A_316 = tpu.vector_load %arg9[%parallel_loop3A_314, %parallel_loop3A_315] {strides = array<i32>} : memref<16x256xf32, #tpu.memory_space<vmem>>, vector<1x16xf32>,
        %parallel_loop3A_317 = vector.shape_cast %parallel_loop3A_316 : vector<1x16xf32> to vector<16xf32>
        %parallel_loop3A_318 = vector.shape_cast %parallel_loop3A_313 : vector<16xf32> to vector<1x16xf32>
        tpu.vector_store %arg9[%parallel_loop3A_314, %parallel_loop3A_315], %parallel_loop3A_318 {strides = array<i32>} : memref<16x256xf32, #tpu.memory_space<vmem>>, vector<1x16xf32>,
        %parallel_loop3A_319 = arith.constant 8 : i32
        %parallel_loop3A_320 = arith.muli %parallel_loop3A_90, %parallel_loop3A_319 : i32
        %parallel_loop3A_321 = arith.constant 0 : i32
        %parallel_loop3A_322 = arith.addi %parallel_loop3A_320, %parallel_loop3A_321 : i32
        %parallel_loop3A_323 = arith.index_cast %parallel_loop3A_322 : i32 to index
        %parallel_loop3A_324 = arith.constant 48 : index
        %parallel_loop3A_325 = tpu.vector_load %arg7[%parallel_loop3A_323, %parallel_loop3A_324] {strides = array<i32>} : memref<128x256xf32, #tpu.memory_space<vmem>>, vector<1x16xf32>,
        %parallel_loop3A_326 = vector.shape_cast %parallel_loop3A_325 : vector<1x16xf32> to vector<16xf32>
        %parallel_loop3A_327 = arith.constant 8 : i32
        %parallel_loop3A_328 = arith.muli %parallel_loop3A_90, %parallel_loop3A_327 : i32
        %parallel_loop3A_329 = arith.constant 1 : i32
        %parallel_loop3A_330 = arith.addi %parallel_loop3A_328, %parallel_loop3A_329 : i32
        %parallel_loop3A_331 = arith.index_cast %parallel_loop3A_330 : i32 to index
        %parallel_loop3A_332 = arith.constant 48 : index
        %parallel_loop3A_333 = tpu.vector_load %arg7[%parallel_loop3A_331, %parallel_loop3A_332] {strides = array<i32>} : memref<128x256xf32, #tpu.memory_space<vmem>>, vector<1x16xf32>,
        %parallel_loop3A_334 = vector.shape_cast %parallel_loop3A_333 : vector<1x16xf32> to vector<16xf32>
        %parallel_loop3A_335 = arith.addf %parallel_loop3A_326, %parallel_loop3A_334 : vector<16xf32>
        %parallel_loop3A_336 = arith.constant 8 : i32
        %parallel_loop3A_337 = arith.muli %parallel_loop3A_90, %parallel_loop3A_336 : i32
        %parallel_loop3A_338 = arith.constant 2 : i32
        %parallel_loop3A_339 = arith.addi %parallel_loop3A_337, %parallel_loop3A_338 : i32
        %parallel_loop3A_340 = arith.index_cast %parallel_loop3A_339 : i32 to index
        %parallel_loop3A_341 = arith.constant 48 : index
        %parallel_loop3A_342 = tpu.vector_load %arg7[%parallel_loop3A_340, %parallel_loop3A_341] {strides = array<i32>} : memref<128x256xf32, #tpu.memory_space<vmem>>, vector<1x16xf32>,
        %parallel_loop3A_343 = vector.shape_cast %parallel_loop3A_342 : vector<1x16xf32> to vector<16xf32>
        %parallel_loop3A_344 = arith.constant 8 : i32
        %parallel_loop3A_345 = arith.muli %parallel_loop3A_90, %parallel_loop3A_344 : i32
        %parallel_loop3A_346 = arith.constant 3 : i32
        %parallel_loop3A_347 = arith.addi %parallel_loop3A_345, %parallel_loop3A_346 : i32
        %parallel_loop3A_348 = arith.index_cast %parallel_loop3A_347 : i32 to index
        %parallel_loop3A_349 = arith.constant 48 : index
        %parallel_loop3A_350 = tpu.vector_load %arg7[%parallel_loop3A_348, %parallel_loop3A_349] {strides = array<i32>} : memref<128x256xf32, #tpu.memory_space<vmem>>, vector<1x16xf32>,
        %parallel_loop3A_351 = vector.shape_cast %parallel_loop3A_350 : vector<1x16xf32> to vector<16xf32>
        %parallel_loop3A_352 = arith.addf %parallel_loop3A_343, %parallel_loop3A_351 : vector<16xf32>
        %parallel_loop3A_353 = arith.constant 8 : i32
        %parallel_loop3A_354 = arith.muli %parallel_loop3A_90, %parallel_loop3A_353 : i32
        %parallel_loop3A_355 = arith.constant 4 : i32
        %parallel_loop3A_356 = arith.addi %parallel_loop3A_354, %parallel_loop3A_355 : i32
        %parallel_loop3A_357 = arith.index_cast %parallel_loop3A_356 : i32 to index
        %parallel_loop3A_358 = arith.constant 48 : index
        %parallel_loop3A_359 = tpu.vector_load %arg7[%parallel_loop3A_357, %parallel_loop3A_358] {strides = array<i32>} : memref<128x256xf32, #tpu.memory_space<vmem>>, vector<1x16xf32>,
        %parallel_loop3A_360 = vector.shape_cast %parallel_loop3A_359 : vector<1x16xf32> to vector<16xf32>
        %parallel_loop3A_361 = arith.constant 8 : i32
        %parallel_loop3A_362 = arith.muli %parallel_loop3A_90, %parallel_loop3A_361 : i32
        %parallel_loop3A_363 = arith.constant 5 : i32
        %parallel_loop3A_364 = arith.addi %parallel_loop3A_362, %parallel_loop3A_363 : i32
        %parallel_loop3A_365 = arith.index_cast %parallel_loop3A_364 : i32 to index
        %parallel_loop3A_366 = arith.constant 48 : index
        %parallel_loop3A_367 = tpu.vector_load %arg7[%parallel_loop3A_365, %parallel_loop3A_366] {strides = array<i32>} : memref<128x256xf32, #tpu.memory_space<vmem>>, vector<1x16xf32>,
        %parallel_loop3A_368 = vector.shape_cast %parallel_loop3A_367 : vector<1x16xf32> to vector<16xf32>
        %parallel_loop3A_369 = arith.addf %parallel_loop3A_360, %parallel_loop3A_368 : vector<16xf32>
        %parallel_loop3A_370 = arith.constant 8 : i32
        %parallel_loop3A_371 = arith.muli %parallel_loop3A_90, %parallel_loop3A_370 : i32
        %parallel_loop3A_372 = arith.constant 6 : i32
        %parallel_loop3A_373 = arith.addi %parallel_loop3A_371, %parallel_loop3A_372 : i32
        %parallel_loop3A_374 = arith.index_cast %parallel_loop3A_373 : i32 to index
        %parallel_loop3A_375 = arith.constant 48 : index
        %parallel_loop3A_376 = tpu.vector_load %arg7[%parallel_loop3A_374, %parallel_loop3A_375] {strides = array<i32>} : memref<128x256xf32, #tpu.memory_space<vmem>>, vector<1x16xf32>,
        %parallel_loop3A_377 = vector.shape_cast %parallel_loop3A_376 : vector<1x16xf32> to vector<16xf32>
        %parallel_loop3A_378 = arith.constant 8 : i32
        %parallel_loop3A_379 = arith.muli %parallel_loop3A_90, %parallel_loop3A_378 : i32
        %parallel_loop3A_380 = arith.constant 7 : i32
        %parallel_loop3A_381 = arith.addi %parallel_loop3A_379, %parallel_loop3A_380 : i32
        %parallel_loop3A_382 = arith.index_cast %parallel_loop3A_381 : i32 to index
        %parallel_loop3A_383 = arith.constant 48 : index
        %parallel_loop3A_384 = tpu.vector_load %arg7[%parallel_loop3A_382, %parallel_loop3A_383] {strides = array<i32>} : memref<128x256xf32, #tpu.memory_space<vmem>>, vector<1x16xf32>,
        %parallel_loop3A_385 = vector.shape_cast %parallel_loop3A_384 : vector<1x16xf32> to vector<16xf32>
        %parallel_loop3A_386 = arith.addf %parallel_loop3A_377, %parallel_loop3A_385 : vector<16xf32>
        %parallel_loop3A_387 = arith.addf %parallel_loop3A_335, %parallel_loop3A_352 : vector<16xf32>
        %parallel_loop3A_388 = arith.addf %parallel_loop3A_369, %parallel_loop3A_386 : vector<16xf32>
        %parallel_loop3A_389 = arith.addf %parallel_loop3A_387, %parallel_loop3A_388 : vector<16xf32>
        %parallel_loop3A_390 = arith.index_cast %parallel_loop3A_90 : i32 to index
        %parallel_loop3A_391 = arith.constant 48 : index
        %parallel_loop3A_392 = tpu.vector_load %arg9[%parallel_loop3A_390, %parallel_loop3A_391] {strides = array<i32>} : memref<16x256xf32, #tpu.memory_space<vmem>>, vector<1x16xf32>,
        %parallel_loop3A_393 = vector.shape_cast %parallel_loop3A_392 : vector<1x16xf32> to vector<16xf32>
        %parallel_loop3A_394 = vector.shape_cast %parallel_loop3A_389 : vector<16xf32> to vector<1x16xf32>
        tpu.vector_store %arg9[%parallel_loop3A_390, %parallel_loop3A_391], %parallel_loop3A_394 {strides = array<i32>} : memref<16x256xf32, #tpu.memory_space<vmem>>, vector<1x16xf32>,
        %parallel_loop3A_395 = arith.constant 8 : i32
        %parallel_loop3A_396 = arith.muli %parallel_loop3A_90, %parallel_loop3A_395 : i32
        %parallel_loop3A_397 = arith.constant 0 : i32
        %parallel_loop3A_398 = arith.addi %parallel_loop3A_396, %parallel_loop3A_397 : i32
        %parallel_loop3A_399 = arith.index_cast %parallel_loop3A_398 : i32 to index
        %parallel_loop3A_400 = arith.constant 64 : index
        %parallel_loop3A_401 = tpu.vector_load %arg7[%parallel_loop3A_399, %parallel_loop3A_400] {strides = array<i32>} : memref<128x256xf32, #tpu.memory_space<vmem>>, vector<1x16xf32>,
        %parallel_loop3A_402 = vector.shape_cast %parallel_loop3A_401 : vector<1x16xf32> to vector<16xf32>
        %parallel_loop3A_403 = arith.constant 8 : i32
        %parallel_loop3A_404 = arith.muli %parallel_loop3A_90, %parallel_loop3A_403 : i32
        %parallel_loop3A_405 = arith.constant 1 : i32
        %parallel_loop3A_406 = arith.addi %parallel_loop3A_404, %parallel_loop3A_405 : i32
        %parallel_loop3A_407 = arith.index_cast %parallel_loop3A_406 : i32 to index
        %parallel_loop3A_408 = arith.constant 64 : index
        %parallel_loop3A_409 = tpu.vector_load %arg7[%parallel_loop3A_407, %parallel_loop3A_408] {strides = array<i32>} : memref<128x256xf32, #tpu.memory_space<vmem>>, vector<1x16xf32>,
        %parallel_loop3A_410 = vector.shape_cast %parallel_loop3A_409 : vector<1x16xf32> to vector<16xf32>
        %parallel_loop3A_411 = arith.addf %parallel_loop3A_402, %parallel_loop3A_410 : vector<16xf32>
        %parallel_loop3A_412 = arith.constant 8 : i32
        %parallel_loop3A_413 = arith.muli %parallel_loop3A_90, %parallel_loop3A_412 : i32
        %parallel_loop3A_414 = arith.constant 2 : i32
        %parallel_loop3A_415 = arith.addi %parallel_loop3A_413, %parallel_loop3A_414 : i32
        %parallel_loop3A_416 = arith.index_cast %parallel_loop3A_415 : i32 to index
        %parallel_loop3A_417 = arith.constant 64 : index
        %parallel_loop3A_418 = tpu.vector_load %arg7[%parallel_loop3A_416, %parallel_loop3A_417] {strides = array<i32>} : memref<128x256xf32, #tpu.memory_space<vmem>>, vector<1x16xf32>,
        %parallel_loop3A_419 = vector.shape_cast %parallel_loop3A_418 : vector<1x16xf32> to vector<16xf32>
        %parallel_loop3A_420 = arith.constant 8 : i32
        %parallel_loop3A_421 = arith.muli %parallel_loop3A_90, %parallel_loop3A_420 : i32
        %parallel_loop3A_422 = arith.constant 3 : i32
        %parallel_loop3A_423 = arith.addi %parallel_loop3A_421, %parallel_loop3A_422 : i32
        %parallel_loop3A_424 = arith.index_cast %parallel_loop3A_423 : i32 to index
        %parallel_loop3A_425 = arith.constant 64 : index
        %parallel_loop3A_426 = tpu.vector_load %arg7[%parallel_loop3A_424, %parallel_loop3A_425] {strides = array<i32>} : memref<128x256xf32, #tpu.memory_space<vmem>>, vector<1x16xf32>,
        %parallel_loop3A_427 = vector.shape_cast %parallel_loop3A_426 : vector<1x16xf32> to vector<16xf32>
        %parallel_loop3A_428 = arith.addf %parallel_loop3A_419, %parallel_loop3A_427 : vector<16xf32>
        %parallel_loop3A_429 = arith.constant 8 : i32
        %parallel_loop3A_430 = arith.muli %parallel_loop3A_90, %parallel_loop3A_429 : i32
        %parallel_loop3A_431 = arith.constant 4 : i32
        %parallel_loop3A_432 = arith.addi %parallel_loop3A_430, %parallel_loop3A_431 : i32
        %parallel_loop3A_433 = arith.index_cast %parallel_loop3A_432 : i32 to index
        %parallel_loop3A_434 = arith.constant 64 : index
        %parallel_loop3A_435 = tpu.vector_load %arg7[%parallel_loop3A_433, %parallel_loop3A_434] {strides = array<i32>} : memref<128x256xf32, #tpu.memory_space<vmem>>, vector<1x16xf32>,
        %parallel_loop3A_436 = vector.shape_cast %parallel_loop3A_435 : vector<1x16xf32> to vector<16xf32>
        %parallel_loop3A_437 = arith.constant 8 : i32
        %parallel_loop3A_438 = arith.muli %parallel_loop3A_90, %parallel_loop3A_437 : i32
        %parallel_loop3A_439 = arith.constant 5 : i32
        %parallel_loop3A_440 = arith.addi %parallel_loop3A_438, %parallel_loop3A_439 : i32
        %parallel_loop3A_441 = arith.index_cast %parallel_loop3A_440 : i32 to index
        %parallel_loop3A_442 = arith.constant 64 : index
        %parallel_loop3A_443 = tpu.vector_load %arg7[%parallel_loop3A_441, %parallel_loop3A_442] {strides = array<i32>} : memref<128x256xf32, #tpu.memory_space<vmem>>, vector<1x16xf32>,
        %parallel_loop3A_444 = vector.shape_cast %parallel_loop3A_443 : vector<1x16xf32> to vector<16xf32>
        %parallel_loop3A_445 = arith.addf %parallel_loop3A_436, %parallel_loop3A_444 : vector<16xf32>
        %parallel_loop3A_446 = arith.constant 8 : i32
        %parallel_loop3A_447 = arith.muli %parallel_loop3A_90, %parallel_loop3A_446 : i32
        %parallel_loop3A_448 = arith.constant 6 : i32
        %parallel_loop3A_449 = arith.addi %parallel_loop3A_447, %parallel_loop3A_448 : i32
        %parallel_loop3A_450 = arith.index_cast %parallel_loop3A_449 : i32 to index
        %parallel_loop3A_451 = arith.constant 64 : index
        %parallel_loop3A_452 = tpu.vector_load %arg7[%parallel_loop3A_450, %parallel_loop3A_451] {strides = array<i32>} : memref<128x256xf32, #tpu.memory_space<vmem>>, vector<1x16xf32>,
        %parallel_loop3A_453 = vector.shape_cast %parallel_loop3A_452 : vector<1x16xf32> to vector<16xf32>
        %parallel_loop3A_454 = arith.constant 8 : i32
        %parallel_loop3A_455 = arith.muli %parallel_loop3A_90, %parallel_loop3A_454 : i32
        %parallel_loop3A_456 = arith.constant 7 : i32
        %parallel_loop3A_457 = arith.addi %parallel_loop3A_455, %parallel_loop3A_456 : i32
        %parallel_loop3A_458 = arith.index_cast %parallel_loop3A_457 : i32 to index
        %parallel_loop3A_459 = arith.constant 64 : index
        %parallel_loop3A_460 = tpu.vector_load %arg7[%parallel_loop3A_458, %parallel_loop3A_459] {strides = array<i32>} : memref<128x256xf32, #tpu.memory_space<vmem>>, vector<1x16xf32>,
        %parallel_loop3A_461 = vector.shape_cast %parallel_loop3A_460 : vector<1x16xf32> to vector<16xf32>
        %parallel_loop3A_462 = arith.addf %parallel_loop3A_453, %parallel_loop3A_461 : vector<16xf32>
        %parallel_loop3A_463 = arith.addf %parallel_loop3A_411, %parallel_loop3A_428 : vector<16xf32>
        %parallel_loop3A_464 = arith.addf %parallel_loop3A_445, %parallel_loop3A_462 : vector<16xf32>
        %parallel_loop3A_465 = arith.addf %parallel_loop3A_463, %parallel_loop3A_464 : vector<16xf32>
        %parallel_loop3A_466 = arith.index_cast %parallel_loop3A_90 : i32 to index
        %parallel_loop3A_467 = arith.constant 64 : index
        %parallel_loop3A_468 = tpu.vector_load %arg9[%parallel_loop3A_466, %parallel_loop3A_467] {strides = array<i32>} : memref<16x256xf32, #tpu.memory_space<vmem>>, vector<1x16xf32>,
        %parallel_loop3A_469 = vector.shape_cast %parallel_loop3A_468 : vector<1x16xf32> to vector<16xf32>
        %parallel_loop3A_470 = vector.shape_cast %parallel_loop3A_465 : vector<16xf32> to vector<1x16xf32>
        tpu.vector_store %arg9[%parallel_loop3A_466, %parallel_loop3A_467], %parallel_loop3A_470 {strides = array<i32>} : memref<16x256xf32, #tpu.memory_space<vmem>>, vector<1x16xf32>,
        %parallel_loop3A_471 = arith.constant 8 : i32
        %parallel_loop3A_472 = arith.muli %parallel_loop3A_90, %parallel_loop3A_471 : i32
        %parallel_loop3A_473 = arith.constant 0 : i32
        %parallel_loop3A_474 = arith.addi %parallel_loop3A_472, %parallel_loop3A_473 : i32
        %parallel_loop3A_475 = arith.index_cast %parallel_loop3A_474 : i32 to index
        %parallel_loop3A_476 = arith.constant 80 : index
        %parallel_loop3A_477 = tpu.vector_load %arg7[%parallel_loop3A_475, %parallel_loop3A_476] {strides = array<i32>} : memref<128x256xf32, #tpu.memory_space<vmem>>, vector<1x16xf32>,
        %parallel_loop3A_478 = vector.shape_cast %parallel_loop3A_477 : vector<1x16xf32> to vector<16xf32>
        %parallel_loop3A_479 = arith.constant 8 : i32
        %parallel_loop3A_480 = arith.muli %parallel_loop3A_90, %parallel_loop3A_479 : i32
        %parallel_loop3A_481 = arith.constant 1 : i32
        %parallel_loop3A_482 = arith.addi %parallel_loop3A_480, %parallel_loop3A_481 : i32
        %parallel_loop3A_483 = arith.index_cast %parallel_loop3A_482 : i32 to index
        %parallel_loop3A_484 = arith.constant 80 : index
        %parallel_loop3A_485 = tpu.vector_load %arg7[%parallel_loop3A_483, %parallel_loop3A_484] {strides = array<i32>} : memref<128x256xf32, #tpu.memory_space<vmem>>, vector<1x16xf32>,
        %parallel_loop3A_486 = vector.shape_cast %parallel_loop3A_485 : vector<1x16xf32> to vector<16xf32>
        %parallel_loop3A_487 = arith.addf %parallel_loop3A_478, %parallel_loop3A_486 : vector<16xf32>
        %parallel_loop3A_488 = arith.constant 8 : i32
        %parallel_loop3A_489 = arith.muli %parallel_loop3A_90, %parallel_loop3A_488 : i32
        %parallel_loop3A_490 = arith.constant 2 : i32
        %parallel_loop3A_491 = arith.addi %parallel_loop3A_489, %parallel_loop3A_490 : i32
        %parallel_loop3A_492 = arith.index_cast %parallel_loop3A_491 : i32 to index
        %parallel_loop3A_493 = arith.constant 80 : index
        %parallel_loop3A_494 = tpu.vector_load %arg7[%parallel_loop3A_492, %parallel_loop3A_493] {strides = array<i32>} : memref<128x256xf32, #tpu.memory_space<vmem>>, vector<1x16xf32>,
        %parallel_loop3A_495 = vector.shape_cast %parallel_loop3A_494 : vector<1x16xf32> to vector<16xf32>
        %parallel_loop3A_496 = arith.constant 8 : i32
        %parallel_loop3A_497 = arith.muli %parallel_loop3A_90, %parallel_loop3A_496 : i32
        %parallel_loop3A_498 = arith.constant 3 : i32
        %parallel_loop3A_499 = arith.addi %parallel_loop3A_497, %parallel_loop3A_498 : i32
        %parallel_loop3A_500 = arith.index_cast %parallel_loop3A_499 : i32 to index
        %parallel_loop3A_501 = arith.constant 80 : index
        %parallel_loop3A_502 = tpu.vector_load %arg7[%parallel_loop3A_500, %parallel_loop3A_501] {strides = array<i32>} : memref<128x256xf32, #tpu.memory_space<vmem>>, vector<1x16xf32>,
        %parallel_loop3A_503 = vector.shape_cast %parallel_loop3A_502 : vector<1x16xf32> to vector<16xf32>
        %parallel_loop3A_504 = arith.addf %parallel_loop3A_495, %parallel_loop3A_503 : vector<16xf32>
        %parallel_loop3A_505 = arith.constant 8 : i32
        %parallel_loop3A_506 = arith.muli %parallel_loop3A_90, %parallel_loop3A_505 : i32
        %parallel_loop3A_507 = arith.constant 4 : i32
        %parallel_loop3A_508 = arith.addi %parallel_loop3A_506, %parallel_loop3A_507 : i32
        %parallel_loop3A_509 = arith.index_cast %parallel_loop3A_508 : i32 to index
        %parallel_loop3A_510 = arith.constant 80 : index
        %parallel_loop3A_511 = tpu.vector_load %arg7[%parallel_loop3A_509, %parallel_loop3A_510] {strides = array<i32>} : memref<128x256xf32, #tpu.memory_space<vmem>>, vector<1x16xf32>,
        %parallel_loop3A_512 = vector.shape_cast %parallel_loop3A_511 : vector<1x16xf32> to vector<16xf32>
        %parallel_loop3A_513 = arith.constant 8 : i32
        %parallel_loop3A_514 = arith.muli %parallel_loop3A_90, %parallel_loop3A_513 : i32
        %parallel_loop3A_515 = arith.constant 5 : i32
        %parallel_loop3A_516 = arith.addi %parallel_loop3A_514, %parallel_loop3A_515 : i32
        %parallel_loop3A_517 = arith.index_cast %parallel_loop3A_516 : i32 to index
        %parallel_loop3A_518 = arith.constant 80 : index
        %parallel_loop3A_519 = tpu.vector_load %arg7[%parallel_loop3A_517, %parallel_loop3A_518] {strides = array<i32>} : memref<128x256xf32, #tpu.memory_space<vmem>>, vector<1x16xf32>,
        %parallel_loop3A_520 = vector.shape_cast %parallel_loop3A_519 : vector<1x16xf32> to vector<16xf32>
        %parallel_loop3A_521 = arith.addf %parallel_loop3A_512, %parallel_loop3A_520 : vector<16xf32>
        %parallel_loop3A_522 = arith.constant 8 : i32
        %parallel_loop3A_523 = arith.muli %parallel_loop3A_90, %parallel_loop3A_522 : i32
        %parallel_loop3A_524 = arith.constant 6 : i32
        %parallel_loop3A_525 = arith.addi %parallel_loop3A_523, %parallel_loop3A_524 : i32
        %parallel_loop3A_526 = arith.index_cast %parallel_loop3A_525 : i32 to index
        %parallel_loop3A_527 = arith.constant 80 : index
        %parallel_loop3A_528 = tpu.vector_load %arg7[%parallel_loop3A_526, %parallel_loop3A_527] {strides = array<i32>} : memref<128x256xf32, #tpu.memory_space<vmem>>, vector<1x16xf32>,
        %parallel_loop3A_529 = vector.shape_cast %parallel_loop3A_528 : vector<1x16xf32> to vector<16xf32>
        %parallel_loop3A_530 = arith.constant 8 : i32
        %parallel_loop3A_531 = arith.muli %parallel_loop3A_90, %parallel_loop3A_530 : i32
        %parallel_loop3A_532 = arith.constant 7 : i32
        %parallel_loop3A_533 = arith.addi %parallel_loop3A_531, %parallel_loop3A_532 : i32
        %parallel_loop3A_534 = arith.index_cast %parallel_loop3A_533 : i32 to index
        %parallel_loop3A_535 = arith.constant 80 : index
        %parallel_loop3A_536 = tpu.vector_load %arg7[%parallel_loop3A_534, %parallel_loop3A_535] {strides = array<i32>} : memref<128x256xf32, #tpu.memory_space<vmem>>, vector<1x16xf32>,
        %parallel_loop3A_537 = vector.shape_cast %parallel_loop3A_536 : vector<1x16xf32> to vector<16xf32>
        %parallel_loop3A_538 = arith.addf %parallel_loop3A_529, %parallel_loop3A_537 : vector<16xf32>
        %parallel_loop3A_539 = arith.addf %parallel_loop3A_487, %parallel_loop3A_504 : vector<16xf32>
        %parallel_loop3A_540 = arith.addf %parallel_loop3A_521, %parallel_loop3A_538 : vector<16xf32>
        %parallel_loop3A_541 = arith.addf %parallel_loop3A_539, %parallel_loop3A_540 : vector<16xf32>
        %parallel_loop3A_542 = arith.index_cast %parallel_loop3A_90 : i32 to index
        %parallel_loop3A_543 = arith.constant 80 : index
        %parallel_loop3A_544 = tpu.vector_load %arg9[%parallel_loop3A_542, %parallel_loop3A_543] {strides = array<i32>} : memref<16x256xf32, #tpu.memory_space<vmem>>, vector<1x16xf32>,
        %parallel_loop3A_545 = vector.shape_cast %parallel_loop3A_544 : vector<1x16xf32> to vector<16xf32>
        %parallel_loop3A_546 = vector.shape_cast %parallel_loop3A_541 : vector<16xf32> to vector<1x16xf32>
        tpu.vector_store %arg9[%parallel_loop3A_542, %parallel_loop3A_543], %parallel_loop3A_546 {strides = array<i32>} : memref<16x256xf32, #tpu.memory_space<vmem>>, vector<1x16xf32>,
        %parallel_loop3A_547 = arith.constant 8 : i32
        %parallel_loop3A_548 = arith.muli %parallel_loop3A_90, %parallel_loop3A_547 : i32
        %parallel_loop3A_549 = arith.constant 0 : i32
        %parallel_loop3A_550 = arith.addi %parallel_loop3A_548, %parallel_loop3A_549 : i32
        %parallel_loop3A_551 = arith.index_cast %parallel_loop3A_550 : i32 to index
        %parallel_loop3A_552 = arith.constant 96 : index
        %parallel_loop3A_553 = tpu.vector_load %arg7[%parallel_loop3A_551, %parallel_loop3A_552] {strides = array<i32>} : memref<128x256xf32, #tpu.memory_space<vmem>>, vector<1x16xf32>,
        %parallel_loop3A_554 = vector.shape_cast %parallel_loop3A_553 : vector<1x16xf32> to vector<16xf32>
        %parallel_loop3A_555 = arith.constant 8 : i32
        %parallel_loop3A_556 = arith.muli %parallel_loop3A_90, %parallel_loop3A_555 : i32
        %parallel_loop3A_557 = arith.constant 1 : i32
        %parallel_loop3A_558 = arith.addi %parallel_loop3A_556, %parallel_loop3A_557 : i32
        %parallel_loop3A_559 = arith.index_cast %parallel_loop3A_558 : i32 to index
        %parallel_loop3A_560 = arith.constant 96 : index
        %parallel_loop3A_561 = tpu.vector_load %arg7[%parallel_loop3A_559, %parallel_loop3A_560] {strides = array<i32>} : memref<128x256xf32, #tpu.memory_space<vmem>>, vector<1x16xf32>,
        %parallel_loop3A_562 = vector.shape_cast %parallel_loop3A_561 : vector<1x16xf32> to vector<16xf32>
        %parallel_loop3A_563 = arith.addf %parallel_loop3A_554, %parallel_loop3A_562 : vector<16xf32>
        %parallel_loop3A_564 = arith.constant 8 : i32
        %parallel_loop3A_565 = arith.muli %parallel_loop3A_90, %parallel_loop3A_564 : i32
        %parallel_loop3A_566 = arith.constant 2 : i32
        %parallel_loop3A_567 = arith.addi %parallel_loop3A_565, %parallel_loop3A_566 : i32
        %parallel_loop3A_568 = arith.index_cast %parallel_loop3A_567 : i32 to index
        %parallel_loop3A_569 = arith.constant 96 : index
        %parallel_loop3A_570 = tpu.vector_load %arg7[%parallel_loop3A_568, %parallel_loop3A_569] {strides = array<i32>} : memref<128x256xf32, #tpu.memory_space<vmem>>, vector<1x16xf32>,
        %parallel_loop3A_571 = vector.shape_cast %parallel_loop3A_570 : vector<1x16xf32> to vector<16xf32>
        %parallel_loop3A_572 = arith.constant 8 : i32
        %parallel_loop3A_573 = arith.muli %parallel_loop3A_90, %parallel_loop3A_572 : i32
        %parallel_loop3A_574 = arith.constant 3 : i32
        %parallel_loop3A_575 = arith.addi %parallel_loop3A_573, %parallel_loop3A_574 : i32
        %parallel_loop3A_576 = arith.index_cast %parallel_loop3A_575 : i32 to index
        %parallel_loop3A_577 = arith.constant 96 : index
        %parallel_loop3A_578 = tpu.vector_load %arg7[%parallel_loop3A_576, %parallel_loop3A_577] {strides = array<i32>} : memref<128x256xf32, #tpu.memory_space<vmem>>, vector<1x16xf32>,
        %parallel_loop3A_579 = vector.shape_cast %parallel_loop3A_578 : vector<1x16xf32> to vector<16xf32>
        %parallel_loop3A_580 = arith.addf %parallel_loop3A_571, %parallel_loop3A_579 : vector<16xf32>
        %parallel_loop3A_581 = arith.constant 8 : i32
        %parallel_loop3A_582 = arith.muli %parallel_loop3A_90, %parallel_loop3A_581 : i32
        %parallel_loop3A_583 = arith.constant 4 : i32
        %parallel_loop3A_584 = arith.addi %parallel_loop3A_582, %parallel_loop3A_583 : i32
        %parallel_loop3A_585 = arith.index_cast %parallel_loop3A_584 : i32 to index
        %parallel_loop3A_586 = arith.constant 96 : index
        %parallel_loop3A_587 = tpu.vector_load %arg7[%parallel_loop3A_585, %parallel_loop3A_586] {strides = array<i32>} : memref<128x256xf32, #tpu.memory_space<vmem>>, vector<1x16xf32>,
        %parallel_loop3A_588 = vector.shape_cast %parallel_loop3A_587 : vector<1x16xf32> to vector<16xf32>
        %parallel_loop3A_589 = arith.constant 8 : i32
        %parallel_loop3A_590 = arith.muli %parallel_loop3A_90, %parallel_loop3A_589 : i32
        %parallel_loop3A_591 = arith.constant 5 : i32
        %parallel_loop3A_592 = arith.addi %parallel_loop3A_590, %parallel_loop3A_591 : i32
        %parallel_loop3A_593 = arith.index_cast %parallel_loop3A_592 : i32 to index
        %parallel_loop3A_594 = arith.constant 96 : index
        %parallel_loop3A_595 = tpu.vector_load %arg7[%parallel_loop3A_593, %parallel_loop3A_594] {strides = array<i32>} : memref<128x256xf32, #tpu.memory_space<vmem>>, vector<1x16xf32>,
        %parallel_loop3A_596 = vector.shape_cast %parallel_loop3A_595 : vector<1x16xf32> to vector<16xf32>
        %parallel_loop3A_597 = arith.addf %parallel_loop3A_588, %parallel_loop3A_596 : vector<16xf32>
        %parallel_loop3A_598 = arith.constant 8 : i32
        %parallel_loop3A_599 = arith.muli %parallel_loop3A_90, %parallel_loop3A_598 : i32
        %parallel_loop3A_600 = arith.constant 6 : i32
        %parallel_loop3A_601 = arith.addi %parallel_loop3A_599, %parallel_loop3A_600 : i32
        %parallel_loop3A_602 = arith.index_cast %parallel_loop3A_601 : i32 to index
        %parallel_loop3A_603 = arith.constant 96 : index
        %parallel_loop3A_604 = tpu.vector_load %arg7[%parallel_loop3A_602, %parallel_loop3A_603] {strides = array<i32>} : memref<128x256xf32, #tpu.memory_space<vmem>>, vector<1x16xf32>,
        %parallel_loop3A_605 = vector.shape_cast %parallel_loop3A_604 : vector<1x16xf32> to vector<16xf32>
        %parallel_loop3A_606 = arith.constant 8 : i32
        %parallel_loop3A_607 = arith.muli %parallel_loop3A_90, %parallel_loop3A_606 : i32
        %parallel_loop3A_608 = arith.constant 7 : i32
        %parallel_loop3A_609 = arith.addi %parallel_loop3A_607, %parallel_loop3A_608 : i32
        %parallel_loop3A_610 = arith.index_cast %parallel_loop3A_609 : i32 to index
        %parallel_loop3A_611 = arith.constant 96 : index
        %parallel_loop3A_612 = tpu.vector_load %arg7[%parallel_loop3A_610, %parallel_loop3A_611] {strides = array<i32>} : memref<128x256xf32, #tpu.memory_space<vmem>>, vector<1x16xf32>,
        %parallel_loop3A_613 = vector.shape_cast %parallel_loop3A_612 : vector<1x16xf32> to vector<16xf32>
        %parallel_loop3A_614 = arith.addf %parallel_loop3A_605, %parallel_loop3A_613 : vector<16xf32>
        %parallel_loop3A_615 = arith.addf %parallel_loop3A_563, %parallel_loop3A_580 : vector<16xf32>
        %parallel_loop3A_616 = arith.addf %parallel_loop3A_597, %parallel_loop3A_614 : vector<16xf32>
        %parallel_loop3A_617 = arith.addf %parallel_loop3A_615, %parallel_loop3A_616 : vector<16xf32>
        %parallel_loop3A_618 = arith.index_cast %parallel_loop3A_90 : i32 to index
        %parallel_loop3A_619 = arith.constant 96 : index
        %parallel_loop3A_620 = tpu.vector_load %arg9[%parallel_loop3A_618, %parallel_loop3A_619] {strides = array<i32>} : memref<16x256xf32, #tpu.memory_space<vmem>>, vector<1x16xf32>,
        %parallel_loop3A_621 = vector.shape_cast %parallel_loop3A_620 : vector<1x16xf32> to vector<16xf32>
        %parallel_loop3A_622 = vector.shape_cast %parallel_loop3A_617 : vector<16xf32> to vector<1x16xf32>
        tpu.vector_store %arg9[%parallel_loop3A_618, %parallel_loop3A_619], %parallel_loop3A_622 {strides = array<i32>} : memref<16x256xf32, #tpu.memory_space<vmem>>, vector<1x16xf32>,
        %parallel_loop3A_623 = arith.constant 8 : i32
        %parallel_loop3A_624 = arith.muli %parallel_loop3A_90, %parallel_loop3A_623 : i32
        %parallel_loop3A_625 = arith.constant 0 : i32
        %parallel_loop3A_626 = arith.addi %parallel_loop3A_624, %parallel_loop3A_625 : i32
        %parallel_loop3A_627 = arith.index_cast %parallel_loop3A_626 : i32 to index
        %parallel_loop3A_628 = arith.constant 112 : index
        %parallel_loop3A_629 = tpu.vector_load %arg7[%parallel_loop3A_627, %parallel_loop3A_628] {strides = array<i32>} : memref<128x256xf32, #tpu.memory_space<vmem>>, vector<1x16xf32>,
        %parallel_loop3A_630 = vector.shape_cast %parallel_loop3A_629 : vector<1x16xf32> to vector<16xf32>
        %parallel_loop3A_631 = arith.constant 8 : i32
        %parallel_loop3A_632 = arith.muli %parallel_loop3A_90, %parallel_loop3A_631 : i32
        %parallel_loop3A_633 = arith.constant 1 : i32
        %parallel_loop3A_634 = arith.addi %parallel_loop3A_632, %parallel_loop3A_633 : i32
        %parallel_loop3A_635 = arith.index_cast %parallel_loop3A_634 : i32 to index
        %parallel_loop3A_636 = arith.constant 112 : index
        %parallel_loop3A_637 = tpu.vector_load %arg7[%parallel_loop3A_635, %parallel_loop3A_636] {strides = array<i32>} : memref<128x256xf32, #tpu.memory_space<vmem>>, vector<1x16xf32>,
        %parallel_loop3A_638 = vector.shape_cast %parallel_loop3A_637 : vector<1x16xf32> to vector<16xf32>
        %parallel_loop3A_639 = arith.addf %parallel_loop3A_630, %parallel_loop3A_638 : vector<16xf32>
        %parallel_loop3A_640 = arith.constant 8 : i32
        %parallel_loop3A_641 = arith.muli %parallel_loop3A_90, %parallel_loop3A_640 : i32
        %parallel_loop3A_642 = arith.constant 2 : i32
        %parallel_loop3A_643 = arith.addi %parallel_loop3A_641, %parallel_loop3A_642 : i32
        %parallel_loop3A_644 = arith.index_cast %parallel_loop3A_643 : i32 to index
        %parallel_loop3A_645 = arith.constant 112 : index
        %parallel_loop3A_646 = tpu.vector_load %arg7[%parallel_loop3A_644, %parallel_loop3A_645] {strides = array<i32>} : memref<128x256xf32, #tpu.memory_space<vmem>>, vector<1x16xf32>,
        %parallel_loop3A_647 = vector.shape_cast %parallel_loop3A_646 : vector<1x16xf32> to vector<16xf32>
        %parallel_loop3A_648 = arith.constant 8 : i32
        %parallel_loop3A_649 = arith.muli %parallel_loop3A_90, %parallel_loop3A_648 : i32
        %parallel_loop3A_650 = arith.constant 3 : i32
        %parallel_loop3A_651 = arith.addi %parallel_loop3A_649, %parallel_loop3A_650 : i32
        %parallel_loop3A_652 = arith.index_cast %parallel_loop3A_651 : i32 to index
        %parallel_loop3A_653 = arith.constant 112 : index
        %parallel_loop3A_654 = tpu.vector_load %arg7[%parallel_loop3A_652, %parallel_loop3A_653] {strides = array<i32>} : memref<128x256xf32, #tpu.memory_space<vmem>>, vector<1x16xf32>,
        %parallel_loop3A_655 = vector.shape_cast %parallel_loop3A_654 : vector<1x16xf32> to vector<16xf32>
        %parallel_loop3A_656 = arith.addf %parallel_loop3A_647, %parallel_loop3A_655 : vector<16xf32>
        %parallel_loop3A_657 = arith.constant 8 : i32
        %parallel_loop3A_658 = arith.muli %parallel_loop3A_90, %parallel_loop3A_657 : i32
        %parallel_loop3A_659 = arith.constant 4 : i32
        %parallel_loop3A_660 = arith.addi %parallel_loop3A_658, %parallel_loop3A_659 : i32
        %parallel_loop3A_661 = arith.index_cast %parallel_loop3A_660 : i32 to index
        %parallel_loop3A_662 = arith.constant 112 : index
        %parallel_loop3A_663 = tpu.vector_load %arg7[%parallel_loop3A_661, %parallel_loop3A_662] {strides = array<i32>} : memref<128x256xf32, #tpu.memory_space<vmem>>, vector<1x16xf32>,
        %parallel_loop3A_664 = vector.shape_cast %parallel_loop3A_663 : vector<1x16xf32> to vector<16xf32>
        %parallel_loop3A_665 = arith.constant 8 : i32
        %parallel_loop3A_666 = arith.muli %parallel_loop3A_90, %parallel_loop3A_665 : i32
        %parallel_loop3A_667 = arith.constant 5 : i32
        %parallel_loop3A_668 = arith.addi %parallel_loop3A_666, %parallel_loop3A_667 : i32
        %parallel_loop3A_669 = arith.index_cast %parallel_loop3A_668 : i32 to index
        %parallel_loop3A_670 = arith.constant 112 : index
        %parallel_loop3A_671 = tpu.vector_load %arg7[%parallel_loop3A_669, %parallel_loop3A_670] {strides = array<i32>} : memref<128x256xf32, #tpu.memory_space<vmem>>, vector<1x16xf32>,
        %parallel_loop3A_672 = vector.shape_cast %parallel_loop3A_671 : vector<1x16xf32> to vector<16xf32>
        %parallel_loop3A_673 = arith.addf %parallel_loop3A_664, %parallel_loop3A_672 : vector<16xf32>
        %parallel_loop3A_674 = arith.constant 8 : i32
        %parallel_loop3A_675 = arith.muli %parallel_loop3A_90, %parallel_loop3A_674 : i32
        %parallel_loop3A_676 = arith.constant 6 : i32
        %parallel_loop3A_677 = arith.addi %parallel_loop3A_675, %parallel_loop3A_676 : i32
        %parallel_loop3A_678 = arith.index_cast %parallel_loop3A_677 : i32 to index
        %parallel_loop3A_679 = arith.constant 112 : index
        %parallel_loop3A_680 = tpu.vector_load %arg7[%parallel_loop3A_678, %parallel_loop3A_679] {strides = array<i32>} : memref<128x256xf32, #tpu.memory_space<vmem>>, vector<1x16xf32>,
        %parallel_loop3A_681 = vector.shape_cast %parallel_loop3A_680 : vector<1x16xf32> to vector<16xf32>
        %parallel_loop3A_682 = arith.constant 8 : i32
        %parallel_loop3A_683 = arith.muli %parallel_loop3A_90, %parallel_loop3A_682 : i32
        %parallel_loop3A_684 = arith.constant 7 : i32
        %parallel_loop3A_685 = arith.addi %parallel_loop3A_683, %parallel_loop3A_684 : i32
        %parallel_loop3A_686 = arith.index_cast %parallel_loop3A_685 : i32 to index
        %parallel_loop3A_687 = arith.constant 112 : index
        %parallel_loop3A_688 = tpu.vector_load %arg7[%parallel_loop3A_686, %parallel_loop3A_687] {strides = array<i32>} : memref<128x256xf32, #tpu.memory_space<vmem>>, vector<1x16xf32>,
        %parallel_loop3A_689 = vector.shape_cast %parallel_loop3A_688 : vector<1x16xf32> to vector<16xf32>
        %parallel_loop3A_690 = arith.addf %parallel_loop3A_681, %parallel_loop3A_689 : vector<16xf32>
        %parallel_loop3A_691 = arith.addf %parallel_loop3A_639, %parallel_loop3A_656 : vector<16xf32>
        %parallel_loop3A_692 = arith.addf %parallel_loop3A_673, %parallel_loop3A_690 : vector<16xf32>
        %parallel_loop3A_693 = arith.addf %parallel_loop3A_691, %parallel_loop3A_692 : vector<16xf32>
        %parallel_loop3A_694 = arith.index_cast %parallel_loop3A_90 : i32 to index
        %parallel_loop3A_695 = arith.constant 112 : index
        %parallel_loop3A_696 = tpu.vector_load %arg9[%parallel_loop3A_694, %parallel_loop3A_695] {strides = array<i32>} : memref<16x256xf32, #tpu.memory_space<vmem>>, vector<1x16xf32>,
        %parallel_loop3A_697 = vector.shape_cast %parallel_loop3A_696 : vector<1x16xf32> to vector<16xf32>
        %parallel_loop3A_698 = vector.shape_cast %parallel_loop3A_693 : vector<16xf32> to vector<1x16xf32>
        tpu.vector_store %arg9[%parallel_loop3A_694, %parallel_loop3A_695], %parallel_loop3A_698 {strides = array<i32>} : memref<16x256xf32, #tpu.memory_space<vmem>>, vector<1x16xf32>,
        %parallel_loop3A_699 = arith.constant 8 : i32
        %parallel_loop3A_700 = arith.muli %parallel_loop3A_90, %parallel_loop3A_699 : i32
        %parallel_loop3A_701 = arith.constant 0 : i32
        %parallel_loop3A_702 = arith.addi %parallel_loop3A_700, %parallel_loop3A_701 : i32
        %parallel_loop3A_703 = arith.index_cast %parallel_loop3A_702 : i32 to index
        %parallel_loop3A_704 = arith.constant 128 : index
        %parallel_loop3A_705 = tpu.vector_load %arg7[%parallel_loop3A_703, %parallel_loop3A_704] {strides = array<i32>} : memref<128x256xf32, #tpu.memory_space<vmem>>, vector<1x16xf32>,
        %parallel_loop3A_706 = vector.shape_cast %parallel_loop3A_705 : vector<1x16xf32> to vector<16xf32>
        %parallel_loop3A_707 = arith.constant 8 : i32
        %parallel_loop3A_708 = arith.muli %parallel_loop3A_90, %parallel_loop3A_707 : i32
        %parallel_loop3A_709 = arith.constant 1 : i32
        %parallel_loop3A_710 = arith.addi %parallel_loop3A_708, %parallel_loop3A_709 : i32
        %parallel_loop3A_711 = arith.index_cast %parallel_loop3A_710 : i32 to index
        %parallel_loop3A_712 = arith.constant 128 : index
        %parallel_loop3A_713 = tpu.vector_load %arg7[%parallel_loop3A_711, %parallel_loop3A_712] {strides = array<i32>} : memref<128x256xf32, #tpu.memory_space<vmem>>, vector<1x16xf32>,
        %parallel_loop3A_714 = vector.shape_cast %parallel_loop3A_713 : vector<1x16xf32> to vector<16xf32>
        %parallel_loop3A_715 = arith.addf %parallel_loop3A_706, %parallel_loop3A_714 : vector<16xf32>
        %parallel_loop3A_716 = arith.constant 8 : i32
        %parallel_loop3A_717 = arith.muli %parallel_loop3A_90, %parallel_loop3A_716 : i32
        %parallel_loop3A_718 = arith.constant 2 : i32
        %parallel_loop3A_719 = arith.addi %parallel_loop3A_717, %parallel_loop3A_718 : i32
        %parallel_loop3A_720 = arith.index_cast %parallel_loop3A_719 : i32 to index
        %parallel_loop3A_721 = arith.constant 128 : index
        %parallel_loop3A_722 = tpu.vector_load %arg7[%parallel_loop3A_720, %parallel_loop3A_721] {strides = array<i32>} : memref<128x256xf32, #tpu.memory_space<vmem>>, vector<1x16xf32>,
        %parallel_loop3A_723 = vector.shape_cast %parallel_loop3A_722 : vector<1x16xf32> to vector<16xf32>
        %parallel_loop3A_724 = arith.constant 8 : i32
        %parallel_loop3A_725 = arith.muli %parallel_loop3A_90, %parallel_loop3A_724 : i32
        %parallel_loop3A_726 = arith.constant 3 : i32
        %parallel_loop3A_727 = arith.addi %parallel_loop3A_725, %parallel_loop3A_726 : i32
        %parallel_loop3A_728 = arith.index_cast %parallel_loop3A_727 : i32 to index
        %parallel_loop3A_729 = arith.constant 128 : index
        %parallel_loop3A_730 = tpu.vector_load %arg7[%parallel_loop3A_728, %parallel_loop3A_729] {strides = array<i32>} : memref<128x256xf32, #tpu.memory_space<vmem>>, vector<1x16xf32>,
        %parallel_loop3A_731 = vector.shape_cast %parallel_loop3A_730 : vector<1x16xf32> to vector<16xf32>
        %parallel_loop3A_732 = arith.addf %parallel_loop3A_723, %parallel_loop3A_731 : vector<16xf32>
        %parallel_loop3A_733 = arith.constant 8 : i32
        %parallel_loop3A_734 = arith.muli %parallel_loop3A_90, %parallel_loop3A_733 : i32
        %parallel_loop3A_735 = arith.constant 4 : i32
        %parallel_loop3A_736 = arith.addi %parallel_loop3A_734, %parallel_loop3A_735 : i32
        %parallel_loop3A_737 = arith.index_cast %parallel_loop3A_736 : i32 to index
        %parallel_loop3A_738 = arith.constant 128 : index
        %parallel_loop3A_739 = tpu.vector_load %arg7[%parallel_loop3A_737, %parallel_loop3A_738] {strides = array<i32>} : memref<128x256xf32, #tpu.memory_space<vmem>>, vector<1x16xf32>,
        %parallel_loop3A_740 = vector.shape_cast %parallel_loop3A_739 : vector<1x16xf32> to vector<16xf32>
        %parallel_loop3A_741 = arith.constant 8 : i32
        %parallel_loop3A_742 = arith.muli %parallel_loop3A_90, %parallel_loop3A_741 : i32
        %parallel_loop3A_743 = arith.constant 5 : i32
        %parallel_loop3A_744 = arith.addi %parallel_loop3A_742, %parallel_loop3A_743 : i32
        %parallel_loop3A_745 = arith.index_cast %parallel_loop3A_744 : i32 to index
        %parallel_loop3A_746 = arith.constant 128 : index
        %parallel_loop3A_747 = tpu.vector_load %arg7[%parallel_loop3A_745, %parallel_loop3A_746] {strides = array<i32>} : memref<128x256xf32, #tpu.memory_space<vmem>>, vector<1x16xf32>,
        %parallel_loop3A_748 = vector.shape_cast %parallel_loop3A_747 : vector<1x16xf32> to vector<16xf32>
        %parallel_loop3A_749 = arith.addf %parallel_loop3A_740, %parallel_loop3A_748 : vector<16xf32>
        %parallel_loop3A_750 = arith.constant 8 : i32
        %parallel_loop3A_751 = arith.muli %parallel_loop3A_90, %parallel_loop3A_750 : i32
        %parallel_loop3A_752 = arith.constant 6 : i32
        %parallel_loop3A_753 = arith.addi %parallel_loop3A_751, %parallel_loop3A_752 : i32
        %parallel_loop3A_754 = arith.index_cast %parallel_loop3A_753 : i32 to index
        %parallel_loop3A_755 = arith.constant 128 : index
        %parallel_loop3A_756 = tpu.vector_load %arg7[%parallel_loop3A_754, %parallel_loop3A_755] {strides = array<i32>} : memref<128x256xf32, #tpu.memory_space<vmem>>, vector<1x16xf32>,
        %parallel_loop3A_757 = vector.shape_cast %parallel_loop3A_756 : vector<1x16xf32> to vector<16xf32>
        %parallel_loop3A_758 = arith.constant 8 : i32
        %parallel_loop3A_759 = arith.muli %parallel_loop3A_90, %parallel_loop3A_758 : i32
        %parallel_loop3A_760 = arith.constant 7 : i32
        %parallel_loop3A_761 = arith.addi %parallel_loop3A_759, %parallel_loop3A_760 : i32
        %parallel_loop3A_762 = arith.index_cast %parallel_loop3A_761 : i32 to index
        %parallel_loop3A_763 = arith.constant 128 : index
        %parallel_loop3A_764 = tpu.vector_load %arg7[%parallel_loop3A_762, %parallel_loop3A_763] {strides = array<i32>} : memref<128x256xf32, #tpu.memory_space<vmem>>, vector<1x16xf32>,
        %parallel_loop3A_765 = vector.shape_cast %parallel_loop3A_764 : vector<1x16xf32> to vector<16xf32>
        %parallel_loop3A_766 = arith.addf %parallel_loop3A_757, %parallel_loop3A_765 : vector<16xf32>
        %parallel_loop3A_767 = arith.addf %parallel_loop3A_715, %parallel_loop3A_732 : vector<16xf32>
        %parallel_loop3A_768 = arith.addf %parallel_loop3A_749, %parallel_loop3A_766 : vector<16xf32>
        %parallel_loop3A_769 = arith.addf %parallel_loop3A_767, %parallel_loop3A_768 : vector<16xf32>
        %parallel_loop3A_770 = arith.index_cast %parallel_loop3A_90 : i32 to index
        %parallel_loop3A_771 = arith.constant 128 : index
        %parallel_loop3A_772 = tpu.vector_load %arg9[%parallel_loop3A_770, %parallel_loop3A_771] {strides = array<i32>} : memref<16x256xf32, #tpu.memory_space<vmem>>, vector<1x16xf32>,
        %parallel_loop3A_773 = vector.shape_cast %parallel_loop3A_772 : vector<1x16xf32> to vector<16xf32>
        %parallel_loop3A_774 = vector.shape_cast %parallel_loop3A_769 : vector<16xf32> to vector<1x16xf32>
        tpu.vector_store %arg9[%parallel_loop3A_770, %parallel_loop3A_771], %parallel_loop3A_774 {strides = array<i32>} : memref<16x256xf32, #tpu.memory_space<vmem>>, vector<1x16xf32>,
        %parallel_loop3A_775 = arith.constant 8 : i32
        %parallel_loop3A_776 = arith.muli %parallel_loop3A_90, %parallel_loop3A_775 : i32
        %parallel_loop3A_777 = arith.constant 0 : i32
        %parallel_loop3A_778 = arith.addi %parallel_loop3A_776, %parallel_loop3A_777 : i32
        %parallel_loop3A_779 = arith.index_cast %parallel_loop3A_778 : i32 to index
        %parallel_loop3A_780 = arith.constant 144 : index
        %parallel_loop3A_781 = tpu.vector_load %arg7[%parallel_loop3A_779, %parallel_loop3A_780] {strides = array<i32>} : memref<128x256xf32, #tpu.memory_space<vmem>>, vector<1x16xf32>,
        %parallel_loop3A_782 = vector.shape_cast %parallel_loop3A_781 : vector<1x16xf32> to vector<16xf32>
        %parallel_loop3A_783 = arith.constant 8 : i32
        %parallel_loop3A_784 = arith.muli %parallel_loop3A_90, %parallel_loop3A_783 : i32
        %parallel_loop3A_785 = arith.constant 1 : i32
        %parallel_loop3A_786 = arith.addi %parallel_loop3A_784, %parallel_loop3A_785 : i32
        %parallel_loop3A_787 = arith.index_cast %parallel_loop3A_786 : i32 to index
        %parallel_loop3A_788 = arith.constant 144 : index
        %parallel_loop3A_789 = tpu.vector_load %arg7[%parallel_loop3A_787, %parallel_loop3A_788] {strides = array<i32>} : memref<128x256xf32, #tpu.memory_space<vmem>>, vector<1x16xf32>,
        %parallel_loop3A_790 = vector.shape_cast %parallel_loop3A_789 : vector<1x16xf32> to vector<16xf32>
        %parallel_loop3A_791 = arith.addf %parallel_loop3A_782, %parallel_loop3A_790 : vector<16xf32>
        %parallel_loop3A_792 = arith.constant 8 : i32
        %parallel_loop3A_793 = arith.muli %parallel_loop3A_90, %parallel_loop3A_792 : i32
        %parallel_loop3A_794 = arith.constant 2 : i32
        %parallel_loop3A_795 = arith.addi %parallel_loop3A_793, %parallel_loop3A_794 : i32
        %parallel_loop3A_796 = arith.index_cast %parallel_loop3A_795 : i32 to index
        %parallel_loop3A_797 = arith.constant 144 : index
        %parallel_loop3A_798 = tpu.vector_load %arg7[%parallel_loop3A_796, %parallel_loop3A_797] {strides = array<i32>} : memref<128x256xf32, #tpu.memory_space<vmem>>, vector<1x16xf32>,
        %parallel_loop3A_799 = vector.shape_cast %parallel_loop3A_798 : vector<1x16xf32> to vector<16xf32>
        %parallel_loop3A_800 = arith.constant 8 : i32
        %parallel_loop3A_801 = arith.muli %parallel_loop3A_90, %parallel_loop3A_800 : i32
        %parallel_loop3A_802 = arith.constant 3 : i32
        %parallel_loop3A_803 = arith.addi %parallel_loop3A_801, %parallel_loop3A_802 : i32
        %parallel_loop3A_804 = arith.index_cast %parallel_loop3A_803 : i32 to index
        %parallel_loop3A_805 = arith.constant 144 : index
        %parallel_loop3A_806 = tpu.vector_load %arg7[%parallel_loop3A_804, %parallel_loop3A_805] {strides = array<i32>} : memref<128x256xf32, #tpu.memory_space<vmem>>, vector<1x16xf32>,
        %parallel_loop3A_807 = vector.shape_cast %parallel_loop3A_806 : vector<1x16xf32> to vector<16xf32>
        %parallel_loop3A_808 = arith.addf %parallel_loop3A_799, %parallel_loop3A_807 : vector<16xf32>
        %parallel_loop3A_809 = arith.constant 8 : i32
        %parallel_loop3A_810 = arith.muli %parallel_loop3A_90, %parallel_loop3A_809 : i32
        %parallel_loop3A_811 = arith.constant 4 : i32
        %parallel_loop3A_812 = arith.addi %parallel_loop3A_810, %parallel_loop3A_811 : i32
        %parallel_loop3A_813 = arith.index_cast %parallel_loop3A_812 : i32 to index
        %parallel_loop3A_814 = arith.constant 144 : index
        %parallel_loop3A_815 = tpu.vector_load %arg7[%parallel_loop3A_813, %parallel_loop3A_814] {strides = array<i32>} : memref<128x256xf32, #tpu.memory_space<vmem>>, vector<1x16xf32>,
        %parallel_loop3A_816 = vector.shape_cast %parallel_loop3A_815 : vector<1x16xf32> to vector<16xf32>
        %parallel_loop3A_817 = arith.constant 8 : i32
        %parallel_loop3A_818 = arith.muli %parallel_loop3A_90, %parallel_loop3A_817 : i32
        %parallel_loop3A_819 = arith.constant 5 : i32
        %parallel_loop3A_820 = arith.addi %parallel_loop3A_818, %parallel_loop3A_819 : i32
        %parallel_loop3A_821 = arith.index_cast %parallel_loop3A_820 : i32 to index
        %parallel_loop3A_822 = arith.constant 144 : index
        %parallel_loop3A_823 = tpu.vector_load %arg7[%parallel_loop3A_821, %parallel_loop3A_822] {strides = array<i32>} : memref<128x256xf32, #tpu.memory_space<vmem>>, vector<1x16xf32>,
        %parallel_loop3A_824 = vector.shape_cast %parallel_loop3A_823 : vector<1x16xf32> to vector<16xf32>
        %parallel_loop3A_825 = arith.addf %parallel_loop3A_816, %parallel_loop3A_824 : vector<16xf32>
        %parallel_loop3A_826 = arith.constant 8 : i32
        %parallel_loop3A_827 = arith.muli %parallel_loop3A_90, %parallel_loop3A_826 : i32
        %parallel_loop3A_828 = arith.constant 6 : i32
        %parallel_loop3A_829 = arith.addi %parallel_loop3A_827, %parallel_loop3A_828 : i32
        %parallel_loop3A_830 = arith.index_cast %parallel_loop3A_829 : i32 to index
        %parallel_loop3A_831 = arith.constant 144 : index
        %parallel_loop3A_832 = tpu.vector_load %arg7[%parallel_loop3A_830, %parallel_loop3A_831] {strides = array<i32>} : memref<128x256xf32, #tpu.memory_space<vmem>>, vector<1x16xf32>,
        %parallel_loop3A_833 = vector.shape_cast %parallel_loop3A_832 : vector<1x16xf32> to vector<16xf32>
        %parallel_loop3A_834 = arith.constant 8 : i32
        %parallel_loop3A_835 = arith.muli %parallel_loop3A_90, %parallel_loop3A_834 : i32
        %parallel_loop3A_836 = arith.constant 7 : i32
        %parallel_loop3A_837 = arith.addi %parallel_loop3A_835, %parallel_loop3A_836 : i32
        %parallel_loop3A_838 = arith.index_cast %parallel_loop3A_837 : i32 to index
        %parallel_loop3A_839 = arith.constant 144 : index
        %parallel_loop3A_840 = tpu.vector_load %arg7[%parallel_loop3A_838, %parallel_loop3A_839] {strides = array<i32>} : memref<128x256xf32, #tpu.memory_space<vmem>>, vector<1x16xf32>,
        %parallel_loop3A_841 = vector.shape_cast %parallel_loop3A_840 : vector<1x16xf32> to vector<16xf32>
        %parallel_loop3A_842 = arith.addf %parallel_loop3A_833, %parallel_loop3A_841 : vector<16xf32>
        %parallel_loop3A_843 = arith.addf %parallel_loop3A_791, %parallel_loop3A_808 : vector<16xf32>
        %parallel_loop3A_844 = arith.addf %parallel_loop3A_825, %parallel_loop3A_842 : vector<16xf32>
        %parallel_loop3A_845 = arith.addf %parallel_loop3A_843, %parallel_loop3A_844 : vector<16xf32>
        %parallel_loop3A_846 = arith.index_cast %parallel_loop3A_90 : i32 to index
        %parallel_loop3A_847 = arith.constant 144 : index
        %parallel_loop3A_848 = tpu.vector_load %arg9[%parallel_loop3A_846, %parallel_loop3A_847] {strides = array<i32>} : memref<16x256xf32, #tpu.memory_space<vmem>>, vector<1x16xf32>,
        %parallel_loop3A_849 = vector.shape_cast %parallel_loop3A_848 : vector<1x16xf32> to vector<16xf32>
        %parallel_loop3A_850 = vector.shape_cast %parallel_loop3A_845 : vector<16xf32> to vector<1x16xf32>
        tpu.vector_store %arg9[%parallel_loop3A_846, %parallel_loop3A_847], %parallel_loop3A_850 {strides = array<i32>} : memref<16x256xf32, #tpu.memory_space<vmem>>, vector<1x16xf32>,
        %parallel_loop3A_851 = arith.constant 8 : i32
        %parallel_loop3A_852 = arith.muli %parallel_loop3A_90, %parallel_loop3A_851 : i32
        %parallel_loop3A_853 = arith.constant 0 : i32
        %parallel_loop3A_854 = arith.addi %parallel_loop3A_852, %parallel_loop3A_853 : i32
        %parallel_loop3A_855 = arith.index_cast %parallel_loop3A_854 : i32 to index
        %parallel_loop3A_856 = arith.constant 160 : index
        %parallel_loop3A_857 = tpu.vector_load %arg7[%parallel_loop3A_855, %parallel_loop3A_856] {strides = array<i32>} : memref<128x256xf32, #tpu.memory_space<vmem>>, vector<1x16xf32>,
        %parallel_loop3A_858 = vector.shape_cast %parallel_loop3A_857 : vector<1x16xf32> to vector<16xf32>
        %parallel_loop3A_859 = arith.constant 8 : i32
        %parallel_loop3A_860 = arith.muli %parallel_loop3A_90, %parallel_loop3A_859 : i32
        %parallel_loop3A_861 = arith.constant 1 : i32
        %parallel_loop3A_862 = arith.addi %parallel_loop3A_860, %parallel_loop3A_861 : i32
        %parallel_loop3A_863 = arith.index_cast %parallel_loop3A_862 : i32 to index
        %parallel_loop3A_864 = arith.constant 160 : index
        %parallel_loop3A_865 = tpu.vector_load %arg7[%parallel_loop3A_863, %parallel_loop3A_864] {strides = array<i32>} : memref<128x256xf32, #tpu.memory_space<vmem>>, vector<1x16xf32>,
        %parallel_loop3A_866 = vector.shape_cast %parallel_loop3A_865 : vector<1x16xf32> to vector<16xf32>
        %parallel_loop3A_867 = arith.addf %parallel_loop3A_858, %parallel_loop3A_866 : vector<16xf32>
        %parallel_loop3A_868 = arith.constant 8 : i32
        %parallel_loop3A_869 = arith.muli %parallel_loop3A_90, %parallel_loop3A_868 : i32
        %parallel_loop3A_870 = arith.constant 2 : i32
        %parallel_loop3A_871 = arith.addi %parallel_loop3A_869, %parallel_loop3A_870 : i32
        %parallel_loop3A_872 = arith.index_cast %parallel_loop3A_871 : i32 to index
        %parallel_loop3A_873 = arith.constant 160 : index
        %parallel_loop3A_874 = tpu.vector_load %arg7[%parallel_loop3A_872, %parallel_loop3A_873] {strides = array<i32>} : memref<128x256xf32, #tpu.memory_space<vmem>>, vector<1x16xf32>,
        %parallel_loop3A_875 = vector.shape_cast %parallel_loop3A_874 : vector<1x16xf32> to vector<16xf32>
        %parallel_loop3A_876 = arith.constant 8 : i32
        %parallel_loop3A_877 = arith.muli %parallel_loop3A_90, %parallel_loop3A_876 : i32
        %parallel_loop3A_878 = arith.constant 3 : i32
        %parallel_loop3A_879 = arith.addi %parallel_loop3A_877, %parallel_loop3A_878 : i32
        %parallel_loop3A_880 = arith.index_cast %parallel_loop3A_879 : i32 to index
        %parallel_loop3A_881 = arith.constant 160 : index
        %parallel_loop3A_882 = tpu.vector_load %arg7[%parallel_loop3A_880, %parallel_loop3A_881] {strides = array<i32>} : memref<128x256xf32, #tpu.memory_space<vmem>>, vector<1x16xf32>,
        %parallel_loop3A_883 = vector.shape_cast %parallel_loop3A_882 : vector<1x16xf32> to vector<16xf32>
        %parallel_loop3A_884 = arith.addf %parallel_loop3A_875, %parallel_loop3A_883 : vector<16xf32>
        %parallel_loop3A_885 = arith.constant 8 : i32
        %parallel_loop3A_886 = arith.muli %parallel_loop3A_90, %parallel_loop3A_885 : i32
        %parallel_loop3A_887 = arith.constant 4 : i32
        %parallel_loop3A_888 = arith.addi %parallel_loop3A_886, %parallel_loop3A_887 : i32
        %parallel_loop3A_889 = arith.index_cast %parallel_loop3A_888 : i32 to index
        %parallel_loop3A_890 = arith.constant 160 : index
        %parallel_loop3A_891 = tpu.vector_load %arg7[%parallel_loop3A_889, %parallel_loop3A_890] {strides = array<i32>} : memref<128x256xf32, #tpu.memory_space<vmem>>, vector<1x16xf32>,
        %parallel_loop3A_892 = vector.shape_cast %parallel_loop3A_891 : vector<1x16xf32> to vector<16xf32>
        %parallel_loop3A_893 = arith.constant 8 : i32
        %parallel_loop3A_894 = arith.muli %parallel_loop3A_90, %parallel_loop3A_893 : i32
        %parallel_loop3A_895 = arith.constant 5 : i32
        %parallel_loop3A_896 = arith.addi %parallel_loop3A_894, %parallel_loop3A_895 : i32
        %parallel_loop3A_897 = arith.index_cast %parallel_loop3A_896 : i32 to index
        %parallel_loop3A_898 = arith.constant 160 : index
        %parallel_loop3A_899 = tpu.vector_load %arg7[%parallel_loop3A_897, %parallel_loop3A_898] {strides = array<i32>} : memref<128x256xf32, #tpu.memory_space<vmem>>, vector<1x16xf32>,
        %parallel_loop3A_900 = vector.shape_cast %parallel_loop3A_899 : vector<1x16xf32> to vector<16xf32>
        %parallel_loop3A_901 = arith.addf %parallel_loop3A_892, %parallel_loop3A_900 : vector<16xf32>
        %parallel_loop3A_902 = arith.constant 8 : i32
        %parallel_loop3A_903 = arith.muli %parallel_loop3A_90, %parallel_loop3A_902 : i32
        %parallel_loop3A_904 = arith.constant 6 : i32
        %parallel_loop3A_905 = arith.addi %parallel_loop3A_903, %parallel_loop3A_904 : i32
        %parallel_loop3A_906 = arith.index_cast %parallel_loop3A_905 : i32 to index
        %parallel_loop3A_907 = arith.constant 160 : index
        %parallel_loop3A_908 = tpu.vector_load %arg7[%parallel_loop3A_906, %parallel_loop3A_907] {strides = array<i32>} : memref<128x256xf32, #tpu.memory_space<vmem>>, vector<1x16xf32>,
        %parallel_loop3A_909 = vector.shape_cast %parallel_loop3A_908 : vector<1x16xf32> to vector<16xf32>
        %parallel_loop3A_910 = arith.constant 8 : i32
        %parallel_loop3A_911 = arith.muli %parallel_loop3A_90, %parallel_loop3A_910 : i32
        %parallel_loop3A_912 = arith.constant 7 : i32
        %parallel_loop3A_913 = arith.addi %parallel_loop3A_911, %parallel_loop3A_912 : i32
        %parallel_loop3A_914 = arith.index_cast %parallel_loop3A_913 : i32 to index
        %parallel_loop3A_915 = arith.constant 160 : index
        %parallel_loop3A_916 = tpu.vector_load %arg7[%parallel_loop3A_914, %parallel_loop3A_915] {strides = array<i32>} : memref<128x256xf32, #tpu.memory_space<vmem>>, vector<1x16xf32>,
        %parallel_loop3A_917 = vector.shape_cast %parallel_loop3A_916 : vector<1x16xf32> to vector<16xf32>
        %parallel_loop3A_918 = arith.addf %parallel_loop3A_909, %parallel_loop3A_917 : vector<16xf32>
        %parallel_loop3A_919 = arith.addf %parallel_loop3A_867, %parallel_loop3A_884 : vector<16xf32>
        %parallel_loop3A_920 = arith.addf %parallel_loop3A_901, %parallel_loop3A_918 : vector<16xf32>
        %parallel_loop3A_921 = arith.addf %parallel_loop3A_919, %parallel_loop3A_920 : vector<16xf32>
        %parallel_loop3A_922 = arith.index_cast %parallel_loop3A_90 : i32 to index
        %parallel_loop3A_923 = arith.constant 160 : index
        %parallel_loop3A_924 = tpu.vector_load %arg9[%parallel_loop3A_922, %parallel_loop3A_923] {strides = array<i32>} : memref<16x256xf32, #tpu.memory_space<vmem>>, vector<1x16xf32>,
        %parallel_loop3A_925 = vector.shape_cast %parallel_loop3A_924 : vector<1x16xf32> to vector<16xf32>
        %parallel_loop3A_926 = vector.shape_cast %parallel_loop3A_921 : vector<16xf32> to vector<1x16xf32>
        tpu.vector_store %arg9[%parallel_loop3A_922, %parallel_loop3A_923], %parallel_loop3A_926 {strides = array<i32>} : memref<16x256xf32, #tpu.memory_space<vmem>>, vector<1x16xf32>,
        %parallel_loop3A_927 = arith.constant 8 : i32
        %parallel_loop3A_928 = arith.muli %parallel_loop3A_90, %parallel_loop3A_927 : i32
        %parallel_loop3A_929 = arith.constant 0 : i32
        %parallel_loop3A_930 = arith.addi %parallel_loop3A_928, %parallel_loop3A_929 : i32
        %parallel_loop3A_931 = arith.index_cast %parallel_loop3A_930 : i32 to index
        %parallel_loop3A_932 = arith.constant 176 : index
        %parallel_loop3A_933 = tpu.vector_load %arg7[%parallel_loop3A_931, %parallel_loop3A_932] {strides = array<i32>} : memref<128x256xf32, #tpu.memory_space<vmem>>, vector<1x16xf32>,
        %parallel_loop3A_934 = vector.shape_cast %parallel_loop3A_933 : vector<1x16xf32> to vector<16xf32>
        %parallel_loop3A_935 = arith.constant 8 : i32
        %parallel_loop3A_936 = arith.muli %parallel_loop3A_90, %parallel_loop3A_935 : i32
        %parallel_loop3A_937 = arith.constant 1 : i32
        %parallel_loop3A_938 = arith.addi %parallel_loop3A_936, %parallel_loop3A_937 : i32
        %parallel_loop3A_939 = arith.index_cast %parallel_loop3A_938 : i32 to index
        %parallel_loop3A_940 = arith.constant 176 : index
        %parallel_loop3A_941 = tpu.vector_load %arg7[%parallel_loop3A_939, %parallel_loop3A_940] {strides = array<i32>} : memref<128x256xf32, #tpu.memory_space<vmem>>, vector<1x16xf32>,
        %parallel_loop3A_942 = vector.shape_cast %parallel_loop3A_941 : vector<1x16xf32> to vector<16xf32>
        %parallel_loop3A_943 = arith.addf %parallel_loop3A_934, %parallel_loop3A_942 : vector<16xf32>
        %parallel_loop3A_944 = arith.constant 8 : i32
        %parallel_loop3A_945 = arith.muli %parallel_loop3A_90, %parallel_loop3A_944 : i32
        %parallel_loop3A_946 = arith.constant 2 : i32
        %parallel_loop3A_947 = arith.addi %parallel_loop3A_945, %parallel_loop3A_946 : i32
        %parallel_loop3A_948 = arith.index_cast %parallel_loop3A_947 : i32 to index
        %parallel_loop3A_949 = arith.constant 176 : index
        %parallel_loop3A_950 = tpu.vector_load %arg7[%parallel_loop3A_948, %parallel_loop3A_949] {strides = array<i32>} : memref<128x256xf32, #tpu.memory_space<vmem>>, vector<1x16xf32>,
        %parallel_loop3A_951 = vector.shape_cast %parallel_loop3A_950 : vector<1x16xf32> to vector<16xf32>
        %parallel_loop3A_952 = arith.constant 8 : i32
        %parallel_loop3A_953 = arith.muli %parallel_loop3A_90, %parallel_loop3A_952 : i32
        %parallel_loop3A_954 = arith.constant 3 : i32
        %parallel_loop3A_955 = arith.addi %parallel_loop3A_953, %parallel_loop3A_954 : i32
        %parallel_loop3A_956 = arith.index_cast %parallel_loop3A_955 : i32 to index
        %parallel_loop3A_957 = arith.constant 176 : index
        %parallel_loop3A_958 = tpu.vector_load %arg7[%parallel_loop3A_956, %parallel_loop3A_957] {strides = array<i32>} : memref<128x256xf32, #tpu.memory_space<vmem>>, vector<1x16xf32>,
        %parallel_loop3A_959 = vector.shape_cast %parallel_loop3A_958 : vector<1x16xf32> to vector<16xf32>
        %parallel_loop3A_960 = arith.addf %parallel_loop3A_951, %parallel_loop3A_959 : vector<16xf32>
        %parallel_loop3A_961 = arith.constant 8 : i32
        %parallel_loop3A_962 = arith.muli %parallel_loop3A_90, %parallel_loop3A_961 : i32
        %parallel_loop3A_963 = arith.constant 4 : i32
        %parallel_loop3A_964 = arith.addi %parallel_loop3A_962, %parallel_loop3A_963 : i32
        %parallel_loop3A_965 = arith.index_cast %parallel_loop3A_964 : i32 to index
        %parallel_loop3A_966 = arith.constant 176 : index
        %parallel_loop3A_967 = tpu.vector_load %arg7[%parallel_loop3A_965, %parallel_loop3A_966] {strides = array<i32>} : memref<128x256xf32, #tpu.memory_space<vmem>>, vector<1x16xf32>,
        %parallel_loop3A_968 = vector.shape_cast %parallel_loop3A_967 : vector<1x16xf32> to vector<16xf32>
        %parallel_loop3A_969 = arith.constant 8 : i32
        %parallel_loop3A_970 = arith.muli %parallel_loop3A_90, %parallel_loop3A_969 : i32
        %parallel_loop3A_971 = arith.constant 5 : i32
        %parallel_loop3A_972 = arith.addi %parallel_loop3A_970, %parallel_loop3A_971 : i32
        %parallel_loop3A_973 = arith.index_cast %parallel_loop3A_972 : i32 to index
        %parallel_loop3A_974 = arith.constant 176 : index
        %parallel_loop3A_975 = tpu.vector_load %arg7[%parallel_loop3A_973, %parallel_loop3A_974] {strides = array<i32>} : memref<128x256xf32, #tpu.memory_space<vmem>>, vector<1x16xf32>,
        %parallel_loop3A_976 = vector.shape_cast %parallel_loop3A_975 : vector<1x16xf32> to vector<16xf32>
        %parallel_loop3A_977 = arith.addf %parallel_loop3A_968, %parallel_loop3A_976 : vector<16xf32>
        %parallel_loop3A_978 = arith.constant 8 : i32
        %parallel_loop3A_979 = arith.muli %parallel_loop3A_90, %parallel_loop3A_978 : i32
        %parallel_loop3A_980 = arith.constant 6 : i32
        %parallel_loop3A_981 = arith.addi %parallel_loop3A_979, %parallel_loop3A_980 : i32
        %parallel_loop3A_982 = arith.index_cast %parallel_loop3A_981 : i32 to index
        %parallel_loop3A_983 = arith.constant 176 : index
        %parallel_loop3A_984 = tpu.vector_load %arg7[%parallel_loop3A_982, %parallel_loop3A_983] {strides = array<i32>} : memref<128x256xf32, #tpu.memory_space<vmem>>, vector<1x16xf32>,
        %parallel_loop3A_985 = vector.shape_cast %parallel_loop3A_984 : vector<1x16xf32> to vector<16xf32>
        %parallel_loop3A_986 = arith.constant 8 : i32
        %parallel_loop3A_987 = arith.muli %parallel_loop3A_90, %parallel_loop3A_986 : i32
        %parallel_loop3A_988 = arith.constant 7 : i32
        %parallel_loop3A_989 = arith.addi %parallel_loop3A_987, %parallel_loop3A_988 : i32
        %parallel_loop3A_990 = arith.index_cast %parallel_loop3A_989 : i32 to index
        %parallel_loop3A_991 = arith.constant 176 : index
        %parallel_loop3A_992 = tpu.vector_load %arg7[%parallel_loop3A_990, %parallel_loop3A_991] {strides = array<i32>} : memref<128x256xf32, #tpu.memory_space<vmem>>, vector<1x16xf32>,
        %parallel_loop3A_993 = vector.shape_cast %parallel_loop3A_992 : vector<1x16xf32> to vector<16xf32>
        %parallel_loop3A_994 = arith.addf %parallel_loop3A_985, %parallel_loop3A_993 : vector<16xf32>
        %parallel_loop3A_995 = arith.addf %parallel_loop3A_943, %parallel_loop3A_960 : vector<16xf32>
        %parallel_loop3A_996 = arith.addf %parallel_loop3A_977, %parallel_loop3A_994 : vector<16xf32>
        %parallel_loop3A_997 = arith.addf %parallel_loop3A_995, %parallel_loop3A_996 : vector<16xf32>
        %parallel_loop3A_998 = arith.index_cast %parallel_loop3A_90 : i32 to index
        %parallel_loop3A_999 = arith.constant 176 : index
        %parallel_loop3A_1000 = tpu.vector_load %arg9[%parallel_loop3A_998, %parallel_loop3A_999] {strides = array<i32>} : memref<16x256xf32, #tpu.memory_space<vmem>>, vector<1x16xf32>,
        %parallel_loop3A_1001 = vector.shape_cast %parallel_loop3A_1000 : vector<1x16xf32> to vector<16xf32>
        %parallel_loop3A_1002 = vector.shape_cast %parallel_loop3A_997 : vector<16xf32> to vector<1x16xf32>
        tpu.vector_store %arg9[%parallel_loop3A_998, %parallel_loop3A_999], %parallel_loop3A_1002 {strides = array<i32>} : memref<16x256xf32, #tpu.memory_space<vmem>>, vector<1x16xf32>,
        %parallel_loop3A_1003 = arith.constant 8 : i32
        %parallel_loop3A_1004 = arith.muli %parallel_loop3A_90, %parallel_loop3A_1003 : i32
        %parallel_loop3A_1005 = arith.constant 0 : i32
        %parallel_loop3A_1006 = arith.addi %parallel_loop3A_1004, %parallel_loop3A_1005 : i32
        %parallel_loop3A_1007 = arith.index_cast %parallel_loop3A_1006 : i32 to index
        %parallel_loop3A_1008 = arith.constant 192 : index
        %parallel_loop3A_1009 = tpu.vector_load %arg7[%parallel_loop3A_1007, %parallel_loop3A_1008] {strides = array<i32>} : memref<128x256xf32, #tpu.memory_space<vmem>>, vector<1x16xf32>,
        %parallel_loop3A_1010 = vector.shape_cast %parallel_loop3A_1009 : vector<1x16xf32> to vector<16xf32>
        %parallel_loop3A_1011 = arith.constant 8 : i32
        %parallel_loop3A_1012 = arith.muli %parallel_loop3A_90, %parallel_loop3A_1011 : i32
        %parallel_loop3A_1013 = arith.constant 1 : i32
        %parallel_loop3A_1014 = arith.addi %parallel_loop3A_1012, %parallel_loop3A_1013 : i32
        %parallel_loop3A_1015 = arith.index_cast %parallel_loop3A_1014 : i32 to index
        %parallel_loop3A_1016 = arith.constant 192 : index
        %parallel_loop3A_1017 = tpu.vector_load %arg7[%parallel_loop3A_1015, %parallel_loop3A_1016] {strides = array<i32>} : memref<128x256xf32, #tpu.memory_space<vmem>>, vector<1x16xf32>,
        %parallel_loop3A_1018 = vector.shape_cast %parallel_loop3A_1017 : vector<1x16xf32> to vector<16xf32>
        %parallel_loop3A_1019 = arith.addf %parallel_loop3A_1010, %parallel_loop3A_1018 : vector<16xf32>
        %parallel_loop3A_1020 = arith.constant 8 : i32
        %parallel_loop3A_1021 = arith.muli %parallel_loop3A_90, %parallel_loop3A_1020 : i32
        %parallel_loop3A_1022 = arith.constant 2 : i32
        %parallel_loop3A_1023 = arith.addi %parallel_loop3A_1021, %parallel_loop3A_1022 : i32
        %parallel_loop3A_1024 = arith.index_cast %parallel_loop3A_1023 : i32 to index
        %parallel_loop3A_1025 = arith.constant 192 : index
        %parallel_loop3A_1026 = tpu.vector_load %arg7[%parallel_loop3A_1024, %parallel_loop3A_1025] {strides = array<i32>} : memref<128x256xf32, #tpu.memory_space<vmem>>, vector<1x16xf32>,
        %parallel_loop3A_1027 = vector.shape_cast %parallel_loop3A_1026 : vector<1x16xf32> to vector<16xf32>
        %parallel_loop3A_1028 = arith.constant 8 : i32
        %parallel_loop3A_1029 = arith.muli %parallel_loop3A_90, %parallel_loop3A_1028 : i32
        %parallel_loop3A_1030 = arith.constant 3 : i32
        %parallel_loop3A_1031 = arith.addi %parallel_loop3A_1029, %parallel_loop3A_1030 : i32
        %parallel_loop3A_1032 = arith.index_cast %parallel_loop3A_1031 : i32 to index
        %parallel_loop3A_1033 = arith.constant 192 : index
        %parallel_loop3A_1034 = tpu.vector_load %arg7[%parallel_loop3A_1032, %parallel_loop3A_1033] {strides = array<i32>} : memref<128x256xf32, #tpu.memory_space<vmem>>, vector<1x16xf32>,
        %parallel_loop3A_1035 = vector.shape_cast %parallel_loop3A_1034 : vector<1x16xf32> to vector<16xf32>
        %parallel_loop3A_1036 = arith.addf %parallel_loop3A_1027, %parallel_loop3A_1035 : vector<16xf32>
        %parallel_loop3A_1037 = arith.constant 8 : i32
        %parallel_loop3A_1038 = arith.muli %parallel_loop3A_90, %parallel_loop3A_1037 : i32
        %parallel_loop3A_1039 = arith.constant 4 : i32
        %parallel_loop3A_1040 = arith.addi %parallel_loop3A_1038, %parallel_loop3A_1039 : i32
        %parallel_loop3A_1041 = arith.index_cast %parallel_loop3A_1040 : i32 to index
        %parallel_loop3A_1042 = arith.constant 192 : index
        %parallel_loop3A_1043 = tpu.vector_load %arg7[%parallel_loop3A_1041, %parallel_loop3A_1042] {strides = array<i32>} : memref<128x256xf32, #tpu.memory_space<vmem>>, vector<1x16xf32>,
        %parallel_loop3A_1044 = vector.shape_cast %parallel_loop3A_1043 : vector<1x16xf32> to vector<16xf32>
        %parallel_loop3A_1045 = arith.constant 8 : i32
        %parallel_loop3A_1046 = arith.muli %parallel_loop3A_90, %parallel_loop3A_1045 : i32
        %parallel_loop3A_1047 = arith.constant 5 : i32
        %parallel_loop3A_1048 = arith.addi %parallel_loop3A_1046, %parallel_loop3A_1047 : i32
        %parallel_loop3A_1049 = arith.index_cast %parallel_loop3A_1048 : i32 to index
        %parallel_loop3A_1050 = arith.constant 192 : index
        %parallel_loop3A_1051 = tpu.vector_load %arg7[%parallel_loop3A_1049, %parallel_loop3A_1050] {strides = array<i32>} : memref<128x256xf32, #tpu.memory_space<vmem>>, vector<1x16xf32>,
        %parallel_loop3A_1052 = vector.shape_cast %parallel_loop3A_1051 : vector<1x16xf32> to vector<16xf32>
        %parallel_loop3A_1053 = arith.addf %parallel_loop3A_1044, %parallel_loop3A_1052 : vector<16xf32>
        %parallel_loop3A_1054 = arith.constant 8 : i32
        %parallel_loop3A_1055 = arith.muli %parallel_loop3A_90, %parallel_loop3A_1054 : i32
        %parallel_loop3A_1056 = arith.constant 6 : i32
        %parallel_loop3A_1057 = arith.addi %parallel_loop3A_1055, %parallel_loop3A_1056 : i32
        %parallel_loop3A_1058 = arith.index_cast %parallel_loop3A_1057 : i32 to index
        %parallel_loop3A_1059 = arith.constant 192 : index
        %parallel_loop3A_1060 = tpu.vector_load %arg7[%parallel_loop3A_1058, %parallel_loop3A_1059] {strides = array<i32>} : memref<128x256xf32, #tpu.memory_space<vmem>>, vector<1x16xf32>,
        %parallel_loop3A_1061 = vector.shape_cast %parallel_loop3A_1060 : vector<1x16xf32> to vector<16xf32>
        %parallel_loop3A_1062 = arith.constant 8 : i32
        %parallel_loop3A_1063 = arith.muli %parallel_loop3A_90, %parallel_loop3A_1062 : i32
        %parallel_loop3A_1064 = arith.constant 7 : i32
        %parallel_loop3A_1065 = arith.addi %parallel_loop3A_1063, %parallel_loop3A_1064 : i32
        %parallel_loop3A_1066 = arith.index_cast %parallel_loop3A_1065 : i32 to index
        %parallel_loop3A_1067 = arith.constant 192 : index
        %parallel_loop3A_1068 = tpu.vector_load %arg7[%parallel_loop3A_1066, %parallel_loop3A_1067] {strides = array<i32>} : memref<128x256xf32, #tpu.memory_space<vmem>>, vector<1x16xf32>,
        %parallel_loop3A_1069 = vector.shape_cast %parallel_loop3A_1068 : vector<1x16xf32> to vector<16xf32>
        %parallel_loop3A_1070 = arith.addf %parallel_loop3A_1061, %parallel_loop3A_1069 : vector<16xf32>
        %parallel_loop3A_1071 = arith.addf %parallel_loop3A_1019, %parallel_loop3A_1036 : vector<16xf32>
        %parallel_loop3A_1072 = arith.addf %parallel_loop3A_1053, %parallel_loop3A_1070 : vector<16xf32>
        %parallel_loop3A_1073 = arith.addf %parallel_loop3A_1071, %parallel_loop3A_1072 : vector<16xf32>
        %parallel_loop3A_1074 = arith.index_cast %parallel_loop3A_90 : i32 to index
        %parallel_loop3A_1075 = arith.constant 192 : index
        %parallel_loop3A_1076 = tpu.vector_load %arg9[%parallel_loop3A_1074, %parallel_loop3A_1075] {strides = array<i32>} : memref<16x256xf32, #tpu.memory_space<vmem>>, vector<1x16xf32>,
        %parallel_loop3A_1077 = vector.shape_cast %parallel_loop3A_1076 : vector<1x16xf32> to vector<16xf32>
        %parallel_loop3A_1078 = vector.shape_cast %parallel_loop3A_1073 : vector<16xf32> to vector<1x16xf32>
        tpu.vector_store %arg9[%parallel_loop3A_1074, %parallel_loop3A_1075], %parallel_loop3A_1078 {strides = array<i32>} : memref<16x256xf32, #tpu.memory_space<vmem>>, vector<1x16xf32>,
        %parallel_loop3A_1079 = arith.constant 8 : i32
        %parallel_loop3A_1080 = arith.muli %parallel_loop3A_90, %parallel_loop3A_1079 : i32
        %parallel_loop3A_1081 = arith.constant 0 : i32
        %parallel_loop3A_1082 = arith.addi %parallel_loop3A_1080, %parallel_loop3A_1081 : i32
        %parallel_loop3A_1083 = arith.index_cast %parallel_loop3A_1082 : i32 to index
        %parallel_loop3A_1084 = arith.constant 208 : index
        %parallel_loop3A_1085 = tpu.vector_load %arg7[%parallel_loop3A_1083, %parallel_loop3A_1084] {strides = array<i32>} : memref<128x256xf32, #tpu.memory_space<vmem>>, vector<1x16xf32>,
        %parallel_loop3A_1086 = vector.shape_cast %parallel_loop3A_1085 : vector<1x16xf32> to vector<16xf32>
        %parallel_loop3A_1087 = arith.constant 8 : i32
        %parallel_loop3A_1088 = arith.muli %parallel_loop3A_90, %parallel_loop3A_1087 : i32
        %parallel_loop3A_1089 = arith.constant 1 : i32
        %parallel_loop3A_1090 = arith.addi %parallel_loop3A_1088, %parallel_loop3A_1089 : i32
        %parallel_loop3A_1091 = arith.index_cast %parallel_loop3A_1090 : i32 to index
        %parallel_loop3A_1092 = arith.constant 208 : index
        %parallel_loop3A_1093 = tpu.vector_load %arg7[%parallel_loop3A_1091, %parallel_loop3A_1092] {strides = array<i32>} : memref<128x256xf32, #tpu.memory_space<vmem>>, vector<1x16xf32>,
        %parallel_loop3A_1094 = vector.shape_cast %parallel_loop3A_1093 : vector<1x16xf32> to vector<16xf32>
        %parallel_loop3A_1095 = arith.addf %parallel_loop3A_1086, %parallel_loop3A_1094 : vector<16xf32>
        %parallel_loop3A_1096 = arith.constant 8 : i32
        %parallel_loop3A_1097 = arith.muli %parallel_loop3A_90, %parallel_loop3A_1096 : i32
        %parallel_loop3A_1098 = arith.constant 2 : i32
        %parallel_loop3A_1099 = arith.addi %parallel_loop3A_1097, %parallel_loop3A_1098 : i32
        %parallel_loop3A_1100 = arith.index_cast %parallel_loop3A_1099 : i32 to index
        %parallel_loop3A_1101 = arith.constant 208 : index
        %parallel_loop3A_1102 = tpu.vector_load %arg7[%parallel_loop3A_1100, %parallel_loop3A_1101] {strides = array<i32>} : memref<128x256xf32, #tpu.memory_space<vmem>>, vector<1x16xf32>,
        %parallel_loop3A_1103 = vector.shape_cast %parallel_loop3A_1102 : vector<1x16xf32> to vector<16xf32>
        %parallel_loop3A_1104 = arith.constant 8 : i32
        %parallel_loop3A_1105 = arith.muli %parallel_loop3A_90, %parallel_loop3A_1104 : i32
        %parallel_loop3A_1106 = arith.constant 3 : i32
        %parallel_loop3A_1107 = arith.addi %parallel_loop3A_1105, %parallel_loop3A_1106 : i32
        %parallel_loop3A_1108 = arith.index_cast %parallel_loop3A_1107 : i32 to index
        %parallel_loop3A_1109 = arith.constant 208 : index
        %parallel_loop3A_1110 = tpu.vector_load %arg7[%parallel_loop3A_1108, %parallel_loop3A_1109] {strides = array<i32>} : memref<128x256xf32, #tpu.memory_space<vmem>>, vector<1x16xf32>,
        %parallel_loop3A_1111 = vector.shape_cast %parallel_loop3A_1110 : vector<1x16xf32> to vector<16xf32>
        %parallel_loop3A_1112 = arith.addf %parallel_loop3A_1103, %parallel_loop3A_1111 : vector<16xf32>
        %parallel_loop3A_1113 = arith.constant 8 : i32
        %parallel_loop3A_1114 = arith.muli %parallel_loop3A_90, %parallel_loop3A_1113 : i32
        %parallel_loop3A_1115 = arith.constant 4 : i32
        %parallel_loop3A_1116 = arith.addi %parallel_loop3A_1114, %parallel_loop3A_1115 : i32
        %parallel_loop3A_1117 = arith.index_cast %parallel_loop3A_1116 : i32 to index
        %parallel_loop3A_1118 = arith.constant 208 : index
        %parallel_loop3A_1119 = tpu.vector_load %arg7[%parallel_loop3A_1117, %parallel_loop3A_1118] {strides = array<i32>} : memref<128x256xf32, #tpu.memory_space<vmem>>, vector<1x16xf32>,
        %parallel_loop3A_1120 = vector.shape_cast %parallel_loop3A_1119 : vector<1x16xf32> to vector<16xf32>
        %parallel_loop3A_1121 = arith.constant 8 : i32
        %parallel_loop3A_1122 = arith.muli %parallel_loop3A_90, %parallel_loop3A_1121 : i32
        %parallel_loop3A_1123 = arith.constant 5 : i32
        %parallel_loop3A_1124 = arith.addi %parallel_loop3A_1122, %parallel_loop3A_1123 : i32
        %parallel_loop3A_1125 = arith.index_cast %parallel_loop3A_1124 : i32 to index
        %parallel_loop3A_1126 = arith.constant 208 : index
        %parallel_loop3A_1127 = tpu.vector_load %arg7[%parallel_loop3A_1125, %parallel_loop3A_1126] {strides = array<i32>} : memref<128x256xf32, #tpu.memory_space<vmem>>, vector<1x16xf32>,
        %parallel_loop3A_1128 = vector.shape_cast %parallel_loop3A_1127 : vector<1x16xf32> to vector<16xf32>
        %parallel_loop3A_1129 = arith.addf %parallel_loop3A_1120, %parallel_loop3A_1128 : vector<16xf32>
        %parallel_loop3A_1130 = arith.constant 8 : i32
        %parallel_loop3A_1131 = arith.muli %parallel_loop3A_90, %parallel_loop3A_1130 : i32
        %parallel_loop3A_1132 = arith.constant 6 : i32
        %parallel_loop3A_1133 = arith.addi %parallel_loop3A_1131, %parallel_loop3A_1132 : i32
        %parallel_loop3A_1134 = arith.index_cast %parallel_loop3A_1133 : i32 to index
        %parallel_loop3A_1135 = arith.constant 208 : index
        %parallel_loop3A_1136 = tpu.vector_load %arg7[%parallel_loop3A_1134, %parallel_loop3A_1135] {strides = array<i32>} : memref<128x256xf32, #tpu.memory_space<vmem>>, vector<1x16xf32>,
        %parallel_loop3A_1137 = vector.shape_cast %parallel_loop3A_1136 : vector<1x16xf32> to vector<16xf32>
        %parallel_loop3A_1138 = arith.constant 8 : i32
        %parallel_loop3A_1139 = arith.muli %parallel_loop3A_90, %parallel_loop3A_1138 : i32
        %parallel_loop3A_1140 = arith.constant 7 : i32
        %parallel_loop3A_1141 = arith.addi %parallel_loop3A_1139, %parallel_loop3A_1140 : i32
        %parallel_loop3A_1142 = arith.index_cast %parallel_loop3A_1141 : i32 to index
        %parallel_loop3A_1143 = arith.constant 208 : index
        %parallel_loop3A_1144 = tpu.vector_load %arg7[%parallel_loop3A_1142, %parallel_loop3A_1143] {strides = array<i32>} : memref<128x256xf32, #tpu.memory_space<vmem>>, vector<1x16xf32>,
        %parallel_loop3A_1145 = vector.shape_cast %parallel_loop3A_1144 : vector<1x16xf32> to vector<16xf32>
        %parallel_loop3A_1146 = arith.addf %parallel_loop3A_1137, %parallel_loop3A_1145 : vector<16xf32>
        %parallel_loop3A_1147 = arith.addf %parallel_loop3A_1095, %parallel_loop3A_1112 : vector<16xf32>
        %parallel_loop3A_1148 = arith.addf %parallel_loop3A_1129, %parallel_loop3A_1146 : vector<16xf32>
        %parallel_loop3A_1149 = arith.addf %parallel_loop3A_1147, %parallel_loop3A_1148 : vector<16xf32>
        %parallel_loop3A_1150 = arith.index_cast %parallel_loop3A_90 : i32 to index
        %parallel_loop3A_1151 = arith.constant 208 : index
        %parallel_loop3A_1152 = tpu.vector_load %arg9[%parallel_loop3A_1150, %parallel_loop3A_1151] {strides = array<i32>} : memref<16x256xf32, #tpu.memory_space<vmem>>, vector<1x16xf32>,
        %parallel_loop3A_1153 = vector.shape_cast %parallel_loop3A_1152 : vector<1x16xf32> to vector<16xf32>
        %parallel_loop3A_1154 = vector.shape_cast %parallel_loop3A_1149 : vector<16xf32> to vector<1x16xf32>
        tpu.vector_store %arg9[%parallel_loop3A_1150, %parallel_loop3A_1151], %parallel_loop3A_1154 {strides = array<i32>} : memref<16x256xf32, #tpu.memory_space<vmem>>, vector<1x16xf32>,
        %parallel_loop3A_1155 = arith.constant 8 : i32
        %parallel_loop3A_1156 = arith.muli %parallel_loop3A_90, %parallel_loop3A_1155 : i32
        %parallel_loop3A_1157 = arith.constant 0 : i32
        %parallel_loop3A_1158 = arith.addi %parallel_loop3A_1156, %parallel_loop3A_1157 : i32
        %parallel_loop3A_1159 = arith.index_cast %parallel_loop3A_1158 : i32 to index
        %parallel_loop3A_1160 = arith.constant 224 : index
        %parallel_loop3A_1161 = tpu.vector_load %arg7[%parallel_loop3A_1159, %parallel_loop3A_1160] {strides = array<i32>} : memref<128x256xf32, #tpu.memory_space<vmem>>, vector<1x16xf32>,
        %parallel_loop3A_1162 = vector.shape_cast %parallel_loop3A_1161 : vector<1x16xf32> to vector<16xf32>
        %parallel_loop3A_1163 = arith.constant 8 : i32
        %parallel_loop3A_1164 = arith.muli %parallel_loop3A_90, %parallel_loop3A_1163 : i32
        %parallel_loop3A_1165 = arith.constant 1 : i32
        %parallel_loop3A_1166 = arith.addi %parallel_loop3A_1164, %parallel_loop3A_1165 : i32
        %parallel_loop3A_1167 = arith.index_cast %parallel_loop3A_1166 : i32 to index
        %parallel_loop3A_1168 = arith.constant 224 : index
        %parallel_loop3A_1169 = tpu.vector_load %arg7[%parallel_loop3A_1167, %parallel_loop3A_1168] {strides = array<i32>} : memref<128x256xf32, #tpu.memory_space<vmem>>, vector<1x16xf32>,
        %parallel_loop3A_1170 = vector.shape_cast %parallel_loop3A_1169 : vector<1x16xf32> to vector<16xf32>
        %parallel_loop3A_1171 = arith.addf %parallel_loop3A_1162, %parallel_loop3A_1170 : vector<16xf32>
        %parallel_loop3A_1172 = arith.constant 8 : i32
        %parallel_loop3A_1173 = arith.muli %parallel_loop3A_90, %parallel_loop3A_1172 : i32
        %parallel_loop3A_1174 = arith.constant 2 : i32
        %parallel_loop3A_1175 = arith.addi %parallel_loop3A_1173, %parallel_loop3A_1174 : i32
        %parallel_loop3A_1176 = arith.index_cast %parallel_loop3A_1175 : i32 to index
        %parallel_loop3A_1177 = arith.constant 224 : index
        %parallel_loop3A_1178 = tpu.vector_load %arg7[%parallel_loop3A_1176, %parallel_loop3A_1177] {strides = array<i32>} : memref<128x256xf32, #tpu.memory_space<vmem>>, vector<1x16xf32>,
        %parallel_loop3A_1179 = vector.shape_cast %parallel_loop3A_1178 : vector<1x16xf32> to vector<16xf32>
        %parallel_loop3A_1180 = arith.constant 8 : i32
        %parallel_loop3A_1181 = arith.muli %parallel_loop3A_90, %parallel_loop3A_1180 : i32
        %parallel_loop3A_1182 = arith.constant 3 : i32
        %parallel_loop3A_1183 = arith.addi %parallel_loop3A_1181, %parallel_loop3A_1182 : i32
        %parallel_loop3A_1184 = arith.index_cast %parallel_loop3A_1183 : i32 to index
        %parallel_loop3A_1185 = arith.constant 224 : index
        %parallel_loop3A_1186 = tpu.vector_load %arg7[%parallel_loop3A_1184, %parallel_loop3A_1185] {strides = array<i32>} : memref<128x256xf32, #tpu.memory_space<vmem>>, vector<1x16xf32>,
        %parallel_loop3A_1187 = vector.shape_cast %parallel_loop3A_1186 : vector<1x16xf32> to vector<16xf32>
        %parallel_loop3A_1188 = arith.addf %parallel_loop3A_1179, %parallel_loop3A_1187 : vector<16xf32>
        %parallel_loop3A_1189 = arith.constant 8 : i32
        %parallel_loop3A_1190 = arith.muli %parallel_loop3A_90, %parallel_loop3A_1189 : i32
        %parallel_loop3A_1191 = arith.constant 4 : i32
        %parallel_loop3A_1192 = arith.addi %parallel_loop3A_1190, %parallel_loop3A_1191 : i32
        %parallel_loop3A_1193 = arith.index_cast %parallel_loop3A_1192 : i32 to index
        %parallel_loop3A_1194 = arith.constant 224 : index
        %parallel_loop3A_1195 = tpu.vector_load %arg7[%parallel_loop3A_1193, %parallel_loop3A_1194] {strides = array<i32>} : memref<128x256xf32, #tpu.memory_space<vmem>>, vector<1x16xf32>,
        %parallel_loop3A_1196 = vector.shape_cast %parallel_loop3A_1195 : vector<1x16xf32> to vector<16xf32>
        %parallel_loop3A_1197 = arith.constant 8 : i32
        %parallel_loop3A_1198 = arith.muli %parallel_loop3A_90, %parallel_loop3A_1197 : i32
        %parallel_loop3A_1199 = arith.constant 5 : i32
        %parallel_loop3A_1200 = arith.addi %parallel_loop3A_1198, %parallel_loop3A_1199 : i32
        %parallel_loop3A_1201 = arith.index_cast %parallel_loop3A_1200 : i32 to index
        %parallel_loop3A_1202 = arith.constant 224 : index
        %parallel_loop3A_1203 = tpu.vector_load %arg7[%parallel_loop3A_1201, %parallel_loop3A_1202] {strides = array<i32>} : memref<128x256xf32, #tpu.memory_space<vmem>>, vector<1x16xf32>,
        %parallel_loop3A_1204 = vector.shape_cast %parallel_loop3A_1203 : vector<1x16xf32> to vector<16xf32>
        %parallel_loop3A_1205 = arith.addf %parallel_loop3A_1196, %parallel_loop3A_1204 : vector<16xf32>
        %parallel_loop3A_1206 = arith.constant 8 : i32
        %parallel_loop3A_1207 = arith.muli %parallel_loop3A_90, %parallel_loop3A_1206 : i32
        %parallel_loop3A_1208 = arith.constant 6 : i32
        %parallel_loop3A_1209 = arith.addi %parallel_loop3A_1207, %parallel_loop3A_1208 : i32
        %parallel_loop3A_1210 = arith.index_cast %parallel_loop3A_1209 : i32 to index
        %parallel_loop3A_1211 = arith.constant 224 : index
        %parallel_loop3A_1212 = tpu.vector_load %arg7[%parallel_loop3A_1210, %parallel_loop3A_1211] {strides = array<i32>} : memref<128x256xf32, #tpu.memory_space<vmem>>, vector<1x16xf32>,
        %parallel_loop3A_1213 = vector.shape_cast %parallel_loop3A_1212 : vector<1x16xf32> to vector<16xf32>
        %parallel_loop3A_1214 = arith.constant 8 : i32
        %parallel_loop3A_1215 = arith.muli %parallel_loop3A_90, %parallel_loop3A_1214 : i32
        %parallel_loop3A_1216 = arith.constant 7 : i32
        %parallel_loop3A_1217 = arith.addi %parallel_loop3A_1215, %parallel_loop3A_1216 : i32
        %parallel_loop3A_1218 = arith.index_cast %parallel_loop3A_1217 : i32 to index
        %parallel_loop3A_1219 = arith.constant 224 : index
        %parallel_loop3A_1220 = tpu.vector_load %arg7[%parallel_loop3A_1218, %parallel_loop3A_1219] {strides = array<i32>} : memref<128x256xf32, #tpu.memory_space<vmem>>, vector<1x16xf32>,
        %parallel_loop3A_1221 = vector.shape_cast %parallel_loop3A_1220 : vector<1x16xf32> to vector<16xf32>
        %parallel_loop3A_1222 = arith.addf %parallel_loop3A_1213, %parallel_loop3A_1221 : vector<16xf32>
        %parallel_loop3A_1223 = arith.addf %parallel_loop3A_1171, %parallel_loop3A_1188 : vector<16xf32>
        %parallel_loop3A_1224 = arith.addf %parallel_loop3A_1205, %parallel_loop3A_1222 : vector<16xf32>
        %parallel_loop3A_1225 = arith.addf %parallel_loop3A_1223, %parallel_loop3A_1224 : vector<16xf32>
        %parallel_loop3A_1226 = arith.index_cast %parallel_loop3A_90 : i32 to index
        %parallel_loop3A_1227 = arith.constant 224 : index
        %parallel_loop3A_1228 = tpu.vector_load %arg9[%parallel_loop3A_1226, %parallel_loop3A_1227] {strides = array<i32>} : memref<16x256xf32, #tpu.memory_space<vmem>>, vector<1x16xf32>,
        %parallel_loop3A_1229 = vector.shape_cast %parallel_loop3A_1228 : vector<1x16xf32> to vector<16xf32>
        %parallel_loop3A_1230 = vector.shape_cast %parallel_loop3A_1225 : vector<16xf32> to vector<1x16xf32>
        tpu.vector_store %arg9[%parallel_loop3A_1226, %parallel_loop3A_1227], %parallel_loop3A_1230 {strides = array<i32>} : memref<16x256xf32, #tpu.memory_space<vmem>>, vector<1x16xf32>,
        %parallel_loop3A_1231 = arith.constant 8 : i32
        %parallel_loop3A_1232 = arith.muli %parallel_loop3A_90, %parallel_loop3A_1231 : i32
        %parallel_loop3A_1233 = arith.constant 0 : i32
        %parallel_loop3A_1234 = arith.addi %parallel_loop3A_1232, %parallel_loop3A_1233 : i32
        %parallel_loop3A_1235 = arith.index_cast %parallel_loop3A_1234 : i32 to index
        %parallel_loop3A_1236 = arith.constant 240 : index
        %parallel_loop3A_1237 = tpu.vector_load %arg7[%parallel_loop3A_1235, %parallel_loop3A_1236] {strides = array<i32>} : memref<128x256xf32, #tpu.memory_space<vmem>>, vector<1x16xf32>,
        %parallel_loop3A_1238 = vector.shape_cast %parallel_loop3A_1237 : vector<1x16xf32> to vector<16xf32>
        %parallel_loop3A_1239 = arith.constant 8 : i32
        %parallel_loop3A_1240 = arith.muli %parallel_loop3A_90, %parallel_loop3A_1239 : i32
        %parallel_loop3A_1241 = arith.constant 1 : i32
        %parallel_loop3A_1242 = arith.addi %parallel_loop3A_1240, %parallel_loop3A_1241 : i32
        %parallel_loop3A_1243 = arith.index_cast %parallel_loop3A_1242 : i32 to index
        %parallel_loop3A_1244 = arith.constant 240 : index
        %parallel_loop3A_1245 = tpu.vector_load %arg7[%parallel_loop3A_1243, %parallel_loop3A_1244] {strides = array<i32>} : memref<128x256xf32, #tpu.memory_space<vmem>>, vector<1x16xf32>,
        %parallel_loop3A_1246 = vector.shape_cast %parallel_loop3A_1245 : vector<1x16xf32> to vector<16xf32>
        %parallel_loop3A_1247 = arith.addf %parallel_loop3A_1238, %parallel_loop3A_1246 : vector<16xf32>
        %parallel_loop3A_1248 = arith.constant 8 : i32
        %parallel_loop3A_1249 = arith.muli %parallel_loop3A_90, %parallel_loop3A_1248 : i32
        %parallel_loop3A_1250 = arith.constant 2 : i32
        %parallel_loop3A_1251 = arith.addi %parallel_loop3A_1249, %parallel_loop3A_1250 : i32
        %parallel_loop3A_1252 = arith.index_cast %parallel_loop3A_1251 : i32 to index
        %parallel_loop3A_1253 = arith.constant 240 : index
        %parallel_loop3A_1254 = tpu.vector_load %arg7[%parallel_loop3A_1252, %parallel_loop3A_1253] {strides = array<i32>} : memref<128x256xf32, #tpu.memory_space<vmem>>, vector<1x16xf32>,
        %parallel_loop3A_1255 = vector.shape_cast %parallel_loop3A_1254 : vector<1x16xf32> to vector<16xf32>
        %parallel_loop3A_1256 = arith.constant 8 : i32
        %parallel_loop3A_1257 = arith.muli %parallel_loop3A_90, %parallel_loop3A_1256 : i32
        %parallel_loop3A_1258 = arith.constant 3 : i32
        %parallel_loop3A_1259 = arith.addi %parallel_loop3A_1257, %parallel_loop3A_1258 : i32
        %parallel_loop3A_1260 = arith.index_cast %parallel_loop3A_1259 : i32 to index
        %parallel_loop3A_1261 = arith.constant 240 : index
        %parallel_loop3A_1262 = tpu.vector_load %arg7[%parallel_loop3A_1260, %parallel_loop3A_1261] {strides = array<i32>} : memref<128x256xf32, #tpu.memory_space<vmem>>, vector<1x16xf32>,
        %parallel_loop3A_1263 = vector.shape_cast %parallel_loop3A_1262 : vector<1x16xf32> to vector<16xf32>
        %parallel_loop3A_1264 = arith.addf %parallel_loop3A_1255, %parallel_loop3A_1263 : vector<16xf32>
        %parallel_loop3A_1265 = arith.constant 8 : i32
        %parallel_loop3A_1266 = arith.muli %parallel_loop3A_90, %parallel_loop3A_1265 : i32
        %parallel_loop3A_1267 = arith.constant 4 : i32
        %parallel_loop3A_1268 = arith.addi %parallel_loop3A_1266, %parallel_loop3A_1267 : i32
        %parallel_loop3A_1269 = arith.index_cast %parallel_loop3A_1268 : i32 to index
        %parallel_loop3A_1270 = arith.constant 240 : index
        %parallel_loop3A_1271 = tpu.vector_load %arg7[%parallel_loop3A_1269, %parallel_loop3A_1270] {strides = array<i32>} : memref<128x256xf32, #tpu.memory_space<vmem>>, vector<1x16xf32>,
        %parallel_loop3A_1272 = vector.shape_cast %parallel_loop3A_1271 : vector<1x16xf32> to vector<16xf32>
        %parallel_loop3A_1273 = arith.constant 8 : i32
        %parallel_loop3A_1274 = arith.muli %parallel_loop3A_90, %parallel_loop3A_1273 : i32
        %parallel_loop3A_1275 = arith.constant 5 : i32
        %parallel_loop3A_1276 = arith.addi %parallel_loop3A_1274, %parallel_loop3A_1275 : i32
        %parallel_loop3A_1277 = arith.index_cast %parallel_loop3A_1276 : i32 to index
        %parallel_loop3A_1278 = arith.constant 240 : index
        %parallel_loop3A_1279 = tpu.vector_load %arg7[%parallel_loop3A_1277, %parallel_loop3A_1278] {strides = array<i32>} : memref<128x256xf32, #tpu.memory_space<vmem>>, vector<1x16xf32>,
        %parallel_loop3A_1280 = vector.shape_cast %parallel_loop3A_1279 : vector<1x16xf32> to vector<16xf32>
        %parallel_loop3A_1281 = arith.addf %parallel_loop3A_1272, %parallel_loop3A_1280 : vector<16xf32>
        %parallel_loop3A_1282 = arith.constant 8 : i32
        %parallel_loop3A_1283 = arith.muli %parallel_loop3A_90, %parallel_loop3A_1282 : i32
        %parallel_loop3A_1284 = arith.constant 6 : i32
        %parallel_loop3A_1285 = arith.addi %parallel_loop3A_1283, %parallel_loop3A_1284 : i32
        %parallel_loop3A_1286 = arith.index_cast %parallel_loop3A_1285 : i32 to index
        %parallel_loop3A_1287 = arith.constant 240 : index
        %parallel_loop3A_1288 = tpu.vector_load %arg7[%parallel_loop3A_1286, %parallel_loop3A_1287] {strides = array<i32>} : memref<128x256xf32, #tpu.memory_space<vmem>>, vector<1x16xf32>,
        %parallel_loop3A_1289 = vector.shape_cast %parallel_loop3A_1288 : vector<1x16xf32> to vector<16xf32>
        %parallel_loop3A_1290 = arith.constant 8 : i32
        %parallel_loop3A_1291 = arith.muli %parallel_loop3A_90, %parallel_loop3A_1290 : i32
        %parallel_loop3A_1292 = arith.constant 7 : i32
        %parallel_loop3A_1293 = arith.addi %parallel_loop3A_1291, %parallel_loop3A_1292 : i32
        %parallel_loop3A_1294 = arith.index_cast %parallel_loop3A_1293 : i32 to index
        %parallel_loop3A_1295 = arith.constant 240 : index
        %parallel_loop3A_1296 = tpu.vector_load %arg7[%parallel_loop3A_1294, %parallel_loop3A_1295] {strides = array<i32>} : memref<128x256xf32, #tpu.memory_space<vmem>>, vector<1x16xf32>,
        %parallel_loop3A_1297 = vector.shape_cast %parallel_loop3A_1296 : vector<1x16xf32> to vector<16xf32>
        %parallel_loop3A_1298 = arith.addf %parallel_loop3A_1289, %parallel_loop3A_1297 : vector<16xf32>
        %parallel_loop3A_1299 = arith.addf %parallel_loop3A_1247, %parallel_loop3A_1264 : vector<16xf32>
        %parallel_loop3A_1300 = arith.addf %parallel_loop3A_1281, %parallel_loop3A_1298 : vector<16xf32>
        %parallel_loop3A_1301 = arith.addf %parallel_loop3A_1299, %parallel_loop3A_1300 : vector<16xf32>
        %parallel_loop3A_1302 = arith.index_cast %parallel_loop3A_90 : i32 to index
        %parallel_loop3A_1303 = arith.constant 240 : index
        %parallel_loop3A_1304 = tpu.vector_load %arg9[%parallel_loop3A_1302, %parallel_loop3A_1303] {strides = array<i32>} : memref<16x256xf32, #tpu.memory_space<vmem>>, vector<1x16xf32>,
        %parallel_loop3A_1305 = vector.shape_cast %parallel_loop3A_1304 : vector<1x16xf32> to vector<16xf32>
        %parallel_loop3A_1306 = vector.shape_cast %parallel_loop3A_1301 : vector<16xf32> to vector<1x16xf32>
        tpu.vector_store %arg9[%parallel_loop3A_1302, %parallel_loop3A_1303], %parallel_loop3A_1306 {strides = array<i32>} : memref<16x256xf32, #tpu.memory_space<vmem>>, vector<1x16xf32>,
      } {sc.loop_unroll_factor = 2 : i64, sc.parallel_access}
      %mul3A_83 = arith.constant 16 : i32
      %mul3A_84 = arith.muli %add3A_60, %mul3A_83 : i32
      %add3A_85 = arith.addi %mul3A_2, %mul3A_84 : i32
      %dma_start3A_86 = arith.constant 0 : i32
      %dma_start3A_87 = tpu.memref_slice %arg4[%add3A_85, %dma_start3A_86] : memref<16384x256xf32, #tpu.memory_space<hbm>> -> memref<16x256xf32, #tpu.memory_space<hbm>>
      %dma_start3A_88 = arith.constant 0 : i32
      %dma_start3A_89 = tpu.memref_slice %arg4[%add3A_85, %dma_start3A_88] : memref<16384x256xf32, #tpu.memory_space<hbm>> -> memref<16x256xf32, #tpu.memory_space<hbm>>
      tpu.enqueue_dma source(%arg9 : memref<16x256xf32, #tpu.memory_space<vmem>>) target(%dma_start3A_89 : memref<16x256xf32, #tpu.memory_space<hbm>>) target_semaphore(%arg13 : memref<!tpu.dma_semaphore, #tpu.memory_space<semaphore_mem>>)
    }
    %scan3A_17 = arith.constant 16 : i32
    %add3A_18 = arith.constant 0 : i32
    %add3A_19 = arith.addi %mul3A_2, %add3A_18 : i32
    %dma_wait3A = arith.constant 0 : i32
    %dma_wait3A_20 = tpu.memref_slice %arg4[%add3A_19, %dma_wait3A] : memref<16384x256xf32, #tpu.memory_space<hbm>> -> memref<16x256xf32, #tpu.memory_space<hbm>>
    %dma_wait3A_21 = arith.constant 0 : i32
    %dma_wait3A_22 = tpu.memref_slice %arg4[%add3A_19, %dma_wait3A_21] : memref<16384x256xf32, #tpu.memory_space<hbm>> -> memref<16x256xf32, #tpu.memory_space<hbm>>
    tpu.wait_dma2 semaphore(%arg12 : memref<!tpu.dma_semaphore, #tpu.memory_space<semaphore_mem>>) src(%arg8 : memref<16x256xf32, #tpu.memory_space<vmem>>) dst(%dma_wait3A_22 : memref<16x256xf32, #tpu.memory_space<hbm>>)
    %add3A_23 = arith.constant 0 : i32
    %add3A_24 = arith.addi %mul3A_2, %add3A_23 : i32
    %dma_wait3A_25 = arith.constant 0 : i32
    %dma_wait3A_26 = tpu.memref_slice %arg4[%add3A_24, %dma_wait3A_25] : memref<16384x256xf32, #tpu.memory_space<hbm>> -> memref<16x256xf32, #tpu.memory_space<hbm>>
    %dma_wait3A_27 = arith.constant 0 : i32
    %dma_wait3A_28 = tpu.memref_slice %arg4[%add3A_24, %dma_wait3A_27] : memref<16384x256xf32, #tpu.memory_space<hbm>> -> memref<16x256xf32, #tpu.memory_space<hbm>>
    tpu.wait_dma2 semaphore(%arg13 : memref<!tpu.dma_semaphore, #tpu.memory_space<semaphore_mem>>) src(%arg9 : memref<16x256xf32, #tpu.memory_space<vmem>>) dst(%dma_wait3A_28 : memref<16x256xf32, #tpu.memory_space<hbm>>)
    return
  }
}

</mosaic_0001>

<sc_bundles>
// kernel: kernel.3.cloned.1.call-start
scs
__scs_entry_jumppad:
0x0: {  	(pc) =	sbr.rel $0x88, $3  }
0x1: {  	(tag) =	ssettag $0x0;
	lr =	simm.s32 $0x1  }
0x2: {  	[smem:$0x3F9F] =	sst lr;
	_ =	strace $0xD0000000  }
0x3: {  	_ = 	snop  }
0x4: {  	_ = 	snop  }
0x5: {  	_ = 	snop  }
0x6: {  	_ = 	snop  }
0x7: {  	_ = 	snop  }
__scs_overlays_trampoline_lowered:
0x8: {  	[smem:$0x3FAE] =	sst s0  }
0x9: {  	[smem:$0x3FAF] =	sst s1  }
0xa: {  	[smem:$0x3FB0] =	sst s2  }
0xb: {  	[smem:$0x3FB1] =	sst s3  }
0xc: {  	[smem:$0x3FB2] =	sst s4  }
0xd: {  	[smem:$0x3FB3] =	sst s5  }
0xe: {  	[smem:$0x3FB4] =	sst s6  }
0xf: {  	[smem:$0x3FB5] =	sst s7  }
0x10: {  	[smem:$0x3FB6] =	sst s8  }
0x11: {  	[smem:$0x3FB7] =	sst s9;
	s0 =	simm.s32 @!p0 $0x0  }
0x12: {  	s1 =	sld [smem:$0x3F9D];
	s0 =	simm.s32 @p0 $0x1  }
0x13: {  	[smem:$0x3FB8] =	sst s0;
	s0 =	simm.s32 @!p1 $0x0  }
0x14: {  	s2 =	sld [smem:$0x3F9C];
	s0 =	simm.s32 @p1 $0x1  }
0x15: {  	[smem:$0x3FB9] =	sst s0;
	s0 =	simm.s32 @!p2 $0x0  }
0x16: {  	s3 =	sld [smem:$0x3FDB];
	s0 =	simm.s32 @p2 $0x1  }
0x17: {  	s4 =	simm.s32 $0x1BF5;
	[smem:$0x3FBB] =	sst s0  }
0x18: {  	s0 =	sld [smem:$0x3F9E];
	_ =	swait.ge [sflag:s4], $0x0  }
0x19: {  	s7 =	sld [smem:$0x3F9F]  }
0x1a: {  	s8 =	sadd.s32 $0xFFFFE003, lr  }
0x1b: {  	s9 =	sadd.s32 $0xFFFFFEF7, lr;
	s5 =	simm.s32 $0xFFFFFFFF;
	p2 =	slt.u32 s8, $0xFFFFF086  }
0x1c: {  	p1 =	slt.u32 s9, $0xF7A;
	s5 =	simm.s32 @!p2 $0x0  }
0x1d: {  	s5 =	simm.s32 @p1 $0x1;
	p0 =	seq.s32 s7, s2  }
0x1e: {  	s7 =	smul.u32 @!p0 $0xF7A, s2;
	p2 =	seq.s32 @!p0 s5, $0x0  }
0x1f: {  	s9 =	smul.u32 $0xF7A, s1;
	s8 =	simm.s32 @!p0 $0x1BF5;
	p2 =	por !p2, p0  }
0x20: {  	[sflag:s8] =	ssyncset.s32 @!p0 $0xFFFFF086;
	s6 =	sadd.s32 @!p0 s3, s7;
	s7 =	simm.s32 @!p0 $0x108  }
0x21: {  	s3 =	sadd.s32 s3, s9;
	s6 =	sadd.s32 @!p0 $0x88, s6;
	s7 =	simm.s32 @p2 $0x1082  }
0x22: {  	[simem:s7], [sflag:s8] =	dma.local @!p0 [hbm:s6], $0xF7A  }
0x23: {  	s9 =	sor.u32 $0xD0000000, s2;
	s6 =	simm.s32 $0x108;
	_ =	swait.ge @!p0 [sflag:s8], $0x0  }
0x24: {  	s3 =	sadd.s32 $0x88, s3;
	s6 =	simm.s32 @!p1 $0x1082;
	[sflag:s4] =	ssyncset.s32 $0xFFFFF086  }
0x25: {  	[simem:s6], [sflag:s4] =	dma.local [hbm:s3], $0xF7A  }
0x26: {  	[smem:$0x3F9F] =	sst s1;
	(tag) =	ssettag s2;
	_ =	strace s9  }
0x27: {  	s1 =	sld [smem:$0x3FAF]  }
0x28: {  	s2 =	sld [smem:$0x3FB0]  }
0x29: {  	s4 =	sld [smem:$0x3FB2]  }
0x2a: {  	p0 =	seq.s32 s5, $0x0;
	s5 =	sld [smem:$0x3FB3]  }
0x2b: {  	s6 =	sld [smem:$0x3FB4]  }
0x2c: {  	s7 =	sld [smem:$0x3FB5]  }
0x2d: {  	s3 =	simm.s32 $0x108;
	s8 =	sld [smem:$0x3FB6]  }
0x2e: {  	s3 =	simm.s32 @!p0 $0x1082;
	s9 =	sld [smem:$0x3FB7]  }
0x2f: {  	lr =	sadd.s32 s0, s3;
	s0 =	sld [smem:$0x3FAE]  }
0x30: {  	s3 =	sld [smem:$0x3FB1]  }
0x31: {  	[smem:$0x3FBA] =	sst s10  }
0x32: {  	s10 =	sld [smem:$0x3FB8];
	_ =	sdelay $0x3  }
0x33: {  	p0 =	seq.s32 s10, $0x1;
	s10 =	sld [smem:$0x3FBA];
	_ =	sdelay $0x3  }
0x34: {  	[smem:$0x3FBA] =	sst s10  }
0x35: {  	s10 =	sld [smem:$0x3FB9];
	_ =	sdelay $0x3  }
0x36: {  	p1 =	seq.s32 s10, $0x1;
	s10 =	sld [smem:$0x3FBA];
	_ =	sdelay $0x3  }
0x37: {  	[smem:$0x3FBA] =	sst s10  }
0x38: {  	s10 =	sld [smem:$0x3FBB]  }
0x39: {  	_ = 	snop;
	(pc) =	sbr.ind lr, $3  }
0x3a: {  	_ = 	snop  }
0x3b: {  	_ = 	snop  }
0x3c: {  	p2 =	seq.s32 s10, $0x1;
	s10 =	sld [smem:$0x3FBA]  }
0x3d: {  	_ =	shalt  }
0x3e: {  	_ =	shalt  }
0x3f: {  	_ =	shalt  }
0x40: {  	_ =	shalt  }
0x41: {  	_ =	shalt  }
0x42: {  	_ =	shalt  }
0x43: {  	_ =	shalt  }
0x44: {  	_ =	shalt  }
0x45: {  	_ =	shalt  }
0x46: {  	_ =	shalt  }
0x47: {  	_ =	shalt  }
0x48: {  	_ =	shalt  }
0x49: {  	_ =	shalt  }
0x4a: {  	_ =	shalt  }
0x4b: {  	_ =	shalt  }
0x4c: {  	_ =	shalt  }
0x4d: {  	_ =	shalt  }
0x4e: {  	_ =	shalt  }
0x4f: {  	_ =	shalt  }
0x50: {  	_ =	shalt  }
0x51: {  	_ =	shalt  }
0x52: {  	_ =	shalt  }
0x53: {  	_ =	shalt  }
0x54: {  	_ =	shalt  }
0x55: {  	_ =	shalt  }
0x56: {  	_ =	shalt  }
0x57: {  	_ =	shalt  }
0x58: {  	_ =	shalt  }
0x59: {  	_ =	shalt  }
0x5a: {  	_ =	shalt  }
0x5b: {  	_ =	shalt  }
0x5c: {  	_ =	shalt  }
0x5d: {  	_ =	shalt  }
0x5e: {  	_ =	shalt  }
0x5f: {  	_ =	shalt  }
0x60: {  	_ =	shalt  }
0x61: {  	_ =	shalt  }
0x62: {  	_ =	shalt  }
0x63: {  	_ =	shalt  }
0x64: {  	_ =	shalt  }
0x65: {  	_ =	shalt  }
0x66: {  	_ =	shalt  }
0x67: {  	_ =	shalt  }
0x68: {  	_ =	shalt  }
0x69: {  	_ =	shalt  }
0x6a: {  	_ =	shalt  }
0x6b: {  	_ =	shalt  }
0x6c: {  	_ =	shalt  }
0x6d: {  	_ =	shalt  }
0x6e: {  	_ =	shalt  }
0x6f: {  	_ =	shalt  }
0x70: {  	_ =	shalt  }
0x71: {  	_ =	shalt  }
0x72: {  	_ =	shalt  }
0x73: {  	_ =	shalt  }
0x74: {  	_ =	shalt  }
0x75: {  	_ =	shalt  }
0x76: {  	_ =	shalt  }
0x77: {  	_ =	shalt  }
0x78: {  	_ =	shalt  }
0x79: {  	_ =	shalt  }
0x7a: {  	_ =	shalt  }
0x7b: {  	_ =	shalt  }
0x7c: {  	_ =	shalt  }
0x7d: {  	_ =	shalt  }
0x7e: {  	_ =	shalt  }
0x7f: {  	_ =	shalt  }
0x80: {  	_ =	shalt  }
0x81: {  	_ =	shalt  }
0x82: {  	_ =	shalt  }
0x83: {  	_ =	shalt  }
0x84: {  	_ =	shalt  }
0x85: {  	_ =	shalt  }
0x86: {  	_ =	shalt  }
0x87: {  	_ =	shalt  }
.Lfunc_end0:
.L_simem_size_0:
called_computation_lowered:
.L_overlay_start_0:
0x88: {  	s2 =	sld [smem:$0x3FD9]  }
0x89: {  	s3 =	sld [smem:$0x3FFE];
	_ =	sdelay $0x1  }
0x8a: {  	s1 =	srdreg.scid  }
0x8b: {  	s0 =	sand.u32 $0x1, s1  }
0x8c: {  	s17 =	sshll.u32 s0, $0xA;
	s2 =	sadd.s32 s3, s2  }
0x8d: {  	s2 =	sadd.s32 s2, s17  }
0x8e: {  	[smem:$0x3FC6] =	sst s2  }
0x8f: {  	_ = 	snop  }
0x90: {  	s2 =	sld [smem:$0x3FC8]  }
0x91: {  	s18 =	sld [smem:$0x3FD0];
	(tm) =	ssettm $0x1  }
0x92: {  	s4 =	sld [smem:$0x3FFB];
	_ =	sdelay $0x3  }
0x93: {  	_ =	strace s4  }
0x94: {  	s4 =	sld [smem:$0x3FFC];
	_ =	sdelay $0x3  }
0x95: {  	_ =	strace s4  }
0x96: {  	s4 =	sld [smem:$0x3FFD];
	_ =	sdelay $0x3  }
0x97: {  	_ =	strace s4  }
0x98: {  	_ =	strace $0x8FFFFFFF  }
0x99: {  	s19 =	sld [smem:$0x3FDB];
	_ =	sdelay $0x1  }
0x9a: {  	s5 =	simm.s32 $_scs_section_size  }
0x9b: {  	s6 =	simm.s32 $_size__tile_overlayer_lowered;
	s7 =	simm.s32 $_tile_overlayer_lowered  }
0x9c: {  	s22 =	simm.s32 $0x1BFF;
	s21 =	sshll.u32 s7, $0x1;
	s4 =	sadd.s32 s5, s19  }
0x9d: {  	s8 =	simm.s32 $0x0;
	s20 =	sshll.u32 s6, $0x1;
	s6 =	sadd.s32 s21, s4  }
0x9e: {  	[timem:s8], [sflag:s22] =	dma.local [hbm:s6], s20  }
0x9f: {  	_ =	swait.ge [sflag:s22], s20  }
0xa0: {  	s5 =	ssub.s32 $0x0, s20;
	[sflag:s22] =	ssyncset.done $0x0  }
0xa1: {  	[sflag:s22] =	ssyncadd.s32 s5;
	_ =	sdelay $0x1  }
0xa2: {  	s23 =	simm.s32 $0x1B8B  }
0xa3: {  	_ =	swait.ge [sflag:s23], $0x1  }
0xa4: {  	[sflag:s23] =	ssyncset.done $0x0  }
0xa5: {  	s25 =	simm.s32 $0x1B8E;
	s24 =	sld [smem:$0x3FFE];
	[sflag:s23] =	ssyncadd.s32 $0xFFFFFFFF  }
0xa6: {  	s26 =	simm.s32 $execute0_lowered;
	[smem:$0x3FD2] =	sst s25  }
0xa7: {  	s6 =	sshll.u32 s26, $0x1;
	_ =	strace $0x80000046;
	[dreg:$0x1] =	wrdreg $0xFFFFFFFF  }
0xa8: {  	s28 =	simm.s32 $_size_execute0_lowered;
	s4 =	sadd.s32 s4, s6;
	[dreg:$0x0] =	wrdreg $0x0  }
0xa9: {  	s6 =	sshll.u32 s28, $0x1;
	[dreg:$0x2] =	wrdreg s4  }
0xaa: {  	[dreg:$0x3] =	wrdreg s6  }
0xab: {  	[dreg:$0x4] =	wrdreg $0xC0  }
0xac: {  	_ =	task [dreg:s8], $0x5FFFF  }
0xad: {  	[dreg:$0x1] =	wrdreg $0xFFFFFFFF  }
0xae: {  	[dreg:$0x0] =	wrdreg $0x60  }
0xaf: {  	[dreg:$0x2] =	wrdreg s24  }
0xb0: {  	[dreg:$0x3] =	wrdreg s2  }
0xb1: {  	[dreg:$0x4] =	wrdreg s18  }
0xb2: {  	[dreg:$0x5] =	wrdreg $0x9  }
0xb3: {  	_ =	task.clear_ibuf [dreg:s8], $0x6FFFF;
	_ =	strace $0x90000046  }
0xb4: {  	s29 =	simm.s32 $0x9;
	_ =	strace $0x80000048  }
0xb5: {  	_ =	swait.ge [sflag:s29], $0x1  }
0xb6: {  	[sflag:s29] =	ssyncadd.s32 $0xFFFFFFFF  }
0xb7: {  	_ =	strace $0x90000048  }
0xb8: {  	_ =	sfence  }
0xb9: {  	s30 =	sld [smem:$0x0];
	_ =	sdelay $0x2  }
0xba: {  	s31 =	sshll.u32 s1, $0xD;
	s1 =	sshrl.u32 s1, $0x2  }
0xbb: {  	s3 =	sand.u32 $0x4000, s31;
	s1 =	sadd.s32 s1, s30  }
0xbc: {  	s0 =	sor.u32 s3, s0;
	s1 =	sshll.u32 s1, $0x11  }
0xbd: {  	s0 =	sor.u32 s1, s0  }
0xbe: {  	s0 =	sadd.s32 $0x8F2B, s0  }
0xbf: {  	[sflag:s0] =	ssyncadd.remote.s32 $0x1  }
0xc0: {  	_ =	sfence.sel $0xFFFF  }
0xc1: {  	[dreg:$0x0] =	wrdreg $0xFFFFFFFF;
	(pc) =	sbr.abs _section_cstart, $3  }
0xc2: {  	[dreg:$0x1] =	wrdreg $0xFFFFFFFF  }
0xc3: {  	_ =	task.clear_ibuf [dreg:s8], $0x2FFFF;
	_ =	strace $0x9FFFFFFF  }
0xc4: {  	(tm) =	ssettm $0x7FFFFFFF  }
0xc5: {  	_ =	shalt  }
tec
execute0_lowered:
.L_overlay_start_1:
0x0: {  	(tag) =	ssettag $0x1  }
0x1: {  	s0 =	rddreg [dreg:$0x0]  }
0x2: {  	s2 =	rddreg [dreg:$0x1]  }
0x3: {  	s1 =	rddreg [dreg:$0x2];
	s4 =	srdreg.scid  }
0x4: {  	s5 =	stileid.u32;
	s3 =	simm.s32 $0x0;
	s30 =	simm.s32 $0xA800  }
0x5: {  	s31 =	simm.s32 $0xB000;
	s25 =	simm.s32 $0xC800;
	s8 =	simm.s32 $0xE800  }
0x6: {  	s9 =	simm.s32 $0xF000;
	s10 =	simm.s32 $0xF800;
	s11 =	simm.s32 $0x10000  }
0x7: {  	s12 =	simm.s32 $0x10800;
	s13 =	simm.s32 $0x1;
	s14 =	simm.s32 $0x11000  }
0x8: {  	s15 =	simm.s32 $0x2;
	s4 =	sand.u32 $0x1, s4;
	s5 =	sshll.u32 s5, $0x1  }
0x9: {  	s16 =	simm.s32 $0x4;
	s17 =	simm.s32 $0x12000;
	s5 =	sor.u32 s4, s5  }
0xa: {  	s19 =	simm.s32 $0x0;
	[smem:$0x7FF] =	sst s3;
	s6 =	sshll.u32 s5, $0x9  }
0xb: {  	s4 =	ssub.s32 $0x2, s4;
	_ =	strace $0x80000047;
	s0 =	sadd.s32 s6, s0  }
0xc: {  	s7 =	sshrl.u32 s4, $0x1;
	s5 =	sshll.u32 s5, $0xE;
	s6 =	sadd.s32 $0x400, s0  }
0xd: {  	s4 =	ssub.s32 s4, s7;
	s0 =	sadd.s32 $0x410, s0;
	[dreg:$0x4] =	wrdreg s6  }
0xe: {  	v2 =	vlaneseq.u32;
	s7 =	simm.s32 $0xE000;
	s29 =	smax.u32 s4, $0x1;
	[dreg:$0x5] =	wrdreg s0  }
0xf: {  	vm0 =	vmmov $0xffff;
	v1 =	vshrl.u32 v2, $0x3;
	s4 =	simm.s32 $0xD000;
	s6 =	sadd.s32 s1, s5;
	[dreg:$0x6] =	wrdreg s29  }
0x10: {  	v0 =	vand.u32 $0x7, v2;
	v2 =	vor.u32 $0x8, v2;
	v1 =	vmul.u32 $0x8, v1;
	s0 =	simm.s32 $0xB800;
	s1 =	simm.s32 $0xC000;
	s5 =	simm.s32 $0xD800  }
.LBB2_1:
0x11: {  	[dreg:$0x7] =	wrdreg s19  }
0x12: {  	s18 =	rddreg [dreg:$0x4];
	s19 =	simm.s32 $0x5  }
0x13: {  	[tilespmem:s3], [sflag:$0x5] =	stream.linear.gather [hbm4b:s18+s3], $0x80, $0x38;
	[tilespmem:$0x13000] =	vst v63  }
0x14: {  	_ =	swait.ge [sflag:s19], $0x80  }
0x15: {  	[sflag:s19] =	ssyncset.done $0x0  }
0x16: {  	[sflag:s19] =	ssyncadd.s32 $0xFFFFFF80  }
0x17: {  	v3 =	vld [tilespmem:$0x0];
	_ =	sdelay $0x4  }
0x18: {  	v4 =	vshll.u32 v3, $0x1  }
0x19: {  	v3 =	vand.u32 $0x7, v3;
	v4 =	vand.u32 $0xFFFFFFF0, v4  }
0x1a: {  	v3 =	vor.u32 v3, v4  }
0x1b: {  	v4 =	vperm.xlane v3, v0;
	_ =	sdelay $0x1  }
0x1c: {  	v3 =	vperm.xlane v3, v2;
	v4 =	vadd.s32 v1, v4;
	_ =	sdelay $0x1  }
0x1d: {  	v3 =	vadd.s32 v1, v3;
	_ =	sdelay $0x1  }
0x1e: {  	s29 =	simm.s32 $0x1000  }
0x1f: {  	[tilespmem:s29], [sflag:$0x1] =	stream.indirect_vreg.gather [hbm4b:s2+s3], $0x80, v4, vm0, $0xb8;
	[tilespmem:$0x13000] =	vst v63  }
0x20: {  	s20 =	simm.s32 $0x1800  }
0x21: {  	[tilespmem:s20], [sflag:$0x1] =	stream.indirect_vreg.gather [hbm4b:s2+s3], $0x80, v3, vm0, $0xb8;
	[tilespmem:$0x13000] =	vst v63  }
0x22: {  	v3 =	vld [tilespmem:$0x10];
	_ =	sdelay $0x4  }
0x23: {  	v57 =	vshll.u32 v3, $0x1  }
0x24: {  	v3 =	vand.u32 $0x7, v3;
	v4 =	vand.u32 $0xFFFFFFF0, v57  }
0x25: {  	v3 =	vor.u32 v3, v4  }
0x26: {  	v4 =	vperm.xlane v3, v0;
	_ =	sdelay $0x1  }
0x27: {  	v3 =	vperm.xlane v3, v2;
	v4 =	vadd.s32 v1, v4;
	_ =	sdelay $0x1  }
0x28: {  	v3 =	vadd.s32 v1, v3;
	_ =	sdelay $0x1  }
0x29: {  	s21 =	simm.s32 $0x2000  }
0x2a: {  	[tilespmem:s21], [sflag:$0x1] =	stream.indirect_vreg.gather [hbm4b:s2+s3], $0x80, v4, vm0, $0xb8;
	[tilespmem:$0x13000] =	vst v63  }
0x2b: {  	s22 =	simm.s32 $0x2800  }
0x2c: {  	[tilespmem:s22], [sflag:$0x1] =	stream.indirect_vreg.gather [hbm4b:s2+s3], $0x80, v3, vm0, $0xb8;
	[tilespmem:$0x13000] =	vst v63  }
0x2d: {  	v3 =	vld [tilespmem:$0x20];
	_ =	sdelay $0x4  }
0x2e: {  	v58 =	vshll.u32 v3, $0x1  }
0x2f: {  	v3 =	vand.u32 $0x7, v3;
	v4 =	vand.u32 $0xFFFFFFF0, v58  }
0x30: {  	v3 =	vor.u32 v3, v4  }
0x31: {  	v4 =	vperm.xlane v3, v0;
	_ =	sdelay $0x1  }
0x32: {  	v3 =	vperm.xlane v3, v2;
	v4 =	vadd.s32 v1, v4;
	_ =	sdelay $0x1  }
0x33: {  	v3 =	vadd.s32 v1, v3;
	_ =	sdelay $0x1  }
0x34: {  	s23 =	simm.s32 $0x3000  }
0x35: {  	[tilespmem:s23], [sflag:$0x1] =	stream.indirect_vreg.gather [hbm4b:s2+s3], $0x80, v4, vm0, $0xb8;
	[tilespmem:$0x13000] =	vst v63  }
0x36: {  	s24 =	simm.s32 $0x3800  }
0x37: {  	[tilespmem:s24], [sflag:$0x1] =	stream.indirect_vreg.gather [hbm4b:s2+s3], $0x80, v3, vm0, $0xb8;
	[tilespmem:$0x13000] =	vst v63  }
0x38: {  	v3 =	vld [tilespmem:$0x30];
	_ =	sdelay $0x4  }
0x39: {  	v59 =	vshll.u32 v3, $0x1  }
0x3a: {  	v3 =	vand.u32 $0x7, v3;
	v4 =	vand.u32 $0xFFFFFFF0, v59  }
0x3b: {  	v3 =	vor.u32 v3, v4  }
0x3c: {  	v4 =	vperm.xlane v3, v0;
	_ =	sdelay $0x1  }
0x3d: {  	v3 =	vperm.xlane v3, v2;
	v4 =	vadd.s32 v1, v4;
	_ =	sdelay $0x1  }
0x3e: {  	v3 =	vadd.s32 v1, v3;
	_ =	sdelay $0x1  }
0x3f: {  	s26 =	simm.s32 $0x4000  }
0x40: {  	[tilespmem:s26], [sflag:$0x1] =	stream.indirect_vreg.gather [hbm4b:s2+s3], $0x80, v4, vm0, $0xb8;
	[tilespmem:$0x13000] =	vst v63  }
0x41: {  	s28 =	simm.s32 $0x4800  }
0x42: {  	[tilespmem:s28], [sflag:$0x1] =	stream.indirect_vreg.gather [hbm4b:s2+s3], $0x80, v3, vm0, $0xb8;
	[tilespmem:$0x13000] =	vst v63  }
0x43: {  	v3 =	vld [tilespmem:$0x40];
	_ =	sdelay $0x4  }
0x44: {  	v60 =	vshll.u32 v3, $0x1  }
0x45: {  	v3 =	vand.u32 $0x7, v3;
	v4 =	vand.u32 $0xFFFFFFF0, v60  }
0x46: {  	v3 =	vor.u32 v3, v4  }
0x47: {  	v4 =	vperm.xlane v3, v0;
	_ =	sdelay $0x1  }
0x48: {  	v3 =	vperm.xlane v3, v2;
	v4 =	vadd.s32 v1, v4;
	_ =	sdelay $0x1  }
0x49: {  	v3 =	vadd.s32 v1, v3;
	_ =	sdelay $0x1  }
0x4a: {  	s29 =	simm.s32 $0x5000  }
0x4b: {  	[tilespmem:s29], [sflag:$0x1] =	stream.indirect_vreg.gather [hbm4b:s2+s3], $0x80, v4, vm0, $0xb8;
	[tilespmem:$0x13000] =	vst v63  }
0x4c: {  	s20 =	simm.s32 $0x5800  }
0x4d: {  	[tilespmem:s20], [sflag:$0x1] =	stream.indirect_vreg.gather [hbm4b:s2+s3], $0x80, v3, vm0, $0xb8;
	[tilespmem:$0x13000] =	vst v63  }
0x4e: {  	v3 =	vld [tilespmem:$0x50];
	_ =	sdelay $0x4  }
0x4f: {  	v61 =	vshll.u32 v3, $0x1  }
0x50: {  	v3 =	vand.u32 $0x7, v3;
	v4 =	vand.u32 $0xFFFFFFF0, v61  }
0x51: {  	v3 =	vor.u32 v3, v4  }
0x52: {  	v4 =	vperm.xlane v3, v0;
	_ =	sdelay $0x1  }
0x53: {  	v3 =	vperm.xlane v3, v2;
	v4 =	vadd.s32 v1, v4;
	_ =	sdelay $0x1  }
0x54: {  	v3 =	vadd.s32 v1, v3;
	_ =	sdelay $0x1  }
0x55: {  	s21 =	simm.s32 $0x6000  }
0x56: {  	[tilespmem:s21], [sflag:$0x1] =	stream.indirect_vreg.gather [hbm4b:s2+s3], $0x80, v4, vm0, $0xb8;
	[tilespmem:$0x13000] =	vst v63  }
0x57: {  	s22 =	simm.s32 $0x6800  }
0x58: {  	[tilespmem:s22], [sflag:$0x1] =	stream.indirect_vreg.gather [hbm4b:s2+s3], $0x80, v3, vm0, $0xb8;
	[tilespmem:$0x13000] =	vst v63  }
0x59: {  	v3 =	vld [tilespmem:$0x60];
	_ =	sdelay $0x4  }
0x5a: {  	v62 =	vshll.u32 v3, $0x1  }
0x5b: {  	v3 =	vand.u32 $0x7, v3;
	v4 =	vand.u32 $0xFFFFFFF0, v62  }
0x5c: {  	v3 =	vor.u32 v3, v4  }
0x5d: {  	v4 =	vperm.xlane v3, v0;
	_ =	sdelay $0x1  }
0x5e: {  	v3 =	vperm.xlane v3, v2;
	v4 =	vadd.s32 v1, v4;
	_ =	sdelay $0x1  }
0x5f: {  	v3 =	vadd.s32 v1, v3;
	_ =	sdelay $0x1  }
0x60: {  	s23 =	simm.s32 $0x7000  }
0x61: {  	[tilespmem:s23], [sflag:$0x1] =	stream.indirect_vreg.gather [hbm4b:s2+s3], $0x80, v4, vm0, $0xb8;
	[tilespmem:$0x13000] =	vst v63  }
0x62: {  	s24 =	simm.s32 $0x7800  }
0x63: {  	[tilespmem:s24], [sflag:$0x1] =	stream.indirect_vreg.gather [hbm4b:s2+s3], $0x80, v3, vm0, $0xb8;
	[tilespmem:$0x13000] =	vst v63  }
0x64: {  	v3 =	vld [tilespmem:$0x70];
	_ =	sdelay $0x4  }
0x65: {  	v63 =	vshll.u32 v3, $0x1  }
0x66: {  	v3 =	vand.u32 $0x7, v3;
	v4 =	vand.u32 $0xFFFFFFF0, v63  }
0x67: {  	v3 =	vor.u32 v3, v4  }
0x68: {  	v4 =	vperm.xlane v3, v0;
	_ =	sdelay $0x1  }
0x69: {  	v3 =	vperm.xlane v3, v2;
	v4 =	vadd.s32 v1, v4;
	_ =	sdelay $0x1  }
0x6a: {  	v3 =	vadd.s32 v1, v3;
	_ =	sdelay $0x1  }
0x6b: {  	s26 =	simm.s32 $0x8000  }
0x6c: {  	[tilespmem:s26], [sflag:$0x1] =	stream.indirect_vreg.gather [hbm4b:s2+s3], $0x80, v4, vm0, $0xb8;
	[tilespmem:$0x13000] =	vst v63  }
0x6d: {  	s28 =	simm.s32 $0x8800  }
0x6e: {  	[tilespmem:s28], [sflag:$0x1] =	stream.indirect_vreg.gather [hbm4b:s2+s3], $0x80, v3, vm0, $0xb8;
	[tilespmem:$0x13000] =	vst v63  }
0x6f: {  	s29 =	rddreg [dreg:$0x5];
	s20 =	simm.s32 $0x80  }
0x70: {  	[tilespmem:s20], [sflag:$0x5] =	stream.linear.gather [hbm4b:s29+s3], $0xF80, $0x38;
	[tilespmem:$0x13000] =	vst v63  }
0x71: {  	_ =	swait.ge [sflag:s19], $0xF80  }
0x72: {  	[sflag:s19] =	ssyncset.done $0x0  }
0x73: {  	s18 =	simm.s32 $0x0;
	[sflag:s19] =	ssyncadd.s32 $0xFFFFF080  }
.LBB2_2:
0x74: {  	s20 =	sshll.u32 s18, $0xA  }
0x75: {  	s19 =	sor.u32 $0x200, s20  }
0x76: {  	s21 =	sshrl.u32 s19, $0x2  }
0x77: {  	v3 =	vld [tilespmem:s21+$0x0];
	_ =	sdelay $0x4  }
0x78: {  	v4 =	vshll.u32 v3, $0x1  }
0x79: {  	v3 =	vand.u32 $0x7, v3;
	v4 =	vand.u32 $0xFFFFFFF0, v4  }
0x7a: {  	v3 =	vor.u32 v3, v4  }
0x7b: {  	v4 =	vperm.xlane v3, v0;
	_ =	sdelay $0x1  }
0x7c: {  	v3 =	vperm.xlane v3, v2;
	v4 =	vadd.s32 v1, v4;
	_ =	sdelay $0x1  }
0x7d: {  	v3 =	vadd.s32 v1, v3;
	_ =	sdelay $0x1  }
0x7e: {  	s22 =	simm.s32 $0x9000  }
0x7f: {  	[tilespmem:s22], [sflag:$0x2] =	stream.indirect_vreg.gather [hbm4b:s2+s3], $0x80, v4, vm0, $0xb8;
	[tilespmem:$0x13000] =	vst v63  }
0x80: {  	s28 =	simm.s32 $0x9800  }
0x81: {  	[tilespmem:s28], [sflag:$0x2] =	stream.indirect_vreg.gather [hbm4b:s2+s3], $0x80, v3, vm0, $0xb8;
	[tilespmem:$0x13000] =	vst v63  }
0x82: {  	v3 =	vld [tilespmem:s21+$0x10];
	_ =	sdelay $0x4  }
0x83: {  	v57 =	vshll.u32 v3, $0x1  }
0x84: {  	v3 =	vand.u32 $0x7, v3;
	v4 =	vand.u32 $0xFFFFFFF0, v57  }
0x85: {  	v3 =	vor.u32 v3, v4  }
0x86: {  	v4 =	vperm.xlane v3, v0;
	_ =	sdelay $0x1  }
0x87: {  	v3 =	vperm.xlane v3, v2;
	v4 =	vadd.s32 v1, v4;
	_ =	sdelay $0x1  }
0x88: {  	v3 =	vadd.s32 v1, v3;
	_ =	sdelay $0x1  }
0x89: {  	s29 =	simm.s32 $0xA000  }
0x8a: {  	[tilespmem:s29], [sflag:$0x2] =	stream.indirect_vreg.gather [hbm4b:s2+s3], $0x80, v4, vm0, $0xb8;
	[tilespmem:$0x13000] =	vst v63  }
0x8b: {  	_ = 	snop  }
0x8c: {  	[tilespmem:s30], [sflag:$0x2] =	stream.indirect_vreg.gather [hbm4b:s2+s3], $0x80, v3, vm0, $0xb8;
	[tilespmem:$0x13000] =	vst v63  }
0x8d: {  	v3 =	vld [tilespmem:s21+$0x20];
	_ =	sdelay $0x4  }
0x8e: {  	v58 =	vshll.u32 v3, $0x1  }
0x8f: {  	v3 =	vand.u32 $0x7, v3;
	v4 =	vand.u32 $0xFFFFFFF0, v58  }
0x90: {  	v3 =	vor.u32 v3, v4  }
0x91: {  	v4 =	vperm.xlane v3, v0;
	_ =	sdelay $0x1  }
0x92: {  	v3 =	vperm.xlane v3, v2;
	v4 =	vadd.s32 v1, v4;
	_ =	sdelay $0x1  }
0x93: {  	v3 =	vadd.s32 v1, v3;
	_ =	sdelay $0x2  }
0x94: {  	[tilespmem:s31], [sflag:$0x2] =	stream.indirect_vreg.gather [hbm4b:s2+s3], $0x80, v4, vm0, $0xb8;
	[tilespmem:$0x13000] =	vst v63  }
0x95: {  	_ = 	snop  }
0x96: {  	[tilespmem:s0], [sflag:$0x2] =	stream.indirect_vreg.gather [hbm4b:s2+s3], $0x80, v3, vm0, $0xb8;
	[tilespmem:$0x13000] =	vst v63  }
0x97: {  	v3 =	vld [tilespmem:s21+$0x30];
	_ =	sdelay $0x4  }
0x98: {  	v59 =	vshll.u32 v3, $0x1  }
0x99: {  	v3 =	vand.u32 $0x7, v3;
	v4 =	vand.u32 $0xFFFFFFF0, v59  }
0x9a: {  	v3 =	vor.u32 v3, v4  }
0x9b: {  	v4 =	vperm.xlane v3, v0;
	_ =	sdelay $0x1  }
0x9c: {  	v3 =	vperm.xlane v3, v2;
	v4 =	vadd.s32 v1, v4;
	_ =	sdelay $0x1  }
0x9d: {  	v3 =	vadd.s32 v1, v3;
	_ =	sdelay $0x2  }
0x9e: {  	[tilespmem:s1], [sflag:$0x2] =	stream.indirect_vreg.gather [hbm4b:s2+s3], $0x80, v4, vm0, $0xb8;
	[tilespmem:$0x13000] =	vst v63  }
0x9f: {  	_ = 	snop  }
0xa0: {  	[tilespmem:s25], [sflag:$0x2] =	stream.indirect_vreg.gather [hbm4b:s2+s3], $0x80, v3, vm0, $0xb8;
	[tilespmem:$0x13000] =	vst v63  }
0xa1: {  	v3 =	vld [tilespmem:s21+$0x40];
	_ =	sdelay $0x4  }
0xa2: {  	v60 =	vshll.u32 v3, $0x1  }
0xa3: {  	v3 =	vand.u32 $0x7, v3;
	v4 =	vand.u32 $0xFFFFFFF0, v60  }
0xa4: {  	v3 =	vor.u32 v3, v4  }
0xa5: {  	v4 =	vperm.xlane v3, v0;
	_ =	sdelay $0x1  }
0xa6: {  	v3 =	vperm.xlane v3, v2;
	v4 =	vadd.s32 v1, v4;
	_ =	sdelay $0x1  }
0xa7: {  	v3 =	vadd.s32 v1, v3;
	_ =	sdelay $0x2  }
0xa8: {  	[tilespmem:s4], [sflag:$0x2] =	stream.indirect_vreg.gather [hbm4b:s2+s3], $0x80, v4, vm0, $0xb8;
	[tilespmem:$0x13000] =	vst v63  }
0xa9: {  	_ = 	snop  }
0xaa: {  	[tilespmem:s5], [sflag:$0x2] =	stream.indirect_vreg.gather [hbm4b:s2+s3], $0x80, v3, vm0, $0xb8;
	[tilespmem:$0x13000] =	vst v63  }
0xab: {  	v3 =	vld [tilespmem:s21+$0x50];
	_ =	sdelay $0x4  }
0xac: {  	v61 =	vshll.u32 v3, $0x1  }
0xad: {  	v3 =	vand.u32 $0x7, v3;
	v4 =	vand.u32 $0xFFFFFFF0, v61  }
0xae: {  	v3 =	vor.u32 v3, v4  }
0xaf: {  	v4 =	vperm.xlane v3, v0;
	_ =	sdelay $0x1  }
0xb0: {  	v3 =	vperm.xlane v3, v2;
	v4 =	vadd.s32 v1, v4;
	_ =	sdelay $0x1  }
0xb1: {  	v3 =	vadd.s32 v1, v3;
	_ =	sdelay $0x2  }
0xb2: {  	[tilespmem:s7], [sflag:$0x2] =	stream.indirect_vreg.gather [hbm4b:s2+s3], $0x80, v4, vm0, $0xb8;
	[tilespmem:$0x13000] =	vst v63  }
0xb3: {  	_ = 	snop  }
0xb4: {  	[tilespmem:s8], [sflag:$0x2] =	stream.indirect_vreg.gather [hbm4b:s2+s3], $0x80, v3, vm0, $0xb8;
	[tilespmem:$0x13000] =	vst v63  }
0xb5: {  	v3 =	vld [tilespmem:s21+$0x60];
	_ =	sdelay $0x4  }
0xb6: {  	v62 =	vshll.u32 v3, $0x1  }
0xb7: {  	v3 =	vand.u32 $0x7, v3;
	v4 =	vand.u32 $0xFFFFFFF0, v62  }
0xb8: {  	v3 =	vor.u32 v3, v4  }
0xb9: {  	v4 =	vperm.xlane v3, v0;
	_ =	sdelay $0x1  }
0xba: {  	v3 =	vperm.xlane v3, v2;
	v4 =	vadd.s32 v1, v4;
	_ =	sdelay $0x1  }
0xbb: {  	v3 =	vadd.s32 v1, v3;
	_ =	sdelay $0x2  }
0xbc: {  	[tilespmem:s9], [sflag:$0x2] =	stream.indirect_vreg.gather [hbm4b:s2+s3], $0x80, v4, vm0, $0xb8;
	[tilespmem:$0x13000] =	vst v63  }
0xbd: {  	_ = 	snop  }
0xbe: {  	[tilespmem:s10], [sflag:$0x2] =	stream.indirect_vreg.gather [hbm4b:s2+s3], $0x80, v3, vm0, $0xb8;
	[tilespmem:$0x13000] =	vst v63  }
0xbf: {  	v3 =	vld [tilespmem:s21+$0x70];
	_ =	sdelay $0x4  }
0xc0: {  	v63 =	vshll.u32 v3, $0x1  }
0xc1: {  	v3 =	vand.u32 $0x7, v3;
	v4 =	vand.u32 $0xFFFFFFF0, v63  }
0xc2: {  	v3 =	vor.u32 v3, v4  }
0xc3: {  	v4 =	vperm.xlane v3, v0;
	_ =	sdelay $0x1  }
0xc4: {  	v3 =	vperm.xlane v3, v2;
	v4 =	vadd.s32 v1, v4;
	_ =	sdelay $0x1  }
0xc5: {  	v3 =	vadd.s32 v1, v3;
	_ =	sdelay $0x2  }
0xc6: {  	[tilespmem:s11], [sflag:$0x2] =	stream.indirect_vreg.gather [hbm4b:s2+s3], $0x80, v4, vm0, $0xb8;
	[tilespmem:$0x13000] =	vst v63  }
0xc7: {  	_ = 	snop  }
0xc8: {  	[tilespmem:s12], [sflag:$0x2] =	stream.indirect_vreg.gather [hbm4b:s2+s3], $0x80, v3, vm0, $0xb8;
	[tilespmem:$0x13000] =	vst v63  }
0xc9: {  	_ =	swait.ge [sflag:s13], $0x8000  }
0xca: {  	p0 =	seq.s32 s18, $0x0;
	[sflag:s13] =	ssyncset.done $0x0  }
0xcb: {  	s21 =	simm.s32 @!p0 $0x3;
	[sflag:s13] =	ssyncadd.s32 $0xFFFF8000  }
0xcc: {  	_ =	swait.ge @!p0 [sflag:s21], $0x1000  }
0xcd: {  	[sflag:s21] =	ssyncset.done @!p0 $0x0  }
0xce: {  	[sflag:s21] =	ssyncadd.s32 @!p0 $0xFFFFF000;
	s21 =	simm.s32 $0x0  }
.LBB2_3:
0xcf: {  	s22 =	sshll.u32 s21, $0xB  }
0xd0: {  	s22 =	sand.u32 $0x3FFFF800, s22  }
0xd1: {  	v3 =	vld [tilespmem:s22+$0x1000]  }
0xd2: {  	v4 =	vld [tilespmem:s22+$0x1080]  }
0xd3: {  	v5 =	vld [tilespmem:s22+$0x1100]  }
0xd4: {  	v6 =	vld [tilespmem:s22+$0x1180]  }
0xd5: {  	v7 =	vld [tilespmem:s22+$0x1200]  }
0xd6: {  	s26 =	sor.u32 $0x1, s21;
	v8 =	vld [tilespmem:s22+$0x1280]  }
0xd7: {  	s23 =	sshll.u32 s26, $0xB;
	v9 =	vld [tilespmem:s22+$0x1300]  }
0xd8: {  	v10 =	vld [tilespmem:s22+$0x1380];
	s23 =	sand.u32 $0x3FFFF800, s23  }
0xd9: {  	v11 =	vld [tilespmem:s23+$0x1000]  }
0xda: {  	v12 =	vld [tilespmem:s23+$0x1080]  }
0xdb: {  	v13 =	vld [tilespmem:s23+$0x1100]  }
0xdc: {  	v63 =	vld [tilespmem:s23+$0x1180];
	v3 =	vadd.f32 v4, v3;
	v62 =	vadd.f32 v6, v5  }
0xdd: {  	v16 =	vld [tilespmem:s23+$0x1200];
	v14 =	vadd.f32 v8, v7;
	v15 =	vadd.f32 v10, v9  }
0xde: {  	v17 =	vld [tilespmem:s23+$0x1280]  }
0xdf: {  	s24 =	sshll.u32 s21, $0x8;
	v19 =	vld [tilespmem:s23+$0x1300];
	v3 =	vadd.f32 v62, v3;
	v18 =	vadd.f32 v15, v14  }
0xe0: {  	s28 =	sshll.u32 s21, $0x7;
	s24 =	sand.u32 $0x800, s24;
	v20 =	vld [tilespmem:s23+$0x1380]  }
0xe1: {  	s28 =	sand.u32 $0x300, s28;
	s29 =	sor.u32 $0x11000, s24;
	v3 =	vadd.f32 v18, v3  }
0xe2: {  	s24 =	sor.u32 s28, s29  }
0xe3: {  	[tilespmem:s24+$0x0] =	vst v3  }
0xe4: {  	v21 =	vadd.f32 v12, v11;
	v5 =	vadd.f32 v63, v13;
	v3 =	vld [tilespmem:s22+$0x1010]  }
0xe5: {  	v8 =	vadd.f32 v17, v16;
	v6 =	vadd.f32 v20, v19;
	v22 =	vld [tilespmem:s22+$0x1090]  }
0xe6: {  	v23 =	vld [tilespmem:s22+$0x1110]  }
0xe7: {  	v4 =	vadd.f32 v5, v21;
	v25 =	vadd.f32 v6, v8;
	v24 =	vld [tilespmem:s22+$0x1190]  }
0xe8: {  	s26 =	sshll.u32 s26, $0x7;
	v26 =	vld [tilespmem:s22+$0x1210]  }
0xe9: {  	s26 =	sand.u32 $0x380, s26;
	v4 =	vadd.f32 v25, v4;
	v27 =	vld [tilespmem:s22+$0x1290]  }
0xea: {  	s26 =	sor.u32 s26, s29;
	v28 =	vld [tilespmem:s22+$0x1310]  }
0xeb: {  	v29 =	vld [tilespmem:s22+$0x1390];
	[tilespmem:s26+$0x0] =	vst v4  }
0xec: {  	v4 =	vld [tilespmem:s23+$0x1010]  }
0xed: {  	v30 =	vld [tilespmem:s23+$0x1090]  }
0xee: {  	v31 =	vld [tilespmem:s23+$0x1110]  }
0xef: {  	v32 =	vld [tilespmem:s23+$0x1190];
	v3 =	vadd.f32 v22, v3;
	v7 =	vadd.f32 v24, v23  }
0xf0: {  	v33 =	vld [tilespmem:s23+$0x1210];
	v6 =	vadd.f32 v27, v26;
	v5 =	vadd.f32 v29, v28  }
0xf1: {  	v34 =	vld [tilespmem:s23+$0x1290]  }
0xf2: {  	v35 =	vld [tilespmem:s23+$0x1310];
	v3 =	vadd.f32 v7, v3;
	v5 =	vadd.f32 v5, v6  }
0xf3: {  	v36 =	vld [tilespmem:s23+$0x1390]  }
0xf4: {  	v3 =	vadd.f32 v5, v3;
	_ =	sdelay $0x1  }
0xf5: {  	[tilespmem:s24+$0x10] =	vst v3  }
0xf6: {  	v4 =	vadd.f32 v30, v4;
	v37 =	vadd.f32 v32, v31;
	v3 =	vld [tilespmem:s22+$0x1020]  }
0xf7: {  	v8 =	vadd.f32 v34, v33;
	v6 =	vadd.f32 v36, v35;
	v38 =	vld [tilespmem:s22+$0x10A0]  }
0xf8: {  	v39 =	vld [tilespmem:s22+$0x1120]  }
0xf9: {  	v4 =	vadd.f32 v37, v4;
	v41 =	vadd.f32 v6, v8;
	v40 =	vld [tilespmem:s22+$0x11A0]  }
0xfa: {  	v42 =	vld [tilespmem:s22+$0x1220]  }
0xfb: {  	v4 =	vadd.f32 v41, v4;
	v43 =	vld [tilespmem:s22+$0x12A0]  }
0xfc: {  	v44 =	vld [tilespmem:s22+$0x1320]  }
0xfd: {  	v45 =	vld [tilespmem:s22+$0x13A0];
	[tilespmem:s26+$0x10] =	vst v4  }
0xfe: {  	v4 =	vld [tilespmem:s23+$0x1020]  }
0xff: {  	v46 =	vld [tilespmem:s23+$0x10A0]  }
0x100: {  	v47 =	vld [tilespmem:s23+$0x1120]  }
0x101: {  	v48 =	vld [tilespmem:s23+$0x11A0];
	v3 =	vadd.f32 v38, v3;
	v7 =	vadd.f32 v40, v39  }
0x102: {  	v49 =	vld [tilespmem:s23+$0x1220];
	v6 =	vadd.f32 v43, v42;
	v5 =	vadd.f32 v45, v44  }
0x103: {  	v50 =	vld [tilespmem:s23+$0x12A0]  }
0x104: {  	v51 =	vld [tilespmem:s23+$0x1320];
	v3 =	vadd.f32 v7, v3;
	v5 =	vadd.f32 v5, v6  }
0x105: {  	v52 =	vld [tilespmem:s23+$0x13A0]  }
0x106: {  	v3 =	vadd.f32 v5, v3;
	_ =	sdelay $0x1  }
0x107: {  	[tilespmem:s24+$0x20] =	vst v3  }
0x108: {  	v4 =	vadd.f32 v46, v4;
	v53 =	vadd.f32 v48, v47;
	v3 =	vld [tilespmem:s22+$0x1030]  }
0x109: {  	v8 =	vadd.f32 v50, v49;
	v6 =	vadd.f32 v52, v51;
	v54 =	vld [tilespmem:s22+$0x10B0]  }
0x10a: {  	v55 =	vld [tilespmem:s22+$0x1130]  }
0x10b: {  	v4 =	vadd.f32 v53, v4;
	v57 =	vadd.f32 v6, v8;
	v56 =	vld [tilespmem:s22+$0x11B0]  }
0x10c: {  	v58 =	vld [tilespmem:s22+$0x1230]  }
0x10d: {  	v4 =	vadd.f32 v57, v4;
	v59 =	vld [tilespmem:s22+$0x12B0]  }
0x10e: {  	v60 =	vld [tilespmem:s22+$0x1330]  }
0x10f: {  	v61 =	vld [tilespmem:s22+$0x13B0];
	[tilespmem:s26+$0x20] =	vst v4  }
0x110: {  	v4 =	vld [tilespmem:s23+$0x1030]  }
0x111: {  	v62 =	vld [tilespmem:s23+$0x10B0]  }
0x112: {  	v63 =	vld [tilespmem:s23+$0x1130]  }
0x113: {  	v16 =	vld [tilespmem:s23+$0x11B0];
	v3 =	vadd.f32 v54, v3;
	v7 =	vadd.f32 v56, v55  }
0x114: {  	v17 =	vld [tilespmem:s23+$0x1230];
	v6 =	vadd.f32 v59, v58;
	v5 =	vadd.f32 v61, v60  }
0x115: {  	v18 =	vld [tilespmem:s23+$0x12B0]  }
0x116: {  	v19 =	vld [tilespmem:s23+$0x1330];
	v3 =	vadd.f32 v7, v3;
	v5 =	vadd.f32 v5, v6  }
0x117: {  	v20 =	vld [tilespmem:s23+$0x13B0]  }
0x118: {  	v3 =	vadd.f32 v5, v3;
	_ =	sdelay $0x1  }
0x119: {  	[tilespmem:s24+$0x30] =	vst v3  }
0x11a: {  	v4 =	vadd.f32 v62, v4;
	v21 =	vadd.f32 v16, v63;
	v3 =	vld [tilespmem:s22+$0x1040]  }
0x11b: {  	v8 =	vadd.f32 v18, v17;
	v6 =	vadd.f32 v20, v19;
	v22 =	vld [tilespmem:s22+$0x10C0]  }
0x11c: {  	v23 =	vld [tilespmem:s22+$0x1140]  }
0x11d: {  	v4 =	vadd.f32 v21, v4;
	v25 =	vadd.f32 v6, v8;
	v24 =	vld [tilespmem:s22+$0x11C0]  }
0x11e: {  	v26 =	vld [tilespmem:s22+$0x1240]  }
0x11f: {  	v4 =	vadd.f32 v25, v4;
	v27 =	vld [tilespmem:s22+$0x12C0]  }
0x120: {  	v28 =	vld [tilespmem:s22+$0x1340]  }
0x121: {  	v29 =	vld [tilespmem:s22+$0x13C0];
	[tilespmem:s26+$0x30] =	vst v4  }
0x122: {  	v4 =	vld [tilespmem:s23+$0x1040]  }
0x123: {  	v30 =	vld [tilespmem:s23+$0x10C0]  }
0x124: {  	v31 =	vld [tilespmem:s23+$0x1140]  }
0x125: {  	v32 =	vld [tilespmem:s23+$0x11C0];
	v3 =	vadd.f32 v22, v3;
	v7 =	vadd.f32 v24, v23  }
0x126: {  	v33 =	vld [tilespmem:s23+$0x1240];
	v6 =	vadd.f32 v27, v26;
	v5 =	vadd.f32 v29, v28  }
0x127: {  	v34 =	vld [tilespmem:s23+$0x12C0]  }
0x128: {  	v35 =	vld [tilespmem:s23+$0x1340];
	v3 =	vadd.f32 v7, v3;
	v5 =	vadd.f32 v5, v6  }
0x129: {  	v36 =	vld [tilespmem:s23+$0x13C0]  }
0x12a: {  	v3 =	vadd.f32 v5, v3;
	_ =	sdelay $0x1  }
0x12b: {  	[tilespmem:s24+$0x40] =	vst v3  }
0x12c: {  	v4 =	vadd.f32 v30, v4;
	v37 =	vadd.f32 v32, v31;
	v3 =	vld [tilespmem:s22+$0x1050]  }
0x12d: {  	v8 =	vadd.f32 v34, v33;
	v6 =	vadd.f32 v36, v35;
	v38 =	vld [tilespmem:s22+$0x10D0]  }
0x12e: {  	v39 =	vld [tilespmem:s22+$0x1150]  }
0x12f: {  	v4 =	vadd.f32 v37, v4;
	v41 =	vadd.f32 v6, v8;
	v40 =	vld [tilespmem:s22+$0x11D0]  }
0x130: {  	v42 =	vld [tilespmem:s22+$0x1250]  }
0x131: {  	v4 =	vadd.f32 v41, v4;
	v43 =	vld [tilespmem:s22+$0x12D0]  }
0x132: {  	v44 =	vld [tilespmem:s22+$0x1350]  }
0x133: {  	v45 =	vld [tilespmem:s22+$0x13D0];
	[tilespmem:s26+$0x40] =	vst v4  }
0x134: {  	v4 =	vld [tilespmem:s23+$0x1050]  }
0x135: {  	v46 =	vld [tilespmem:s23+$0x10D0]  }
0x136: {  	v47 =	vld [tilespmem:s23+$0x1150]  }
0x137: {  	v48 =	vld [tilespmem:s23+$0x11D0];
	v3 =	vadd.f32 v38, v3;
	v7 =	vadd.f32 v40, v39  }
0x138: {  	v49 =	vld [tilespmem:s23+$0x1250];
	v6 =	vadd.f32 v43, v42;
	v5 =	vadd.f32 v45, v44  }
0x139: {  	v50 =	vld [tilespmem:s23+$0x12D0]  }
0x13a: {  	v51 =	vld [tilespmem:s23+$0x1350];
	v3 =	vadd.f32 v7, v3;
	v5 =	vadd.f32 v5, v6  }
0x13b: {  	v52 =	vld [tilespmem:s23+$0x13D0]  }
0x13c: {  	v3 =	vadd.f32 v5, v3;
	_ =	sdelay $0x1  }
0x13d: {  	[tilespmem:s24+$0x50] =	vst v3  }
0x13e: {  	v4 =	vadd.f32 v46, v4;
	v53 =	vadd.f32 v48, v47;
	v3 =	vld [tilespmem:s22+$0x1060]  }
0x13f: {  	v8 =	vadd.f32 v50, v49;
	v6 =	vadd.f32 v52, v51;
	v54 =	vld [tilespmem:s22+$0x10E0]  }
0x140: {  	v55 =	vld [tilespmem:s22+$0x1160]  }
0x141: {  	v4 =	vadd.f32 v53, v4;
	v57 =	vadd.f32 v6, v8;
	v56 =	vld [tilespmem:s22+$0x11E0]  }
0x142: {  	v58 =	vld [tilespmem:s22+$0x1260]  }
0x143: {  	v4 =	vadd.f32 v57, v4;
	v59 =	vld [tilespmem:s22+$0x12E0]  }
0x144: {  	v60 =	vld [tilespmem:s22+$0x1360]  }
0x145: {  	v61 =	vld [tilespmem:s22+$0x13E0];
	[tilespmem:s26+$0x50] =	vst v4  }
0x146: {  	v4 =	vld [tilespmem:s23+$0x1060]  }
0x147: {  	v62 =	vld [tilespmem:s23+$0x10E0]  }
0x148: {  	v63 =	vld [tilespmem:s23+$0x1160]  }
0x149: {  	v16 =	vld [tilespmem:s23+$0x11E0];
	v3 =	vadd.f32 v54, v3;
	v7 =	vadd.f32 v56, v55  }
0x14a: {  	v17 =	vld [tilespmem:s23+$0x1260];
	v6 =	vadd.f32 v59, v58;
	v5 =	vadd.f32 v61, v60  }
0x14b: {  	v18 =	vld [tilespmem:s23+$0x12E0]  }
0x14c: {  	v19 =	vld [tilespmem:s23+$0x1360];
	v3 =	vadd.f32 v7, v3;
	v5 =	vadd.f32 v5, v6  }
0x14d: {  	v20 =	vld [tilespmem:s23+$0x13E0]  }
0x14e: {  	v3 =	vadd.f32 v5, v3;
	_ =	sdelay $0x1  }
0x14f: {  	[tilespmem:s24+$0x60] =	vst v3  }
0x150: {  	v4 =	vadd.f32 v62, v4;
	v21 =	vadd.f32 v16, v63;
	v3 =	vld [tilespmem:s22+$0x1070]  }
0x151: {  	v8 =	vadd.f32 v18, v17;
	v6 =	vadd.f32 v20, v19;
	v22 =	vld [tilespmem:s22+$0x10F0]  }
0x152: {  	v23 =	vld [tilespmem:s22+$0x1170]  }
0x153: {  	v4 =	vadd.f32 v21, v4;
	v25 =	vadd.f32 v6, v8;
	v24 =	vld [tilespmem:s22+$0x11F0]  }
0x154: {  	v26 =	vld [tilespmem:s22+$0x1270]  }
0x155: {  	v4 =	vadd.f32 v25, v4;
	v27 =	vld [tilespmem:s22+$0x12F0]  }
0x156: {  	v28 =	vld [tilespmem:s22+$0x1370]  }
0x157: {  	v29 =	vld [tilespmem:s22+$0x13F0];
	[tilespmem:s26+$0x60] =	vst v4  }
0x158: {  	v4 =	vld [tilespmem:s23+$0x1070]  }
0x159: {  	v30 =	vld [tilespmem:s23+$0x10F0]  }
0x15a: {  	v31 =	vld [tilespmem:s23+$0x1170]  }
0x15b: {  	v32 =	vld [tilespmem:s23+$0x11F0];
	v3 =	vadd.f32 v22, v3;
	v7 =	vadd.f32 v24, v23  }
0x15c: {  	v33 =	vld [tilespmem:s23+$0x1270];
	v6 =	vadd.f32 v27, v26;
	v5 =	vadd.f32 v29, v28  }
0x15d: {  	v34 =	vld [tilespmem:s23+$0x12F0]  }
0x15e: {  	v35 =	vld [tilespmem:s23+$0x1370];
	v3 =	vadd.f32 v7, v3;
	v5 =	vadd.f32 v5, v6  }
0x15f: {  	v36 =	vld [tilespmem:s23+$0x13F0]  }
0x160: {  	v3 =	vadd.f32 v5, v3;
	_ =	sdelay $0x1  }
0x161: {  	[tilespmem:s24+$0x70] =	vst v3  }
0x162: {  	v4 =	vadd.f32 v30, v4;
	v37 =	vadd.f32 v32, v31;
	v3 =	vld [tilespmem:s22+$0x1400]  }
0x163: {  	v8 =	vadd.f32 v34, v33;
	v6 =	vadd.f32 v36, v35;
	v38 =	vld [tilespmem:s22+$0x1480]  }
0x164: {  	v39 =	vld [tilespmem:s22+$0x1500]  }
0x165: {  	v4 =	vadd.f32 v37, v4;
	v41 =	vadd.f32 v6, v8;
	v40 =	vld [tilespmem:s22+$0x1580]  }
0x166: {  	v42 =	vld [tilespmem:s22+$0x1600]  }
0x167: {  	v4 =	vadd.f32 v41, v4;
	v43 =	vld [tilespmem:s22+$0x1680]  }
0x168: {  	v44 =	vld [tilespmem:s22+$0x1700]  }
0x169: {  	v45 =	vld [tilespmem:s22+$0x1780];
	[tilespmem:s26+$0x70] =	vst v4  }
0x16a: {  	v4 =	vld [tilespmem:s23+$0x1400]  }
0x16b: {  	v46 =	vld [tilespmem:s23+$0x1480]  }
0x16c: {  	v47 =	vld [tilespmem:s23+$0x1500]  }
0x16d: {  	v48 =	vld [tilespmem:s23+$0x1580];
	v3 =	vadd.f32 v38, v3;
	v7 =	vadd.f32 v40, v39  }
0x16e: {  	v49 =	vld [tilespmem:s23+$0x1600];
	v6 =	vadd.f32 v43, v42;
	v5 =	vadd.f32 v45, v44  }
0x16f: {  	v50 =	vld [tilespmem:s23+$0x1680]  }
0x170: {  	v51 =	vld [tilespmem:s23+$0x1700];
	v3 =	vadd.f32 v7, v3;
	v5 =	vadd.f32 v5, v6  }
0x171: {  	v52 =	vld [tilespmem:s23+$0x1780]  }
0x172: {  	v3 =	vadd.f32 v5, v3;
	_ =	sdelay $0x1  }
0x173: {  	[tilespmem:s24+$0x400] =	vst v3  }
0x174: {  	v4 =	vadd.f32 v46, v4;
	v53 =	vadd.f32 v48, v47;
	v3 =	vld [tilespmem:s22+$0x1410]  }
0x175: {  	v8 =	vadd.f32 v50, v49;
	v6 =	vadd.f32 v52, v51;
	v54 =	vld [tilespmem:s22+$0x1490]  }
0x176: {  	v55 =	vld [tilespmem:s22+$0x1510]  }
0x177: {  	v4 =	vadd.f32 v53, v4;
	v57 =	vadd.f32 v6, v8;
	v56 =	vld [tilespmem:s22+$0x1590]  }
0x178: {  	v58 =	vld [tilespmem:s22+$0x1610]  }
0x179: {  	v4 =	vadd.f32 v57, v4;
	v59 =	vld [tilespmem:s22+$0x1690]  }
0x17a: {  	v60 =	vld [tilespmem:s22+$0x1710]  }
0x17b: {  	v61 =	vld [tilespmem:s22+$0x1790];
	[tilespmem:s26+$0x400] =	vst v4  }
0x17c: {  	v4 =	vld [tilespmem:s23+$0x1410]  }
0x17d: {  	v62 =	vld [tilespmem:s23+$0x1490]  }
0x17e: {  	v63 =	vld [tilespmem:s23+$0x1510]  }
0x17f: {  	v14 =	vld [tilespmem:s23+$0x1590];
	v3 =	vadd.f32 v54, v3;
	v7 =	vadd.f32 v56, v55  }
0x180: {  	v15 =	vld [tilespmem:s23+$0x1610];
	v6 =	vadd.f32 v59, v58;
	v5 =	vadd.f32 v61, v60  }
0x181: {  	v16 =	vld [tilespmem:s23+$0x1690]  }
0x182: {  	v17 =	vld [tilespmem:s23+$0x1710];
	v3 =	vadd.f32 v7, v3;
	v5 =	vadd.f32 v5, v6  }
0x183: {  	v18 =	vld [tilespmem:s23+$0x1790]  }
0x184: {  	v3 =	vadd.f32 v5, v3;
	_ =	sdelay $0x1  }
0x185: {  	[tilespmem:s24+$0x410] =	vst v3  }
0x186: {  	v4 =	vadd.f32 v62, v4;
	v19 =	vadd.f32 v14, v63;
	v3 =	vld [tilespmem:s22+$0x1420]  }
0x187: {  	v8 =	vadd.f32 v16, v15;
	v6 =	vadd.f32 v18, v17;
	v20 =	vld [tilespmem:s22+$0x14A0]  }
0x188: {  	v21 =	vld [tilespmem:s22+$0x1520]  }
0x189: {  	v4 =	vadd.f32 v19, v4;
	v23 =	vadd.f32 v6, v8;
	v22 =	vld [tilespmem:s22+$0x15A0]  }
0x18a: {  	v24 =	vld [tilespmem:s22+$0x1620]  }
0x18b: {  	v4 =	vadd.f32 v23, v4;
	v25 =	vld [tilespmem:s22+$0x16A0]  }
0x18c: {  	v26 =	vld [tilespmem:s22+$0x1720]  }
0x18d: {  	v27 =	vld [tilespmem:s22+$0x17A0];
	[tilespmem:s26+$0x410] =	vst v4  }
0x18e: {  	v4 =	vld [tilespmem:s23+$0x1420]  }
0x18f: {  	v28 =	vld [tilespmem:s23+$0x14A0]  }
0x190: {  	v29 =	vld [tilespmem:s23+$0x1520]  }
0x191: {  	v30 =	vld [tilespmem:s23+$0x15A0];
	v3 =	vadd.f32 v20, v3;
	v7 =	vadd.f32 v22, v21  }
0x192: {  	v31 =	vld [tilespmem:s23+$0x1620];
	v6 =	vadd.f32 v25, v24;
	v5 =	vadd.f32 v27, v26  }
0x193: {  	v32 =	vld [tilespmem:s23+$0x16A0]  }
0x194: {  	v33 =	vld [tilespmem:s23+$0x1720];
	v3 =	vadd.f32 v7, v3;
	v5 =	vadd.f32 v5, v6  }
0x195: {  	v34 =	vld [tilespmem:s23+$0x17A0]  }
0x196: {  	v3 =	vadd.f32 v5, v3;
	_ =	sdelay $0x1  }
0x197: {  	[tilespmem:s24+$0x420] =	vst v3  }
0x198: {  	v4 =	vadd.f32 v28, v4;
	v35 =	vadd.f32 v30, v29;
	v3 =	vld [tilespmem:s22+$0x1430]  }
0x199: {  	v8 =	vadd.f32 v32, v31;
	v6 =	vadd.f32 v34, v33;
	v36 =	vld [tilespmem:s22+$0x14B0]  }
0x19a: {  	v37 =	vld [tilespmem:s22+$0x1530]  }
0x19b: {  	v4 =	vadd.f32 v35, v4;
	v39 =	vadd.f32 v6, v8;
	v38 =	vld [tilespmem:s22+$0x15B0]  }
0x19c: {  	v40 =	vld [tilespmem:s22+$0x1630]  }
0x19d: {  	v4 =	vadd.f32 v39, v4;
	v41 =	vld [tilespmem:s22+$0x16B0]  }
0x19e: {  	v42 =	vld [tilespmem:s22+$0x1730]  }
0x19f: {  	v43 =	vld [tilespmem:s22+$0x17B0];
	[tilespmem:s26+$0x420] =	vst v4  }
0x1a0: {  	v4 =	vld [tilespmem:s23+$0x1430]  }
0x1a1: {  	v44 =	vld [tilespmem:s23+$0x14B0]  }
0x1a2: {  	v45 =	vld [tilespmem:s23+$0x1530]  }
0x1a3: {  	v46 =	vld [tilespmem:s23+$0x15B0];
	v3 =	vadd.f32 v36, v3;
	v7 =	vadd.f32 v38, v37  }
0x1a4: {  	v47 =	vld [tilespmem:s23+$0x1630];
	v6 =	vadd.f32 v41, v40;
	v5 =	vadd.f32 v43, v42  }
0x1a5: {  	v48 =	vld [tilespmem:s23+$0x16B0]  }
0x1a6: {  	v49 =	vld [tilespmem:s23+$0x1730];
	v3 =	vadd.f32 v7, v3;
	v5 =	vadd.f32 v5, v6  }
0x1a7: {  	v50 =	vld [tilespmem:s23+$0x17B0]  }
0x1a8: {  	v3 =	vadd.f32 v5, v3;
	_ =	sdelay $0x1  }
0x1a9: {  	[tilespmem:s24+$0x430] =	vst v3  }
0x1aa: {  	v4 =	vadd.f32 v44, v4;
	v51 =	vadd.f32 v46, v45;
	v3 =	vld [tilespmem:s22+$0x1440]  }
0x1ab: {  	v8 =	vadd.f32 v48, v47;
	v6 =	vadd.f32 v50, v49;
	v52 =	vld [tilespmem:s22+$0x14C0]  }
0x1ac: {  	v53 =	vld [tilespmem:s22+$0x1540]  }
0x1ad: {  	v4 =	vadd.f32 v51, v4;
	v55 =	vadd.f32 v6, v8;
	v54 =	vld [tilespmem:s22+$0x15C0]  }
0x1ae: {  	v56 =	vld [tilespmem:s22+$0x1640]  }
0x1af: {  	v4 =	vadd.f32 v55, v4;
	v57 =	vld [tilespmem:s22+$0x16C0]  }
0x1b0: {  	v58 =	vld [tilespmem:s22+$0x1740]  }
0x1b1: {  	v59 =	vld [tilespmem:s22+$0x17C0];
	[tilespmem:s26+$0x430] =	vst v4  }
0x1b2: {  	v4 =	vld [tilespmem:s23+$0x1440]  }
0x1b3: {  	v60 =	vld [tilespmem:s23+$0x14C0]  }
0x1b4: {  	v61 =	vld [tilespmem:s23+$0x1540]  }
0x1b5: {  	v62 =	vld [tilespmem:s23+$0x15C0];
	v3 =	vadd.f32 v52, v3;
	v7 =	vadd.f32 v54, v53  }
0x1b6: {  	v63 =	vld [tilespmem:s23+$0x1640];
	v6 =	vadd.f32 v57, v56;
	v5 =	vadd.f32 v59, v58  }
0x1b7: {  	v14 =	vld [tilespmem:s23+$0x16C0]  }
0x1b8: {  	v15 =	vld [tilespmem:s23+$0x1740];
	v3 =	vadd.f32 v7, v3;
	v5 =	vadd.f32 v5, v6  }
0x1b9: {  	v16 =	vld [tilespmem:s23+$0x17C0]  }
0x1ba: {  	v3 =	vadd.f32 v5, v3;
	_ =	sdelay $0x1  }
0x1bb: {  	[tilespmem:s24+$0x440] =	vst v3  }
0x1bc: {  	v4 =	vadd.f32 v60, v4;
	v17 =	vadd.f32 v62, v61;
	v3 =	vld [tilespmem:s22+$0x1450]  }
0x1bd: {  	v8 =	vadd.f32 v14, v63;
	v6 =	vadd.f32 v16, v15;
	v18 =	vld [tilespmem:s22+$0x14D0]  }
0x1be: {  	v19 =	vld [tilespmem:s22+$0x1550]  }
0x1bf: {  	v4 =	vadd.f32 v17, v4;
	v21 =	vadd.f32 v6, v8;
	v20 =	vld [tilespmem:s22+$0x15D0]  }
0x1c0: {  	v22 =	vld [tilespmem:s22+$0x1650]  }
0x1c1: {  	v4 =	vadd.f32 v21, v4;
	v23 =	vld [tilespmem:s22+$0x16D0]  }
0x1c2: {  	v24 =	vld [tilespmem:s22+$0x1750]  }
0x1c3: {  	v25 =	vld [tilespmem:s22+$0x17D0];
	[tilespmem:s26+$0x440] =	vst v4  }
0x1c4: {  	v4 =	vld [tilespmem:s23+$0x1450]  }
0x1c5: {  	v26 =	vld [tilespmem:s23+$0x14D0]  }
0x1c6: {  	v27 =	vld [tilespmem:s23+$0x1550]  }
0x1c7: {  	v28 =	vld [tilespmem:s23+$0x15D0];
	v3 =	vadd.f32 v18, v3;
	v7 =	vadd.f32 v20, v19  }
0x1c8: {  	v29 =	vld [tilespmem:s23+$0x1650];
	v6 =	vadd.f32 v23, v22;
	v5 =	vadd.f32 v25, v24  }
0x1c9: {  	v30 =	vld [tilespmem:s23+$0x16D0]  }
0x1ca: {  	v31 =	vld [tilespmem:s23+$0x1750];
	v3 =	vadd.f32 v7, v3;
	v5 =	vadd.f32 v5, v6  }
0x1cb: {  	v32 =	vld [tilespmem:s23+$0x17D0]  }
0x1cc: {  	v3 =	vadd.f32 v5, v3;
	_ =	sdelay $0x1  }
0x1cd: {  	[tilespmem:s24+$0x450] =	vst v3  }
0x1ce: {  	v4 =	vadd.f32 v26, v4;
	v33 =	vadd.f32 v28, v27;
	v3 =	vld [tilespmem:s22+$0x1460]  }
0x1cf: {  	v8 =	vadd.f32 v30, v29;
	v6 =	vadd.f32 v32, v31;
	v34 =	vld [tilespmem:s22+$0x14E0]  }
0x1d0: {  	v35 =	vld [tilespmem:s22+$0x1560]  }
0x1d1: {  	v4 =	vadd.f32 v33, v4;
	v37 =	vadd.f32 v6, v8;
	v36 =	vld [tilespmem:s22+$0x15E0]  }
0x1d2: {  	v38 =	vld [tilespmem:s22+$0x1660]  }
0x1d3: {  	v4 =	vadd.f32 v37, v4;
	v39 =	vld [tilespmem:s22+$0x16E0]  }
0x1d4: {  	v40 =	vld [tilespmem:s22+$0x1760]  }
0x1d5: {  	v41 =	vld [tilespmem:s22+$0x17E0];
	[tilespmem:s26+$0x450] =	vst v4  }
0x1d6: {  	v4 =	vld [tilespmem:s23+$0x1460]  }
0x1d7: {  	v42 =	vld [tilespmem:s23+$0x14E0]  }
0x1d8: {  	v43 =	vld [tilespmem:s23+$0x1560]  }
0x1d9: {  	v44 =	vld [tilespmem:s23+$0x15E0];
	v3 =	vadd.f32 v34, v3;
	v7 =	vadd.f32 v36, v35  }
0x1da: {  	v45 =	vld [tilespmem:s23+$0x1660];
	v6 =	vadd.f32 v39, v38;
	v5 =	vadd.f32 v41, v40  }
0x1db: {  	v46 =	vld [tilespmem:s23+$0x16E0]  }
0x1dc: {  	v47 =	vld [tilespmem:s23+$0x1760];
	v3 =	vadd.f32 v7, v3;
	v5 =	vadd.f32 v5, v6  }
0x1dd: {  	v48 =	vld [tilespmem:s23+$0x17E0]  }
0x1de: {  	v3 =	vadd.f32 v5, v3;
	_ =	sdelay $0x1  }
0x1df: {  	[tilespmem:s24+$0x460] =	vst v3  }
0x1e0: {  	v4 =	vadd.f32 v42, v4;
	v49 =	vadd.f32 v44, v43;
	v3 =	vld [tilespmem:s22+$0x1470]  }
0x1e1: {  	v8 =	vadd.f32 v46, v45;
	v6 =	vadd.f32 v48, v47;
	v50 =	vld [tilespmem:s22+$0x14F0]  }
0x1e2: {  	v51 =	vld [tilespmem:s22+$0x1570]  }
0x1e3: {  	v4 =	vadd.f32 v49, v4;
	v53 =	vadd.f32 v6, v8;
	v52 =	vld [tilespmem:s22+$0x15F0]  }
0x1e4: {  	v54 =	vld [tilespmem:s22+$0x1670]  }
0x1e5: {  	v4 =	vadd.f32 v53, v4;
	v55 =	vld [tilespmem:s22+$0x16F0]  }
0x1e6: {  	v56 =	vld [tilespmem:s22+$0x1770]  }
0x1e7: {  	v57 =	vld [tilespmem:s22+$0x17F0];
	[tilespmem:s26+$0x460] =	vst v4  }
0x1e8: {  	v4 =	vld [tilespmem:s23+$0x1470]  }
0x1e9: {  	v58 =	vld [tilespmem:s23+$0x14F0]  }
0x1ea: {  	v59 =	vld [tilespmem:s23+$0x1570]  }
0x1eb: {  	v14 =	vld [tilespmem:s23+$0x15F0]  }
0x1ec: {  	v15 =	vld [tilespmem:s23+$0x1670]  }
0x1ed: {  	v16 =	vld [tilespmem:s23+$0x16F0]  }
0x1ee: {  	v17 =	vld [tilespmem:s23+$0x1770]  }
0x1ef: {  	v18 =	vld [tilespmem:s23+$0x17F0];
	_ =	sdelay $0x1  }
0x1f0: {  	v3 =	vadd.f32 v50, v3;
	v7 =	vadd.f32 v52, v51  }
0x1f1: {  	v6 =	vadd.f32 v55, v54;
	v5 =	vadd.f32 v57, v56  }
0x1f2: {  	v4 =	vadd.f32 v58, v4;
	v60 =	vadd.f32 v14, v59  }
0x1f3: {  	v61 =	vadd.f32 v16, v15;
	v62 =	vadd.f32 v18, v17  }
0x1f4: {  	p1 =	slt.u32 s21, $0xE;
	v3 =	vadd.f32 v7, v3;
	v5 =	vadd.f32 v5, v6  }
.Ltmp0:
0x1f5: {  	v4 =	vadd.f32 v60, v4;
	v63 =	vadd.f32 v62, v61;
	(pc) =	sbr.rel @p1 .LBB2_3-.Ltmp0, $4  }
0x1f6: {  	v3 =	vadd.f32 v5, v3  }
0x1f7: {  	v4 =	vadd.f32 v63, v4  }
0x1f8: {  	s29 =	sadd.s32 $0x2, s21;
	[tilespmem:s24+$0x470] =	vst v3  }
0x1f9: {  	s21 =	smov.u32 s29;
	[tilespmem:s26+$0x470] =	vst v4  }
0x1fa: {  	p1 =	sne.s32 s18, $0xF  }
.Ltmp1:
0x1fb: {  	_ = 	snop;
	(pc) =	sbr.rel @p1 .LBB2_6-.Ltmp1, $3  }
0x1fc: {  	_ =	sdelay $0x1  }
0x1fd: {  	s21 =	sadd.s32 s20, s6  }
0x1fe: {  	[hbm4b:s21+s3] =	stream.linear.scatter [tilespmem:s14], [sflag:$0x3], $0x1000, $0x38;
	[tilespmem:$0x13000] =	vst v63  }
.Ltmp2:
0x1ff: {  	(pc) =	sbr.rel .LBB2_7-.Ltmp2, $4  }
0x200: {  	_ = 	snop  }
0x201: {  	_ =	swait.ge [sflag:s15], $0x8000  }
0x202: {  	[sflag:s15] =	ssyncset.done $0x0  }
0x203: {  	[sflag:s15] =	ssyncadd.s32 $0xFFFF8000  }
.LBB2_6:
0x204: {  	s20 =	sshrl.u32 s20, $0x2  }
0x205: {  	v3 =	vld [tilespmem:s20+$0x100];
	_ =	sdelay $0x4  }
0x206: {  	v4 =	vshll.u32 v3, $0x1  }
0x207: {  	v3 =	vand.u32 $0x7, v3;
	v4 =	vand.u32 $0xFFFFFFF0, v4  }
0x208: {  	v3 =	vor.u32 v3, v4  }
0x209: {  	v4 =	vperm.xlane v3, v0;
	_ =	sdelay $0x1  }
0x20a: {  	v3 =	vperm.xlane v3, v2;
	v4 =	vadd.s32 v1, v4;
	_ =	sdelay $0x1  }
0x20b: {  	v3 =	vadd.s32 v1, v3;
	_ =	sdelay $0x1  }
0x20c: {  	s21 =	simm.s32 $0x1000  }
0x20d: {  	[tilespmem:s21], [sflag:$0x1] =	stream.indirect_vreg.gather [hbm4b:s2+s3], $0x80, v4, vm0, $0xb8;
	[tilespmem:$0x13000] =	vst v63  }
0x20e: {  	s26 =	simm.s32 $0x1800  }
0x20f: {  	[tilespmem:s26], [sflag:$0x1] =	stream.indirect_vreg.gather [hbm4b:s2+s3], $0x80, v3, vm0, $0xb8;
	[tilespmem:$0x13000] =	vst v63  }
0x210: {  	v3 =	vld [tilespmem:s20+$0x110];
	_ =	sdelay $0x4  }
0x211: {  	v57 =	vshll.u32 v3, $0x1  }
0x212: {  	v3 =	vand.u32 $0x7, v3;
	v4 =	vand.u32 $0xFFFFFFF0, v57  }
0x213: {  	v3 =	vor.u32 v3, v4  }
0x214: {  	v4 =	vperm.xlane v3, v0;
	_ =	sdelay $0x1  }
0x215: {  	v3 =	vperm.xlane v3, v2;
	v4 =	vadd.s32 v1, v4;
	_ =	sdelay $0x1  }
0x216: {  	v3 =	vadd.s32 v1, v3;
	_ =	sdelay $0x1  }
0x217: {  	s28 =	simm.s32 $0x2000  }
0x218: {  	[tilespmem:s28], [sflag:$0x1] =	stream.indirect_vreg.gather [hbm4b:s2+s3], $0x80, v4, vm0, $0xb8;
	[tilespmem:$0x13000] =	vst v63  }
0x219: {  	s29 =	simm.s32 $0x2800  }
0x21a: {  	[tilespmem:s29], [sflag:$0x1] =	stream.indirect_vreg.gather [hbm4b:s2+s3], $0x80, v3, vm0, $0xb8;
	[tilespmem:$0x13000] =	vst v63  }
0x21b: {  	v3 =	vld [tilespmem:s20+$0x120];
	_ =	sdelay $0x4  }
0x21c: {  	v58 =	vshll.u32 v3, $0x1  }
0x21d: {  	v3 =	vand.u32 $0x7, v3;
	v4 =	vand.u32 $0xFFFFFFF0, v58  }
0x21e: {  	v3 =	vor.u32 v3, v4  }
0x21f: {  	v4 =	vperm.xlane v3, v0;
	_ =	sdelay $0x1  }
0x220: {  	v3 =	vperm.xlane v3, v2;
	v4 =	vadd.s32 v1, v4;
	_ =	sdelay $0x1  }
0x221: {  	v3 =	vadd.s32 v1, v3;
	_ =	sdelay $0x1  }
0x222: {  	s22 =	simm.s32 $0x3000  }
0x223: {  	[tilespmem:s22], [sflag:$0x1] =	stream.indirect_vreg.gather [hbm4b:s2+s3], $0x80, v4, vm0, $0xb8;
	[tilespmem:$0x13000] =	vst v63  }
0x224: {  	s23 =	simm.s32 $0x3800  }
0x225: {  	[tilespmem:s23], [sflag:$0x1] =	stream.indirect_vreg.gather [hbm4b:s2+s3], $0x80, v3, vm0, $0xb8;
	[tilespmem:$0x13000] =	vst v63  }
0x226: {  	v3 =	vld [tilespmem:s20+$0x130];
	_ =	sdelay $0x4  }
0x227: {  	v59 =	vshll.u32 v3, $0x1  }
0x228: {  	v3 =	vand.u32 $0x7, v3;
	v4 =	vand.u32 $0xFFFFFFF0, v59  }
0x229: {  	v3 =	vor.u32 v3, v4  }
0x22a: {  	v4 =	vperm.xlane v3, v0;
	_ =	sdelay $0x1  }
0x22b: {  	v3 =	vperm.xlane v3, v2;
	v4 =	vadd.s32 v1, v4;
	_ =	sdelay $0x1  }
0x22c: {  	v3 =	vadd.s32 v1, v3;
	_ =	sdelay $0x1  }
0x22d: {  	s24 =	simm.s32 $0x4000  }
0x22e: {  	[tilespmem:s24], [sflag:$0x1] =	stream.indirect_vreg.gather [hbm4b:s2+s3], $0x80, v4, vm0, $0xb8;
	[tilespmem:$0x13000] =	vst v63  }
0x22f: {  	s26 =	simm.s32 $0x4800  }
0x230: {  	[tilespmem:s26], [sflag:$0x1] =	stream.indirect_vreg.gather [hbm4b:s2+s3], $0x80, v3, vm0, $0xb8;
	[tilespmem:$0x13000] =	vst v63  }
0x231: {  	v3 =	vld [tilespmem:s20+$0x140];
	_ =	sdelay $0x4  }
0x232: {  	v60 =	vshll.u32 v3, $0x1  }
0x233: {  	v3 =	vand.u32 $0x7, v3;
	v4 =	vand.u32 $0xFFFFFFF0, v60  }
0x234: {  	v3 =	vor.u32 v3, v4  }
0x235: {  	v4 =	vperm.xlane v3, v0;
	_ =	sdelay $0x1  }
0x236: {  	v3 =	vperm.xlane v3, v2;
	v4 =	vadd.s32 v1, v4;
	_ =	sdelay $0x1  }
0x237: {  	v3 =	vadd.s32 v1, v3;
	_ =	sdelay $0x1  }
0x238: {  	s28 =	simm.s32 $0x5000  }
0x239: {  	[tilespmem:s28], [sflag:$0x1] =	stream.indirect_vreg.gather [hbm4b:s2+s3], $0x80, v4, vm0, $0xb8;
	[tilespmem:$0x13000] =	vst v63  }
0x23a: {  	s29 =	simm.s32 $0x5800  }
0x23b: {  	[tilespmem:s29], [sflag:$0x1] =	stream.indirect_vreg.gather [hbm4b:s2+s3], $0x80, v3, vm0, $0xb8;
	[tilespmem:$0x13000] =	vst v63  }
0x23c: {  	v3 =	vld [tilespmem:s20+$0x150];
	_ =	sdelay $0x4  }
0x23d: {  	v61 =	vshll.u32 v3, $0x1  }
0x23e: {  	v3 =	vand.u32 $0x7, v3;
	v4 =	vand.u32 $0xFFFFFFF0, v61  }
0x23f: {  	v3 =	vor.u32 v3, v4  }
0x240: {  	v4 =	vperm.xlane v3, v0;
	_ =	sdelay $0x1  }
0x241: {  	v3 =	vperm.xlane v3, v2;
	v4 =	vadd.s32 v1, v4;
	_ =	sdelay $0x1  }
0x242: {  	v3 =	vadd.s32 v1, v3;
	_ =	sdelay $0x1  }
0x243: {  	s22 =	simm.s32 $0x6000  }
0x244: {  	[tilespmem:s22], [sflag:$0x1] =	stream.indirect_vreg.gather [hbm4b:s2+s3], $0x80, v4, vm0, $0xb8;
	[tilespmem:$0x13000] =	vst v63  }
0x245: {  	s23 =	simm.s32 $0x6800  }
0x246: {  	[tilespmem:s23], [sflag:$0x1] =	stream.indirect_vreg.gather [hbm4b:s2+s3], $0x80, v3, vm0, $0xb8;
	[tilespmem:$0x13000] =	vst v63  }
0x247: {  	v3 =	vld [tilespmem:s20+$0x160];
	_ =	sdelay $0x4  }
0x248: {  	v62 =	vshll.u32 v3, $0x1  }
0x249: {  	v3 =	vand.u32 $0x7, v3;
	v4 =	vand.u32 $0xFFFFFFF0, v62  }
0x24a: {  	v3 =	vor.u32 v3, v4  }
0x24b: {  	v4 =	vperm.xlane v3, v0;
	_ =	sdelay $0x1  }
0x24c: {  	v3 =	vperm.xlane v3, v2;
	v4 =	vadd.s32 v1, v4;
	_ =	sdelay $0x1  }
0x24d: {  	v3 =	vadd.s32 v1, v3;
	_ =	sdelay $0x1  }
0x24e: {  	s24 =	simm.s32 $0x7000  }
0x24f: {  	[tilespmem:s24], [sflag:$0x1] =	stream.indirect_vreg.gather [hbm4b:s2+s3], $0x80, v4, vm0, $0xb8;
	[tilespmem:$0x13000] =	vst v63  }
0x250: {  	s26 =	simm.s32 $0x7800  }
0x251: {  	[tilespmem:s26], [sflag:$0x1] =	stream.indirect_vreg.gather [hbm4b:s2+s3], $0x80, v3, vm0, $0xb8;
	[tilespmem:$0x13000] =	vst v63  }
0x252: {  	v3 =	vld [tilespmem:s20+$0x170];
	_ =	sdelay $0x4  }
0x253: {  	v63 =	vshll.u32 v3, $0x1  }
0x254: {  	v3 =	vand.u32 $0x7, v3;
	v4 =	vand.u32 $0xFFFFFFF0, v63  }
0x255: {  	v3 =	vor.u32 v3, v4  }
0x256: {  	v4 =	vperm.xlane v3, v0;
	_ =	sdelay $0x1  }
0x257: {  	v3 =	vperm.xlane v3, v2;
	v4 =	vadd.s32 v1, v4;
	_ =	sdelay $0x1  }
0x258: {  	v3 =	vadd.s32 v1, v3;
	_ =	sdelay $0x1  }
0x259: {  	s28 =	simm.s32 $0x8000  }
0x25a: {  	[tilespmem:s28], [sflag:$0x1] =	stream.indirect_vreg.gather [hbm4b:s2+s3], $0x80, v4, vm0, $0xb8;
	[tilespmem:$0x13000] =	vst v63  }
.Ltmp3:
0x25b: {  	s29 =	simm.s32 $0x8800;
	(pc) =	sbr.rel @p0 .LBB2_8-.Ltmp3, $4  }
0x25c: {  	[tilespmem:s29], [sflag:$0x1] =	stream.indirect_vreg.gather [hbm4b:s2+s3], $0x80, v3, vm0, $0xb8;
	[tilespmem:$0x13000] =	vst v63  }
0x25d: {  	_ =	swait.ge [sflag:s15], $0x8000  }
0x25e: {  	[sflag:s15] =	ssyncset.done $0x0  }
0x25f: {  	[sflag:s15] =	ssyncadd.s32 $0xFFFF8000  }
.LBB2_7:
0x260: {  	_ =	swait.ge [sflag:s16], $0x1000  }
0x261: {  	[sflag:s16] =	ssyncset.done $0x0  }
0x262: {  	[sflag:s16] =	ssyncadd.s32 $0xFFFFF000  }
.LBB2_8:
0x263: {  	s20 =	simm.s32 $0x0  }
.LBB2_9:
0x264: {  	s21 =	sshll.u32 s20, $0xB  }
0x265: {  	s21 =	sand.u32 $0x3FFFF800, s21  }
0x266: {  	v3 =	vld [tilespmem:s21+$0x9000]  }
0x267: {  	v4 =	vld [tilespmem:s21+$0x9080]  }
0x268: {  	v5 =	vld [tilespmem:s21+$0x9100]  }
0x269: {  	v6 =	vld [tilespmem:s21+$0x9180]  }
0x26a: {  	v7 =	vld [tilespmem:s21+$0x9200]  }
0x26b: {  	s24 =	sor.u32 $0x1, s20;
	v8 =	vld [tilespmem:s21+$0x9280]  }
0x26c: {  	s22 =	sshll.u32 s24, $0xB;
	v9 =	vld [tilespmem:s21+$0x9300]  }
0x26d: {  	v10 =	vld [tilespmem:s21+$0x9380];
	s22 =	sand.u32 $0x3FFFF800, s22  }
0x26e: {  	v11 =	vld [tilespmem:s22+$0x9000]  }
0x26f: {  	v12 =	vld [tilespmem:s22+$0x9080]  }
0x270: {  	v13 =	vld [tilespmem:s22+$0x9100]  }
0x271: {  	v63 =	vld [tilespmem:s22+$0x9180];
	v3 =	vadd.f32 v4, v3;
	v62 =	vadd.f32 v6, v5  }
0x272: {  	v16 =	vld [tilespmem:s22+$0x9200];
	v14 =	vadd.f32 v8, v7;
	v15 =	vadd.f32 v10, v9  }
0x273: {  	v17 =	vld [tilespmem:s22+$0x9280]  }
0x274: {  	s23 =	sshll.u32 s20, $0x8;
	v19 =	vld [tilespmem:s22+$0x9300];
	v3 =	vadd.f32 v62, v3;
	v18 =	vadd.f32 v15, v14  }
0x275: {  	s26 =	sshll.u32 s20, $0x7;
	s23 =	sand.u32 $0x800, s23;
	v20 =	vld [tilespmem:s22+$0x9380]  }
0x276: {  	s26 =	sand.u32 $0x300, s26;
	s28 =	sor.u32 $0x12000, s23;
	v3 =	vadd.f32 v18, v3  }
0x277: {  	s23 =	sor.u32 s26, s28  }
0x278: {  	[tilespmem:s23+$0x0] =	vst v3  }
0x279: {  	v21 =	vadd.f32 v12, v11;
	v5 =	vadd.f32 v63, v13;
	v3 =	vld [tilespmem:s21+$0x9010]  }
0x27a: {  	v8 =	vadd.f32 v17, v16;
	v6 =	vadd.f32 v20, v19;
	v22 =	vld [tilespmem:s21+$0x9090]  }
0x27b: {  	v23 =	vld [tilespmem:s21+$0x9110]  }
0x27c: {  	v4 =	vadd.f32 v5, v21;
	v25 =	vadd.f32 v6, v8;
	v24 =	vld [tilespmem:s21+$0x9190]  }
0x27d: {  	s24 =	sshll.u32 s24, $0x7;
	v26 =	vld [tilespmem:s21+$0x9210]  }
0x27e: {  	s24 =	sand.u32 $0x380, s24;
	v4 =	vadd.f32 v25, v4;
	v27 =	vld [tilespmem:s21+$0x9290]  }
0x27f: {  	s24 =	sor.u32 s24, s28;
	v28 =	vld [tilespmem:s21+$0x9310]  }
0x280: {  	v29 =	vld [tilespmem:s21+$0x9390];
	[tilespmem:s24+$0x0] =	vst v4  }
0x281: {  	v4 =	vld [tilespmem:s22+$0x9010]  }
0x282: {  	v30 =	vld [tilespmem:s22+$0x9090]  }
0x283: {  	v31 =	vld [tilespmem:s22+$0x9110]  }
0x284: {  	v32 =	vld [tilespmem:s22+$0x9190];
	v3 =	vadd.f32 v22, v3;
	v7 =	vadd.f32 v24, v23  }
0x285: {  	v33 =	vld [tilespmem:s22+$0x9210];
	v6 =	vadd.f32 v27, v26;
	v5 =	vadd.f32 v29, v28  }
0x286: {  	v34 =	vld [tilespmem:s22+$0x9290]  }
0x287: {  	v35 =	vld [tilespmem:s22+$0x9310];
	v3 =	vadd.f32 v7, v3;
	v5 =	vadd.f32 v5, v6  }
0x288: {  	v36 =	vld [tilespmem:s22+$0x9390]  }
0x289: {  	v3 =	vadd.f32 v5, v3;
	_ =	sdelay $0x1  }
0x28a: {  	[tilespmem:s23+$0x10] =	vst v3  }
0x28b: {  	v4 =	vadd.f32 v30, v4;
	v37 =	vadd.f32 v32, v31;
	v3 =	vld [tilespmem:s21+$0x9020]  }
0x28c: {  	v8 =	vadd.f32 v34, v33;
	v6 =	vadd.f32 v36, v35;
	v38 =	vld [tilespmem:s21+$0x90A0]  }
0x28d: {  	v39 =	vld [tilespmem:s21+$0x9120]  }
0x28e: {  	v4 =	vadd.f32 v37, v4;
	v41 =	vadd.f32 v6, v8;
	v40 =	vld [tilespmem:s21+$0x91A0]  }
0x28f: {  	v42 =	vld [tilespmem:s21+$0x9220]  }
0x290: {  	v4 =	vadd.f32 v41, v4;
	v43 =	vld [tilespmem:s21+$0x92A0]  }
0x291: {  	v44 =	vld [tilespmem:s21+$0x9320]  }
0x292: {  	v45 =	vld [tilespmem:s21+$0x93A0];
	[tilespmem:s24+$0x10] =	vst v4  }
0x293: {  	v4 =	vld [tilespmem:s22+$0x9020]  }
0x294: {  	v46 =	vld [tilespmem:s22+$0x90A0]  }
0x295: {  	v47 =	vld [tilespmem:s22+$0x9120]  }
0x296: {  	v48 =	vld [tilespmem:s22+$0x91A0];
	v3 =	vadd.f32 v38, v3;
	v7 =	vadd.f32 v40, v39  }
0x297: {  	v49 =	vld [tilespmem:s22+$0x9220];
	v6 =	vadd.f32 v43, v42;
	v5 =	vadd.f32 v45, v44  }
0x298: {  	v50 =	vld [tilespmem:s22+$0x92A0]  }
0x299: {  	v51 =	vld [tilespmem:s22+$0x9320];
	v3 =	vadd.f32 v7, v3;
	v5 =	vadd.f32 v5, v6  }
0x29a: {  	v52 =	vld [tilespmem:s22+$0x93A0]  }
0x29b: {  	v3 =	vadd.f32 v5, v3;
	_ =	sdelay $0x1  }
0x29c: {  	[tilespmem:s23+$0x20] =	vst v3  }
0x29d: {  	v4 =	vadd.f32 v46, v4;
	v53 =	vadd.f32 v48, v47;
	v3 =	vld [tilespmem:s21+$0x9030]  }
0x29e: {  	v8 =	vadd.f32 v50, v49;
	v6 =	vadd.f32 v52, v51;
	v54 =	vld [tilespmem:s21+$0x90B0]  }
0x29f: {  	v55 =	vld [tilespmem:s21+$0x9130]  }
0x2a0: {  	v4 =	vadd.f32 v53, v4;
	v57 =	vadd.f32 v6, v8;
	v56 =	vld [tilespmem:s21+$0x91B0]  }
0x2a1: {  	v58 =	vld [tilespmem:s21+$0x9230]  }
0x2a2: {  	v4 =	vadd.f32 v57, v4;
	v59 =	vld [tilespmem:s21+$0x92B0]  }
0x2a3: {  	v60 =	vld [tilespmem:s21+$0x9330]  }
0x2a4: {  	v61 =	vld [tilespmem:s21+$0x93B0];
	[tilespmem:s24+$0x20] =	vst v4  }
0x2a5: {  	v4 =	vld [tilespmem:s22+$0x9030]  }
0x2a6: {  	v62 =	vld [tilespmem:s22+$0x90B0]  }
0x2a7: {  	v63 =	vld [tilespmem:s22+$0x9130]  }
0x2a8: {  	v16 =	vld [tilespmem:s22+$0x91B0];
	v3 =	vadd.f32 v54, v3;
	v7 =	vadd.f32 v56, v55  }
0x2a9: {  	v17 =	vld [tilespmem:s22+$0x9230];
	v6 =	vadd.f32 v59, v58;
	v5 =	vadd.f32 v61, v60  }
0x2aa: {  	v18 =	vld [tilespmem:s22+$0x92B0]  }
0x2ab: {  	v19 =	vld [tilespmem:s22+$0x9330];
	v3 =	vadd.f32 v7, v3;
	v5 =	vadd.f32 v5, v6  }
0x2ac: {  	v20 =	vld [tilespmem:s22+$0x93B0]  }
0x2ad: {  	v3 =	vadd.f32 v5, v3;
	_ =	sdelay $0x1  }
0x2ae: {  	[tilespmem:s23+$0x30] =	vst v3  }
0x2af: {  	v4 =	vadd.f32 v62, v4;
	v21 =	vadd.f32 v16, v63;
	v3 =	vld [tilespmem:s21+$0x9040]  }
0x2b0: {  	v8 =	vadd.f32 v18, v17;
	v6 =	vadd.f32 v20, v19;
	v22 =	vld [tilespmem:s21+$0x90C0]  }
0x2b1: {  	v23 =	vld [tilespmem:s21+$0x9140]  }
0x2b2: {  	v4 =	vadd.f32 v21, v4;
	v25 =	vadd.f32 v6, v8;
	v24 =	vld [tilespmem:s21+$0x91C0]  }
0x2b3: {  	v26 =	vld [tilespmem:s21+$0x9240]  }
0x2b4: {  	v4 =	vadd.f32 v25, v4;
	v27 =	vld [tilespmem:s21+$0x92C0]  }
0x2b5: {  	v28 =	vld [tilespmem:s21+$0x9340]  }
0x2b6: {  	v29 =	vld [tilespmem:s21+$0x93C0];
	[tilespmem:s24+$0x30] =	vst v4  }
0x2b7: {  	v4 =	vld [tilespmem:s22+$0x9040]  }
0x2b8: {  	v30 =	vld [tilespmem:s22+$0x90C0]  }
0x2b9: {  	v31 =	vld [tilespmem:s22+$0x9140]  }
0x2ba: {  	v32 =	vld [tilespmem:s22+$0x91C0];
	v3 =	vadd.f32 v22, v3;
	v7 =	vadd.f32 v24, v23  }
0x2bb: {  	v33 =	vld [tilespmem:s22+$0x9240];
	v6 =	vadd.f32 v27, v26;
	v5 =	vadd.f32 v29, v28  }
0x2bc: {  	v34 =	vld [tilespmem:s22+$0x92C0]  }
0x2bd: {  	v35 =	vld [tilespmem:s22+$0x9340];
	v3 =	vadd.f32 v7, v3;
	v5 =	vadd.f32 v5, v6  }
0x2be: {  	v36 =	vld [tilespmem:s22+$0x93C0]  }
0x2bf: {  	v3 =	vadd.f32 v5, v3;
	_ =	sdelay $0x1  }
0x2c0: {  	[tilespmem:s23+$0x40] =	vst v3  }
0x2c1: {  	v4 =	vadd.f32 v30, v4;
	v37 =	vadd.f32 v32, v31;
	v3 =	vld [tilespmem:s21+$0x9050]  }
0x2c2: {  	v8 =	vadd.f32 v34, v33;
	v6 =	vadd.f32 v36, v35;
	v38 =	vld [tilespmem:s21+$0x90D0]  }
0x2c3: {  	v39 =	vld [tilespmem:s21+$0x9150]  }
0x2c4: {  	v4 =	vadd.f32 v37, v4;
	v41 =	vadd.f32 v6, v8;
	v40 =	vld [tilespmem:s21+$0x91D0]  }
0x2c5: {  	v42 =	vld [tilespmem:s21+$0x9250]  }
0x2c6: {  	v4 =	vadd.f32 v41, v4;
	v43 =	vld [tilespmem:s21+$0x92D0]  }
0x2c7: {  	v44 =	vld [tilespmem:s21+$0x9350]  }
0x2c8: {  	v45 =	vld [tilespmem:s21+$0x93D0];
	[tilespmem:s24+$0x40] =	vst v4  }
0x2c9: {  	v4 =	vld [tilespmem:s22+$0x9050]  }
0x2ca: {  	v46 =	vld [tilespmem:s22+$0x90D0]  }
0x2cb: {  	v47 =	vld [tilespmem:s22+$0x9150]  }
0x2cc: {  	v48 =	vld [tilespmem:s22+$0x91D0];
	v3 =	vadd.f32 v38, v3;
	v7 =	vadd.f32 v40, v39  }
0x2cd: {  	v49 =	vld [tilespmem:s22+$0x9250];
	v6 =	vadd.f32 v43, v42;
	v5 =	vadd.f32 v45, v44  }
0x2ce: {  	v50 =	vld [tilespmem:s22+$0x92D0]  }
0x2cf: {  	v51 =	vld [tilespmem:s22+$0x9350];
	v3 =	vadd.f32 v7, v3;
	v5 =	vadd.f32 v5, v6  }
0x2d0: {  	v52 =	vld [tilespmem:s22+$0x93D0]  }
0x2d1: {  	v3 =	vadd.f32 v5, v3;
	_ =	sdelay $0x1  }
0x2d2: {  	[tilespmem:s23+$0x50] =	vst v3  }
0x2d3: {  	v4 =	vadd.f32 v46, v4;
	v53 =	vadd.f32 v48, v47;
	v3 =	vld [tilespmem:s21+$0x9060]  }
0x2d4: {  	v8 =	vadd.f32 v50, v49;
	v6 =	vadd.f32 v52, v51;
	v54 =	vld [tilespmem:s21+$0x90E0]  }
0x2d5: {  	v55 =	vld [tilespmem:s21+$0x9160]  }
0x2d6: {  	v4 =	vadd.f32 v53, v4;
	v57 =	vadd.f32 v6, v8;
	v56 =	vld [tilespmem:s21+$0x91E0]  }
0x2d7: {  	v58 =	vld [tilespmem:s21+$0x9260]  }
0x2d8: {  	v4 =	vadd.f32 v57, v4;
	v59 =	vld [tilespmem:s21+$0x92E0]  }
0x2d9: {  	v60 =	vld [tilespmem:s21+$0x9360]  }
0x2da: {  	v61 =	vld [tilespmem:s21+$0x93E0];
	[tilespmem:s24+$0x50] =	vst v4  }
0x2db: {  	v4 =	vld [tilespmem:s22+$0x9060]  }
0x2dc: {  	v62 =	vld [tilespmem:s22+$0x90E0]  }
0x2dd: {  	v63 =	vld [tilespmem:s22+$0x9160]  }
0x2de: {  	v16 =	vld [tilespmem:s22+$0x91E0];
	v3 =	vadd.f32 v54, v3;
	v7 =	vadd.f32 v56, v55  }
0x2df: {  	v17 =	vld [tilespmem:s22+$0x9260];
	v6 =	vadd.f32 v59, v58;
	v5 =	vadd.f32 v61, v60  }
0x2e0: {  	v18 =	vld [tilespmem:s22+$0x92E0]  }
0x2e1: {  	v19 =	vld [tilespmem:s22+$0x9360];
	v3 =	vadd.f32 v7, v3;
	v5 =	vadd.f32 v5, v6  }
0x2e2: {  	v20 =	vld [tilespmem:s22+$0x93E0]  }
0x2e3: {  	v3 =	vadd.f32 v5, v3;
	_ =	sdelay $0x1  }
0x2e4: {  	[tilespmem:s23+$0x60] =	vst v3  }
0x2e5: {  	v4 =	vadd.f32 v62, v4;
	v21 =	vadd.f32 v16, v63;
	v3 =	vld [tilespmem:s21+$0x9070]  }
0x2e6: {  	v8 =	vadd.f32 v18, v17;
	v6 =	vadd.f32 v20, v19;
	v22 =	vld [tilespmem:s21+$0x90F0]  }
0x2e7: {  	v23 =	vld [tilespmem:s21+$0x9170]  }
0x2e8: {  	v4 =	vadd.f32 v21, v4;
	v25 =	vadd.f32 v6, v8;
	v24 =	vld [tilespmem:s21+$0x91F0]  }
0x2e9: {  	v26 =	vld [tilespmem:s21+$0x9270]  }
0x2ea: {  	v4 =	vadd.f32 v25, v4;
	v27 =	vld [tilespmem:s21+$0x92F0]  }
0x2eb: {  	v28 =	vld [tilespmem:s21+$0x9370]  }
0x2ec: {  	v29 =	vld [tilespmem:s21+$0x93F0];
	[tilespmem:s24+$0x60] =	vst v4  }
0x2ed: {  	v4 =	vld [tilespmem:s22+$0x9070]  }
0x2ee: {  	v30 =	vld [tilespmem:s22+$0x90F0]  }
0x2ef: {  	v31 =	vld [tilespmem:s22+$0x9170]  }
0x2f0: {  	v32 =	vld [tilespmem:s22+$0x91F0];
	v3 =	vadd.f32 v22, v3;
	v7 =	vadd.f32 v24, v23  }
0x2f1: {  	v33 =	vld [tilespmem:s22+$0x9270];
	v6 =	vadd.f32 v27, v26;
	v5 =	vadd.f32 v29, v28  }
0x2f2: {  	v34 =	vld [tilespmem:s22+$0x92F0]  }
0x2f3: {  	v35 =	vld [tilespmem:s22+$0x9370];
	v3 =	vadd.f32 v7, v3;
	v5 =	vadd.f32 v5, v6  }
0x2f4: {  	v36 =	vld [tilespmem:s22+$0x93F0]  }
0x2f5: {  	v3 =	vadd.f32 v5, v3;
	_ =	sdelay $0x1  }
0x2f6: {  	[tilespmem:s23+$0x70] =	vst v3  }
0x2f7: {  	v4 =	vadd.f32 v30, v4;
	v37 =	vadd.f32 v32, v31;
	v3 =	vld [tilespmem:s21+$0x9400]  }
0x2f8: {  	v8 =	vadd.f32 v34, v33;
	v6 =	vadd.f32 v36, v35;
	v38 =	vld [tilespmem:s21+$0x9480]  }
0x2f9: {  	v39 =	vld [tilespmem:s21+$0x9500]  }
0x2fa: {  	v4 =	vadd.f32 v37, v4;
	v41 =	vadd.f32 v6, v8;
	v40 =	vld [tilespmem:s21+$0x9580]  }
0x2fb: {  	v42 =	vld [tilespmem:s21+$0x9600]  }
0x2fc: {  	v4 =	vadd.f32 v41, v4;
	v43 =	vld [tilespmem:s21+$0x9680]  }
0x2fd: {  	v44 =	vld [tilespmem:s21+$0x9700]  }
0x2fe: {  	v45 =	vld [tilespmem:s21+$0x9780];
	[tilespmem:s24+$0x70] =	vst v4  }
0x2ff: {  	v4 =	vld [tilespmem:s22+$0x9400]  }
0x300: {  	v46 =	vld [tilespmem:s22+$0x9480]  }
0x301: {  	v47 =	vld [tilespmem:s22+$0x9500]  }
0x302: {  	v48 =	vld [tilespmem:s22+$0x9580];
	v3 =	vadd.f32 v38, v3;
	v7 =	vadd.f32 v40, v39  }
0x303: {  	v49 =	vld [tilespmem:s22+$0x9600];
	v6 =	vadd.f32 v43, v42;
	v5 =	vadd.f32 v45, v44  }
0x304: {  	v50 =	vld [tilespmem:s22+$0x9680]  }
0x305: {  	v51 =	vld [tilespmem:s22+$0x9700];
	v3 =	vadd.f32 v7, v3;
	v5 =	vadd.f32 v5, v6  }
0x306: {  	v52 =	vld [tilespmem:s22+$0x9780]  }
0x307: {  	v3 =	vadd.f32 v5, v3;
	_ =	sdelay $0x1  }
0x308: {  	[tilespmem:s23+$0x400] =	vst v3  }
0x309: {  	v4 =	vadd.f32 v46, v4;
	v53 =	vadd.f32 v48, v47;
	v3 =	vld [tilespmem:s21+$0x9410]  }
0x30a: {  	v8 =	vadd.f32 v50, v49;
	v6 =	vadd.f32 v52, v51;
	v54 =	vld [tilespmem:s21+$0x9490]  }
0x30b: {  	v55 =	vld [tilespmem:s21+$0x9510]  }
0x30c: {  	v4 =	vadd.f32 v53, v4;
	v57 =	vadd.f32 v6, v8;
	v56 =	vld [tilespmem:s21+$0x9590]  }
0x30d: {  	v58 =	vld [tilespmem:s21+$0x9610]  }
0x30e: {  	v4 =	vadd.f32 v57, v4;
	v59 =	vld [tilespmem:s21+$0x9690]  }
0x30f: {  	v60 =	vld [tilespmem:s21+$0x9710]  }
0x310: {  	v61 =	vld [tilespmem:s21+$0x9790];
	[tilespmem:s24+$0x400] =	vst v4  }
0x311: {  	v4 =	vld [tilespmem:s22+$0x9410]  }
0x312: {  	v62 =	vld [tilespmem:s22+$0x9490]  }
0x313: {  	v63 =	vld [tilespmem:s22+$0x9510]  }
0x314: {  	v14 =	vld [tilespmem:s22+$0x9590];
	v3 =	vadd.f32 v54, v3;
	v7 =	vadd.f32 v56, v55  }
0x315: {  	v15 =	vld [tilespmem:s22+$0x9610];
	v6 =	vadd.f32 v59, v58;
	v5 =	vadd.f32 v61, v60  }
0x316: {  	v16 =	vld [tilespmem:s22+$0x9690]  }
0x317: {  	v17 =	vld [tilespmem:s22+$0x9710];
	v3 =	vadd.f32 v7, v3;
	v5 =	vadd.f32 v5, v6  }
0x318: {  	v18 =	vld [tilespmem:s22+$0x9790]  }
0x319: {  	v3 =	vadd.f32 v5, v3;
	_ =	sdelay $0x1  }
0x31a: {  	[tilespmem:s23+$0x410] =	vst v3  }
0x31b: {  	v4 =	vadd.f32 v62, v4;
	v19 =	vadd.f32 v14, v63;
	v3 =	vld [tilespmem:s21+$0x9420]  }
0x31c: {  	v8 =	vadd.f32 v16, v15;
	v6 =	vadd.f32 v18, v17;
	v20 =	vld [tilespmem:s21+$0x94A0]  }
0x31d: {  	v21 =	vld [tilespmem:s21+$0x9520]  }
0x31e: {  	v4 =	vadd.f32 v19, v4;
	v23 =	vadd.f32 v6, v8;
	v22 =	vld [tilespmem:s21+$0x95A0]  }
0x31f: {  	v24 =	vld [tilespmem:s21+$0x9620]  }
0x320: {  	v4 =	vadd.f32 v23, v4;
	v25 =	vld [tilespmem:s21+$0x96A0]  }
0x321: {  	v26 =	vld [tilespmem:s21+$0x9720]  }
0x322: {  	v27 =	vld [tilespmem:s21+$0x97A0];
	[tilespmem:s24+$0x410] =	vst v4  }
0x323: {  	v4 =	vld [tilespmem:s22+$0x9420]  }
0x324: {  	v28 =	vld [tilespmem:s22+$0x94A0]  }
0x325: {  	v29 =	vld [tilespmem:s22+$0x9520]  }
0x326: {  	v30 =	vld [tilespmem:s22+$0x95A0];
	v3 =	vadd.f32 v20, v3;
	v7 =	vadd.f32 v22, v21  }
0x327: {  	v31 =	vld [tilespmem:s22+$0x9620];
	v6 =	vadd.f32 v25, v24;
	v5 =	vadd.f32 v27, v26  }
0x328: {  	v32 =	vld [tilespmem:s22+$0x96A0]  }
0x329: {  	v33 =	vld [tilespmem:s22+$0x9720];
	v3 =	vadd.f32 v7, v3;
	v5 =	vadd.f32 v5, v6  }
0x32a: {  	v34 =	vld [tilespmem:s22+$0x97A0]  }
0x32b: {  	v3 =	vadd.f32 v5, v3;
	_ =	sdelay $0x1  }
0x32c: {  	[tilespmem:s23+$0x420] =	vst v3  }
0x32d: {  	v4 =	vadd.f32 v28, v4;
	v35 =	vadd.f32 v30, v29;
	v3 =	vld [tilespmem:s21+$0x9430]  }
0x32e: {  	v8 =	vadd.f32 v32, v31;
	v6 =	vadd.f32 v34, v33;
	v36 =	vld [tilespmem:s21+$0x94B0]  }
0x32f: {  	v37 =	vld [tilespmem:s21+$0x9530]  }
0x330: {  	v4 =	vadd.f32 v35, v4;
	v39 =	vadd.f32 v6, v8;
	v38 =	vld [tilespmem:s21+$0x95B0]  }
0x331: {  	v40 =	vld [tilespmem:s21+$0x9630]  }
0x332: {  	v4 =	vadd.f32 v39, v4;
	v41 =	vld [tilespmem:s21+$0x96B0]  }
0x333: {  	v42 =	vld [tilespmem:s21+$0x9730]  }
0x334: {  	v43 =	vld [tilespmem:s21+$0x97B0];
	[tilespmem:s24+$0x420] =	vst v4  }
0x335: {  	v4 =	vld [tilespmem:s22+$0x9430]  }
0x336: {  	v44 =	vld [tilespmem:s22+$0x94B0]  }
0x337: {  	v45 =	vld [tilespmem:s22+$0x9530]  }
0x338: {  	v46 =	vld [tilespmem:s22+$0x95B0];
	v3 =	vadd.f32 v36, v3;
	v7 =	vadd.f32 v38, v37  }
0x339: {  	v47 =	vld [tilespmem:s22+$0x9630];
	v6 =	vadd.f32 v41, v40;
	v5 =	vadd.f32 v43, v42  }
0x33a: {  	v48 =	vld [tilespmem:s22+$0x96B0]  }
0x33b: {  	v49 =	vld [tilespmem:s22+$0x9730];
	v3 =	vadd.f32 v7, v3;
	v5 =	vadd.f32 v5, v6  }
0x33c: {  	v50 =	vld [tilespmem:s22+$0x97B0]  }
0x33d: {  	v3 =	vadd.f32 v5, v3;
	_ =	sdelay $0x1  }
0x33e: {  	[tilespmem:s23+$0x430] =	vst v3  }
0x33f: {  	v4 =	vadd.f32 v44, v4;
	v51 =	vadd.f32 v46, v45;
	v3 =	vld [tilespmem:s21+$0x9440]  }
0x340: {  	v8 =	vadd.f32 v48, v47;
	v6 =	vadd.f32 v50, v49;
	v52 =	vld [tilespmem:s21+$0x94C0]  }
0x341: {  	v53 =	vld [tilespmem:s21+$0x9540]  }
0x342: {  	v4 =	vadd.f32 v51, v4;
	v55 =	vadd.f32 v6, v8;
	v54 =	vld [tilespmem:s21+$0x95C0]  }
0x343: {  	v56 =	vld [tilespmem:s21+$0x9640]  }
0x344: {  	v4 =	vadd.f32 v55, v4;
	v57 =	vld [tilespmem:s21+$0x96C0]  }
0x345: {  	v58 =	vld [tilespmem:s21+$0x9740]  }
0x346: {  	v59 =	vld [tilespmem:s21+$0x97C0];
	[tilespmem:s24+$0x430] =	vst v4  }
0x347: {  	v4 =	vld [tilespmem:s22+$0x9440]  }
0x348: {  	v60 =	vld [tilespmem:s22+$0x94C0]  }
0x349: {  	v61 =	vld [tilespmem:s22+$0x9540]  }
0x34a: {  	v62 =	vld [tilespmem:s22+$0x95C0];
	v3 =	vadd.f32 v52, v3;
	v7 =	vadd.f32 v54, v53  }
0x34b: {  	v63 =	vld [tilespmem:s22+$0x9640];
	v6 =	vadd.f32 v57, v56;
	v5 =	vadd.f32 v59, v58  }
0x34c: {  	v14 =	vld [tilespmem:s22+$0x96C0]  }
0x34d: {  	v15 =	vld [tilespmem:s22+$0x9740];
	v3 =	vadd.f32 v7, v3;
	v5 =	vadd.f32 v5, v6  }
0x34e: {  	v16 =	vld [tilespmem:s22+$0x97C0]  }
0x34f: {  	v3 =	vadd.f32 v5, v3;
	_ =	sdelay $0x1  }
0x350: {  	[tilespmem:s23+$0x440] =	vst v3  }
0x351: {  	v4 =	vadd.f32 v60, v4;
	v17 =	vadd.f32 v62, v61;
	v3 =	vld [tilespmem:s21+$0x9450]  }
0x352: {  	v8 =	vadd.f32 v14, v63;
	v6 =	vadd.f32 v16, v15;
	v18 =	vld [tilespmem:s21+$0x94D0]  }
0x353: {  	v19 =	vld [tilespmem:s21+$0x9550]  }
0x354: {  	v4 =	vadd.f32 v17, v4;
	v21 =	vadd.f32 v6, v8;
	v20 =	vld [tilespmem:s21+$0x95D0]  }
0x355: {  	v22 =	vld [tilespmem:s21+$0x9650]  }
0x356: {  	v4 =	vadd.f32 v21, v4;
	v23 =	vld [tilespmem:s21+$0x96D0]  }
0x357: {  	v24 =	vld [tilespmem:s21+$0x9750]  }
0x358: {  	v25 =	vld [tilespmem:s21+$0x97D0];
	[tilespmem:s24+$0x440] =	vst v4  }
0x359: {  	v4 =	vld [tilespmem:s22+$0x9450]  }
0x35a: {  	v26 =	vld [tilespmem:s22+$0x94D0]  }
0x35b: {  	v27 =	vld [tilespmem:s22+$0x9550]  }
0x35c: {  	v28 =	vld [tilespmem:s22+$0x95D0];
	v3 =	vadd.f32 v18, v3;
	v7 =	vadd.f32 v20, v19  }
0x35d: {  	v29 =	vld [tilespmem:s22+$0x9650];
	v6 =	vadd.f32 v23, v22;
	v5 =	vadd.f32 v25, v24  }
0x35e: {  	v30 =	vld [tilespmem:s22+$0x96D0]  }
0x35f: {  	v31 =	vld [tilespmem:s22+$0x9750];
	v3 =	vadd.f32 v7, v3;
	v5 =	vadd.f32 v5, v6  }
0x360: {  	v32 =	vld [tilespmem:s22+$0x97D0]  }
0x361: {  	v3 =	vadd.f32 v5, v3;
	_ =	sdelay $0x1  }
0x362: {  	[tilespmem:s23+$0x450] =	vst v3  }
0x363: {  	v4 =	vadd.f32 v26, v4;
	v33 =	vadd.f32 v28, v27;
	v3 =	vld [tilespmem:s21+$0x9460]  }
0x364: {  	v8 =	vadd.f32 v30, v29;
	v6 =	vadd.f32 v32, v31;
	v34 =	vld [tilespmem:s21+$0x94E0]  }
0x365: {  	v35 =	vld [tilespmem:s21+$0x9560]  }
0x366: {  	v4 =	vadd.f32 v33, v4;
	v37 =	vadd.f32 v6, v8;
	v36 =	vld [tilespmem:s21+$0x95E0]  }
0x367: {  	v38 =	vld [tilespmem:s21+$0x9660]  }
0x368: {  	v4 =	vadd.f32 v37, v4;
	v39 =	vld [tilespmem:s21+$0x96E0]  }
0x369: {  	v40 =	vld [tilespmem:s21+$0x9760]  }
0x36a: {  	v41 =	vld [tilespmem:s21+$0x97E0];
	[tilespmem:s24+$0x450] =	vst v4  }
0x36b: {  	v4 =	vld [tilespmem:s22+$0x9460]  }
0x36c: {  	v42 =	vld [tilespmem:s22+$0x94E0]  }
0x36d: {  	v43 =	vld [tilespmem:s22+$0x9560]  }
0x36e: {  	v44 =	vld [tilespmem:s22+$0x95E0];
	v3 =	vadd.f32 v34, v3;
	v7 =	vadd.f32 v36, v35  }
0x36f: {  	v45 =	vld [tilespmem:s22+$0x9660];
	v6 =	vadd.f32 v39, v38;
	v5 =	vadd.f32 v41, v40  }
0x370: {  	v46 =	vld [tilespmem:s22+$0x96E0]  }
0x371: {  	v47 =	vld [tilespmem:s22+$0x9760];
	v3 =	vadd.f32 v7, v3;
	v5 =	vadd.f32 v5, v6  }
0x372: {  	v48 =	vld [tilespmem:s22+$0x97E0]  }
0x373: {  	v3 =	vadd.f32 v5, v3;
	_ =	sdelay $0x1  }
0x374: {  	[tilespmem:s23+$0x460] =	vst v3  }
0x375: {  	v4 =	vadd.f32 v42, v4;
	v49 =	vadd.f32 v44, v43;
	v3 =	vld [tilespmem:s21+$0x9470]  }
0x376: {  	v8 =	vadd.f32 v46, v45;
	v6 =	vadd.f32 v48, v47;
	v50 =	vld [tilespmem:s21+$0x94F0]  }
0x377: {  	v51 =	vld [tilespmem:s21+$0x9570]  }
0x378: {  	v4 =	vadd.f32 v49, v4;
	v53 =	vadd.f32 v6, v8;
	v52 =	vld [tilespmem:s21+$0x95F0]  }
0x379: {  	v54 =	vld [tilespmem:s21+$0x9670]  }
0x37a: {  	v4 =	vadd.f32 v53, v4;
	v55 =	vld [tilespmem:s21+$0x96F0]  }
0x37b: {  	v56 =	vld [tilespmem:s21+$0x9770]  }
0x37c: {  	v57 =	vld [tilespmem:s21+$0x97F0];
	[tilespmem:s24+$0x460] =	vst v4  }
0x37d: {  	v4 =	vld [tilespmem:s22+$0x9470]  }
0x37e: {  	v58 =	vld [tilespmem:s22+$0x94F0]  }
0x37f: {  	v59 =	vld [tilespmem:s22+$0x9570]  }
0x380: {  	v14 =	vld [tilespmem:s22+$0x95F0]  }
0x381: {  	v15 =	vld [tilespmem:s22+$0x9670]  }
0x382: {  	v16 =	vld [tilespmem:s22+$0x96F0]  }
0x383: {  	v17 =	vld [tilespmem:s22+$0x9770]  }
0x384: {  	v18 =	vld [tilespmem:s22+$0x97F0];
	_ =	sdelay $0x1  }
0x385: {  	v3 =	vadd.f32 v50, v3;
	v7 =	vadd.f32 v52, v51  }
0x386: {  	v6 =	vadd.f32 v55, v54;
	v5 =	vadd.f32 v57, v56  }
0x387: {  	v4 =	vadd.f32 v58, v4;
	v60 =	vadd.f32 v14, v59  }
0x388: {  	v61 =	vadd.f32 v16, v15;
	v62 =	vadd.f32 v18, v17  }
0x389: {  	p0 =	slt.u32 s20, $0xE;
	v3 =	vadd.f32 v7, v3;
	v5 =	vadd.f32 v5, v6  }
.Ltmp4:
0x38a: {  	v4 =	vadd.f32 v60, v4;
	v63 =	vadd.f32 v62, v61;
	(pc) =	sbr.rel @p0 .LBB2_9-.Ltmp4, $4  }
0x38b: {  	v3 =	vadd.f32 v5, v3  }
0x38c: {  	v4 =	vadd.f32 v63, v4  }
0x38d: {  	s29 =	sadd.s32 $0x2, s20;
	[tilespmem:s23+$0x470] =	vst v3  }
0x38e: {  	s20 =	smov.u32 s29;
	[tilespmem:s24+$0x470] =	vst v4  }
0x38f: {  	s18 =	sadd.s32 $0x1, s18  }
0x390: {  	p0 =	sne.s32 s18, $0x10  }
.Ltmp5:
0x391: {  	_ = 	snop;
	(pc) =	sbr.rel @p0 .LBB2_2-.Ltmp5, $3  }
0x392: {  	_ =	sdelay $0x1  }
0x393: {  	s19 =	sadd.s32 s19, s6  }
0x394: {  	[hbm4b:s19+s3] =	stream.linear.scatter [tilespmem:s17], [sflag:$0x4], $0x1000, $0x38;
	[tilespmem:$0x13000] =	vst v63  }
0x395: {  	s18 =	simm.s32 $0x3  }
0x396: {  	_ =	swait.ge [sflag:s18], $0x1000  }
0x397: {  	[sflag:s18] =	ssyncset.done $0x0  }
0x398: {  	[sflag:s18] =	ssyncadd.s32 $0xFFFFF000  }
0x399: {  	_ =	swait.ge [sflag:s16], $0x1000  }
0x39a: {  	s19 =	rddreg [dreg:$0x7]  }
0x39b: {  	s29 =	rddreg [dreg:$0x6];
	s19 =	sadd.s32 $0x1, s19  }
0x39c: {  	p0 =	sne.s32 s19, s29  }
.Ltmp6:
0x39d: {  	_ = 	snop;
	(pc) =	sbr.rel @p0 .LBB2_1-.Ltmp6, $3  }
0x39e: {  	_ =	sdelay $0x1  }
0x39f: {  	[sflag:s16] =	ssyncset.done $0x0  }
0x3a0: {  	[sflag:s16] =	ssyncadd.s32 $0xFFFFF000  }
0x3a1: {  	_ =	sfence.sel $0x180000  }
0x3a2: {  	[bflag:$0x0] =	sbarrier.arrive $0xFFFF  }
0x3a3: {  	_ =	strace $0x90000047  }
0x3a4: {  	s0 =	stileid.u32;
	[bflag:$0x2] =	sbarrier.arrive $0xFFFF  }
0x3a5: {  	p0 =	sne.s32 s0, $0x0;
	s0 =	rddreg [dreg:$0x3]  }
0x3a6: {  	s0 =	sadd.s32 @!p0 $0x100000, s0  }
0x3a7: {  	[sflag:s0] =	ssyncadd.tile.s32 @!p0 $0x1;
	_ =	shalt  }
.Lfunc_end2:
_tile_overlayer_lowered:
.L_overlay_start_2:
0x3a8: {  	(tag) =	ssettag $0x2  }
0x3a9: {  	s0 =	rddreg [dreg:$0x0];
	s2 =	stileid.u32  }
0x3aa: {  	s1 =	rddreg [dreg:$0x1];
	p0 =	sne.s32 s2, $0x0  }
0x3ab: {  	s3 =	rddreg [dreg:$0x2];
	[bflag:$0x3] =	sbarrier.arrive $0xFFFF;
	s2 =	simm.s32 @!p0 $0x1C05  }
0x3ac: {  	[timem:s3], [sflag:s2] =	dma.local @!p0 [hbm:s0], s1  }
0x3ad: {  	s0 =	simm.s32 @!p0 $0x5  }
0x3ae: {  	_ =	swait.ge @!p0 [sflag:s0], s1  }
0x3af: {  	s1 =	ssub.s32 @!p0 $0x0, s1;
	[sflag:s0] =	ssyncset.done @!p0 $0x0  }
0x3b0: {  	[sflag:s0] =	ssyncadd.s32 @!p0 s1  }
0x3b1: {  	[bflag:$0x3] =	sbarrier.arrive $0xFFFF  }
0x3b2: {  	_ =	shalt  }

</sc_bundles>
